<compile_context>
chip_gen: v7x
topology: tpu7x:2x2x1
jax: 0.10.2.dev20260603
libtpu: 0.0.44.dev20260713+nightly
codegen_flags: <defaults>
</compile_context>

<pallas_src>
import functools

import jax
import jax.numpy as jnp
from jax import lax
from jax.experimental import pallas as pl
from jax.experimental.pallas import tpu as pltpu
from jax.experimental.pallas import tpu_sc as plsc

NC = 2
NS = 16
NW = NC * NS
K = 125
KP = 64
NP = 10240
RPT = NP // NS
RB = 1024



def _sc_deg_perm(A, perm1, dsta2, dstb2, ones1, zeros1):
    d = A.shape[1]
    cpt = dsta2.shape[0] // NW
    pch = perm1.shape[0] // KP

    mesh = plsc.VectorSubcoreMesh(core_axis_name="c", subcore_axis_name="s")

    @functools.partial(
        pl.kernel,
        mesh=mesh,
        out_type=[
            jax.ShapeDtypeStruct((NP, d), jnp.float32),
            jax.ShapeDtypeStruct((NC, NP), jnp.float32),
            jax.ShapeDtypeStruct((NC, NP), jnp.float32),
        ],
        scratch_types=[
            pltpu.VMEM((cpt, K), jnp.int32),
            pltpu.VMEM((cpt, K), jnp.int32),
            pltpu.VMEM((KP,), jnp.int32),
            pltpu.VMEM((KP, d), jnp.float32),
            pltpu.VMEM((K,), jnp.float32),
            pltpu.VMEM_SHARED((NP,), jnp.float32),
            pltpu.VMEM_SHARED((NP,), jnp.float32),
        ],
    )
    def body(a_hbm, perm_hbm, da_hbm, db_hbm, ones_hbm, z_hbm,
             aperm_hbm, dap_hbm, dbp_hbm,
             ia, ib, pidx, rows, ones, acc_a, acc_b):
        cid = lax.axis_index("c")
        sid = lax.axis_index("s")
        wid = sid * NC + cid

        pltpu.sync_copy(da_hbm.at[pl.ds(wid * cpt, cpt)], ia)
        pltpu.sync_copy(db_hbm.at[pl.ds(wid * cpt, cpt)], ib)
        pltpu.sync_copy(ones_hbm, ones)
        pltpu.sync_copy(z_hbm, acc_a.at[pl.ds(sid * RPT, RPT)])
        pltpu.sync_copy(z_hbm, acc_b.at[pl.ds(sid * RPT, RPT)])
        plsc.subcore_barrier()

        def deg_chunk(j, _):
            pltpu.sync_copy(ones, acc_a.at[ia.at[j]], add=True)
            pltpu.sync_copy(ones, acc_b.at[ib.at[j]], add=True)
            return 0
        lax.fori_loop(0, cpt, deg_chunk, 0)

        nloop = (pch + NW - 1) // NW

        def perm_chunk(j, _):
            c = wid + j * NW

            @pl.when(c < pch)
            def _():
                pltpu.sync_copy(perm_hbm.at[pl.ds(c * KP, KP)], pidx)
                pltpu.sync_copy(a_hbm.at[pidx], rows)
                pltpu.sync_copy(rows, aperm_hbm.at[pl.ds(c * KP, KP)])
            return 0
        lax.fori_loop(0, nloop, perm_chunk, 0)

        plsc.subcore_barrier()
        pltpu.sync_copy(acc_a.at[pl.ds(sid * RPT, RPT)],
                        dap_hbm.at[cid, pl.ds(sid * RPT, RPT)])
        pltpu.sync_copy(acc_b.at[pl.ds(sid * RPT, RPT)],
                        dbp_hbm.at[cid, pl.ds(sid * RPT, RPT)])

    return body(A, perm1, dsta2, dstb2, ones1, zeros1)



def _sc_segment(tables, which, srca2, dsta2, srcb2, dstb2, zrows,
                perm1=None, gsrc=None):
    d = tables[0].shape[1]
    cpt = dsta2.shape[0] // NW
    nt = len(tables)
    do_perm = perm1 is not None
    pch = perm1.shape[0] // KP if do_perm else 0

    mesh = plsc.VectorSubcoreMesh(core_axis_name="c", subcore_axis_name="s")

    out_type = [jax.ShapeDtypeStruct((NC, NP, d), jnp.float32)
                for _ in range(nt)]
    if do_perm:
        out_type.append(jax.ShapeDtypeStruct((NP, d), jnp.float32))

    scratch = [
        pltpu.VMEM((cpt, K), jnp.int32),
        pltpu.VMEM((cpt, K), jnp.int32),
        pltpu.VMEM((KP,), jnp.int32),
        pltpu.VMEM((KP, d), jnp.float32),
        pltpu.VMEM((K, d), jnp.float32),
        pltpu.VMEM_SHARED((NP, d), jnp.float32),
    ]

    @functools.partial(pl.kernel, mesh=mesh, out_type=out_type,
                       scratch_types=scratch)
    def body(*refs):
        y_hbm = refs[:nt]
        src_hbm = {0: refs[nt], 1: refs[nt + 2]}
        dst_hbm = {0: refs[nt + 1], 1: refs[nt + 3]}
        z_hbm = refs[nt + 4]
        pos = nt + 5
        if do_perm:
            gsrc_hbm = refs[pos]
            perm_hbm = refs[pos + 1]
            pos += 2
        outs = refs[pos:pos + nt]
        pos += nt
        if do_perm:
            gout_hbm = refs[pos]
            pos += 1
        i_s, i_d, pidx, prows, rows, acc = refs[pos:pos + 6]

        cid = lax.axis_index("c")
        sid = lax.axis_index("s")
        wid = sid * NC + cid

        if do_perm:
            nloop = (pch + NW - 1) // NW

            def perm_chunk(j, _):
                c = wid + j * NW

                @pl.when(c < pch)
                def _():
                    pltpu.sync_copy(perm_hbm.at[pl.ds(c * KP, KP)], pidx)
                    pltpu.sync_copy(gsrc_hbm.at[pidx], prows)
                    pltpu.sync_copy(prows, gout_hbm.at[pl.ds(c * KP, KP)])
                return 0
            lax.fori_loop(0, nloop, perm_chunk, 0)

        staged = None
        for t in range(nt):
            w = which[t]
            if staged != w:
                pltpu.sync_copy(src_hbm[w].at[pl.ds(wid * cpt, cpt)], i_s)
                pltpu.sync_copy(dst_hbm[w].at[pl.ds(wid * cpt, cpt)], i_d)
                staged = w
            pltpu.sync_copy(z_hbm, acc.at[pl.ds(sid * RPT, RPT)])
            plsc.subcore_barrier()

            y = y_hbm[t]

            def chunk(j, _):
                pltpu.sync_copy(y.at[i_s.at[j]], rows)
                pltpu.sync_copy(rows, acc.at[i_d.at[j]], add=True)
                return 0
            lax.fori_loop(0, cpt, chunk, 0)

            plsc.subcore_barrier()
            pltpu.sync_copy(acc.at[pl.ds(sid * RPT, RPT)],
                            outs[t].at[cid, pl.ds(sid * RPT, RPT)])

    args = list(tables) + [srca2, dsta2, srcb2, dstb2, zrows]
    if do_perm:
        args += [gsrc, perm1]
    return body(*args)



def _t_matmul(x, w):
    n, d = x.shape
    f = w.shape[1]

    def body(x_ref, w_ref, o_ref):
        o_ref[...] = jnp.dot(x_ref[...], w_ref[...],
                             preferred_element_type=jnp.float32)

    return pl.pallas_call(
        body,
        grid=(n // RB,),
        in_specs=[pl.BlockSpec((RB, d), lambda i: (i, 0)),
                  pl.BlockSpec((d, f), lambda i: (0, 0))],
        out_specs=pl.BlockSpec((RB, f), lambda i: (i, 0)),
        out_shape=jax.ShapeDtypeStruct((n, f), jnp.float32),
    )(x, w)


def _deg_from(p_ref):
    return p_ref[0, :] + p_ref[1, :] + 1.0


def _t_build_tables(A, Aperm, dap, dbp, lam_arr):
    n, d = A.shape

    def body(a_ref, ap_ref, da_ref, db_ref, lam_ref,
             y1_ref, y2_ref, y3_ref):
        lam = lam_ref[0, 0]
        dinv_a = lax.rsqrt(_deg_from(da_ref))[:, None]
        dinv_b = lax.rsqrt(_deg_from(db_ref))[:, None]
        a = a_ref[...]
        m = lam * a + (1.0 - lam) * ap_ref[...]
        y1_ref[...] = m * dinv_a
        y2_ref[...] = m * dinv_b
        y3_ref[...] = a * dinv_a

    bs = pl.BlockSpec((RB, d), lambda i: (i, 0))
    ds_ = pl.BlockSpec((NC, RB), lambda i: (0, i))
    return pl.pallas_call(
        body,
        grid=(n // RB,),
        in_specs=[bs, bs, ds_, ds_,
                  pl.BlockSpec(memory_space=pltpu.SMEM)],
        out_specs=[bs, bs, bs],
        out_shape=[jax.ShapeDtypeStruct((n, d), jnp.float32)] * 3,
    )(A, Aperm, dap, dbp, lam_arr)


def _t_mid(s1p, s2p, s3p, A, Aperm, dap, dbp, b0, W1, lam_arr):
    n, d = A.shape
    h = W1.shape[1]

    def body(s1_ref, s2_ref, s3_ref, a_ref, ap_ref, da_ref, db_ref,
             b0_ref, w1_ref, lam_ref, p_ref, y4_ref, y5_ref):
        lam = lam_ref[0, 0]
        deg_a = _deg_from(da_ref)
        deg_b = _deg_from(db_ref)
        dinv_a = lax.rsqrt(deg_a)[:, None]
        dinv_b = lax.rsqrt(deg_b)[:, None]
        ideg_a = (1.0 / deg_a)[:, None]
        ideg_b = (1.0 / deg_b)[:, None]
        a = a_ref[...]
        b0v = b0_ref[0, :][None, :]
        s1 = s1_ref[0] + s1_ref[1]
        s2 = s2_ref[0] + s2_ref[1]
        s3 = s3_ref[0] + s3_ref[1]
        hh = jnp.maximum(dinv_a * s1 + a * ideg_a + b0v, 0.0)
        hb = jnp.maximum(dinv_b * s2 + ap_ref[...] * ideg_b + b0v, 0.0)
        xn = jnp.maximum(dinv_a * s3 + a * ideg_a + b0v, 0.0)
        w1 = w1_ref[...]
        p = jnp.dot(xn, w1, preferred_element_type=jnp.float32)
        q = jnp.dot(lam * hh + (1.0 - lam) * hb, w1,
                    preferred_element_type=jnp.float32)
        p_ref[...] = p
        y4_ref[...] = q * dinv_a
        y5_ref[...] = q * dinv_b

    bs = pl.BlockSpec((RB, d), lambda i: (i, 0))
    ps = pl.BlockSpec((NC, RB, d), lambda i: (0, i, 0))
    ds_ = pl.BlockSpec((NC, RB), lambda i: (0, i))
    return pl.pallas_call(
        body,
        grid=(n // RB,),
        in_specs=[ps, ps, ps, bs, bs, ds_, ds_,
                  pl.BlockSpec((1, d), lambda i: (0, 0)),
                  pl.BlockSpec((d, h), lambda i: (0, 0)),
                  pl.BlockSpec(memory_space=pltpu.SMEM)],
        out_specs=[bs, bs, bs],
        out_shape=[jax.ShapeDtypeStruct((n, h), jnp.float32)] * 3,
    )(s1p, s2p, s3p, A, Aperm, dap, dbp, b0, W1, lam_arr)


def _t_final(s4p, s5p, P, Pperm, dap, dbp, b1, Wlin, blin, lam_arr):
    n, h = P.shape
    c = Wlin.shape[1]

    def body(s4_ref, s5_ref, p_ref, pp_ref, da_ref, db_ref,
             b1_ref, wl_ref, bl_ref, lam_ref, o_ref):
        lam = lam_ref[0, 0]
        deg_a = _deg_from(da_ref)
        deg_b = _deg_from(db_ref)
        dinv_a = lax.rsqrt(deg_a)[:, None]
        dinv_b = lax.rsqrt(deg_b)[:, None]
        ideg_a = (1.0 / deg_a)[:, None]
        ideg_b = (1.0 / deg_b)[:, None]
        b1v = b1_ref[0, :][None, :]
        s4 = s4_ref[0] + s4_ref[1]
        s5 = s5_ref[0] + s5_ref[1]
        xf = jnp.maximum(dinv_a * s4 + p_ref[...] * ideg_a + b1v, 0.0)
        xfb = jnp.maximum(dinv_b * s5 + pp_ref[...] * ideg_b + b1v, 0.0)
        xo = lam * xf + (1.0 - lam) * xfb
        logits = jnp.dot(xo, wl_ref[...],
                         preferred_element_type=jnp.float32) + bl_ref[0, :][None, :]
        zmax = jnp.max(logits, axis=-1, keepdims=True)
        z = logits - zmax
        lse = jnp.log(jnp.sum(jnp.exp(z), axis=-1, keepdims=True))
        o_ref[...] = z - lse

    bs = pl.BlockSpec((RB, h), lambda i: (i, 0))
    ps = pl.BlockSpec((NC, RB, h), lambda i: (0, i, 0))
    ds_ = pl.BlockSpec((NC, RB), lambda i: (0, i))
    return pl.pallas_call(
        body,
        grid=(n // RB,),
        in_specs=[ps, ps, bs, bs, ds_, ds_,
                  pl.BlockSpec((1, h), lambda i: (0, 0)),
                  pl.BlockSpec((h, c), lambda i: (0, 0)),
                  pl.BlockSpec((1, c), lambda i: (0, 0)),
                  pl.BlockSpec(memory_space=pltpu.SMEM)],
        out_specs=pl.BlockSpec((RB, c), lambda i: (i, 0)),
        out_shape=jax.ShapeDtypeStruct((n, c), jnp.float32),
    )(s4p, s5p, P, Pperm, dap, dbp, b1, Wlin, blin, lam_arr)



def kernel(x, edge_index, edge_index_b, lam, id_new_value_old,
           W0, b0, W1, b1, Wlin, blin):
    n, d = x.shape
    e = edge_index.shape[1]
    assert e % (NW * K) == 0 and n < NP and NP % KP == 0

    lam_arr = jnp.reshape(jnp.asarray(lam, jnp.float32), (1, 1))
    srca2 = edge_index[0].reshape(e // K, K)
    dsta2 = edge_index[1].reshape(e // K, K)
    srcb2 = edge_index_b[0].reshape(e // K, K)
    dstb2 = edge_index_b[1].reshape(e // K, K)
    perm1 = jnp.pad(id_new_value_old, (0, NP - n))
    xp = jnp.pad(x, ((0, NP - n), (0, 0)))
    b0r = b0.reshape(1, -1)
    b1r = b1.reshape(1, -1)
    blinr = blin.reshape(1, -1)
    ones1 = jnp.ones((K,), jnp.float32)
    zeros1 = jnp.zeros((RPT,), jnp.float32)
    zrows = jnp.zeros((RPT, x.shape[1]), jnp.float32)

    A = _t_matmul(xp, W0)
    Aperm, dap, dbp = _sc_deg_perm(A, perm1, dsta2, dstb2, ones1, zeros1)
    y1, y2, y3 = _t_build_tables(A, Aperm, dap, dbp, lam_arr)
    s1p, s3p, s2p = _sc_segment([y1, y3, y2], [0, 0, 1],
                                srca2, dsta2, srcb2, dstb2, zrows)
    P, y4, y5 = _t_mid(s1p, s2p, s3p, A, Aperm, dap, dbp, b0r, W1, lam_arr)
    s4p, s5p, Pperm = _sc_segment([y4, y5], [0, 1],
                                  srca2, dsta2, srcb2, dstb2, zrows,
                                  perm1=perm1, gsrc=P)
    out = _t_final(s4p, s5p, P, Pperm, dap, dbp, b1r, Wlin, blinr, lam_arr)
    return out[:n]

# --- scband reference (transcript-rebuilt; emitter-appended) ---
"""Pipeline reference for scband-node-mixup-65893388255597 (READ-ONLY COPY).

The authoritative reference and input builder live on the scoring server;
editing this copy changes nothing except your own understanding.
"""

import jax, jax.numpy as jnp
import numpy as np

N = 10000
E = 320000
D = 128
H = 128
C = 64


def _mixup_gcn_conv(x, x_mix, edge_index, W, b):
    # GCN-style symmetric normalization with self-loops, where edge messages
    # come from x_mix (mixed features) and the self-loop contribution comes
    # from x itself (MixupConv semantics).
    src = edge_index[0]
    dst = edge_index[1]
    n = x.shape[0]
    deg = jnp.zeros((n,), dtype=jnp.float32).at[dst].add(1.0) + 1.0  # +1 self-loop
    dinv_sqrt = jax.lax.rsqrt(deg)
    norm = dinv_sqrt[src] * dinv_sqrt[dst]
    xw = x @ W
    xmw = x_mix @ W
    msgs = xmw[src] * norm[:, None]
    out = jnp.zeros_like(xw).at[dst].add(msgs)
    out = out + xw * (dinv_sqrt * dinv_sqrt)[:, None]  # self-loop norm = 1/deg
    return out + b


def setup_inputs(seed: int = 0) -> dict:
    key = jax.random.key(seed)
    ks = jax.random.split(key, 10)
    x = jax.random.normal(ks[0], (N, D), dtype=jnp.float32)
    edge_index = jax.random.randint(ks[1], (2, E), 0, N, dtype=jnp.int32)
    edge_index_b = jax.random.randint(ks[2], (2, E), 0, N, dtype=jnp.int32)
    id_new_value_old = jax.random.permutation(ks[3], N).astype(jnp.int32)
    lam = 0.7
    W0 = jax.random.normal(ks[4], (D, H), dtype=jnp.float32) * (1.0 / np.sqrt(D))
    b0 = jnp.zeros((H,), dtype=jnp.float32)
    W1 = jax.random.normal(ks[5], (H, H), dtype=jnp.float32) * (1.0 / np.sqrt(H))
    b1 = jnp.zeros((H,), dtype=jnp.float32)
    Wlin = jax.random.normal(ks[6], (H, C), dtype=jnp.float32) * (1.0 / np.sqrt(H))
    blin = jnp.zeros((C,), dtype=jnp.float32)
    return {"x": x, "edge_index": edge_index, "edge_index_b": edge_index_b,
            "lam": lam, "id_new_value_old": id_new_value_old,
            "W0": W0, "b0": b0, "W1": W1, "b1": b1, "Wlin": Wlin, "blin": blin}


def reference(x, edge_index, edge_index_b, lam, id_new_value_old, W0, b0, W1, b1, Wlin, blin):
    x0 = x
    x0_b = x0[id_new_value_old]
    x_mix = x0 * lam + x0_b * (1.0 - lam)
    # hidden layers (num_layers - 1 = 1 iteration, dropout p=0)
    h = jax.nn.relu(_mixup_gcn_conv(x0, x_mix, edge_index, W0, b0))
    h_b = jax.nn.relu(_mixup_gcn_conv(x0_b, x_mix, edge_index_b, W0, b0))
    x_mix = h * lam + h_b * (1.0 - lam)
    x0 = jax.nn.relu(_mixup_gcn_conv(x0, x0, edge_index, W0, b0))
    x0_b = x0[id_new_value_old]
    # final conv layer
    xf = jax.nn.relu(_mixup_gcn_conv(x0, x_mix, edge_index, W1, b1))
    xf_b = jax.nn.relu(_mixup_gcn_conv(x0_b, x_mix, edge_index_b, W1, b1))
    x_out = xf * lam + xf_b * (1.0 - lam)
    logits = x_out @ Wlin + blin
    return jax.nn.log_softmax(logits, axis=-1)

if __name__ == "__main__":
    import jax
    _d = setup_inputs()
    print(jax.jit(kernel)(*tuple(_d.values())))

</pallas_src>

<mosaic_0001>
#map = affine_map<(d0, d1) -> (0, 0)>
#map1 = affine_map<(d0, d1) -> (0)>
module attributes {stable_mosaic.version = 14 : i64} {
  func.func @body(%arg0: i32, %arg1: i32, %arg2: memref<10240x128xf32, #tpu.memory_space<hbm>>, %arg3: memref<10240xi32, #tpu.memory_space<hbm>>, %arg4: memref<2560x125xi32, #tpu.memory_space<hbm>>, %arg5: memref<2560x125xi32, #tpu.memory_space<hbm>>, %arg6: memref<125xf32, #tpu.memory_space<hbm>>, %arg7: memref<640xf32, #tpu.memory_space<hbm>>, %arg8: memref<10240x128xf32, #tpu.memory_space<hbm>>, %arg9: memref<2x10240xf32, #tpu.memory_space<hbm>>, %arg10: memref<2x10240xf32, #tpu.memory_space<hbm>>, %arg11: memref<80x125xi32, #tpu.memory_space<vmem>>, %arg12: memref<80x125xi32, #tpu.memory_space<vmem>>, %arg13: memref<64xi32, #tpu.memory_space<vmem>>, %arg14: memref<64x128xf32, #tpu.memory_space<vmem>>, %arg15: memref<125xf32, #tpu.memory_space<vmem>>, %arg16: memref<10240xf32, #tpu.memory_space<vmem_shared>>, %arg17: memref<10240xf32, #tpu.memory_space<vmem_shared>>) attributes {dimension_semantics = [#tpu.dimension_semantics<core_parallel>, #tpu.dimension_semantics<subcore_parallel>], iteration_bounds = array<i64: 2, 16>, scalar_prefetch = 0 : i64, scratch_operands = 7 : i64, tpu.core_type = #tpu.core_type<sc_vector_subcore>, window_params = [{transform_indices = #map}, {transform_indices = #map1}, {transform_indices = #map}, {transform_indices = #map}, {transform_indices = #map1}, {transform_indices = #map1}, {transform_indices = #map}, {transform_indices = #map}, {transform_indices = #map}]} {
    %mul3A = arith.constant 2 : i32
    %mul3A_0 = arith.muli %arg1, %mul3A : i32
    %add3A = arith.addi %mul3A_0, %arg0 : i32
    %mul3A_1 = arith.constant 80 : i32
    %mul3A_2 = arith.muli %add3A, %mul3A_1 : i32
    "tpu.region"() ({
      %run_scoped3A = tpu.sem_alloc : memref<!tpu.dma_semaphore, #tpu.memory_space<semaphore_mem>>
      %dma_start3A = arith.constant 0 : i32
      %dma_start3A_31 = tpu.memref_slice %arg4[%mul3A_2, %dma_start3A] : memref<2560x125xi32, #tpu.memory_space<hbm>> -> memref<80x125xi32, #tpu.memory_space<hbm>>
      %dma_start3A_32 = arith.constant 0 : i32
      %dma_start3A_33 = tpu.memref_slice %arg4[%mul3A_2, %dma_start3A_32] : memref<2560x125xi32, #tpu.memory_space<hbm>> -> memref<80x125xi32, #tpu.memory_space<hbm>>
      tpu.enqueue_dma source(%dma_start3A_33 : memref<80x125xi32, #tpu.memory_space<hbm>>) target(%arg11 : memref<80x125xi32, #tpu.memory_space<vmem>>) target_semaphore(%run_scoped3A : memref<!tpu.dma_semaphore, #tpu.memory_space<semaphore_mem>>)
      %dma_wait3A = arith.constant 0 : i32
      %dma_wait3A_34 = tpu.memref_slice %arg4[%mul3A_2, %dma_wait3A] : memref<2560x125xi32, #tpu.memory_space<hbm>> -> memref<80x125xi32, #tpu.memory_space<hbm>>
      %dma_wait3A_35 = arith.constant 0 : i32
      %dma_wait3A_36 = tpu.memref_slice %arg4[%mul3A_2, %dma_wait3A_35] : memref<2560x125xi32, #tpu.memory_space<hbm>> -> memref<80x125xi32, #tpu.memory_space<hbm>>
      tpu.wait_dma2 semaphore(%run_scoped3A : memref<!tpu.dma_semaphore, #tpu.memory_space<semaphore_mem>>) src(%dma_wait3A_36 : memref<80x125xi32, #tpu.memory_space<hbm>>) dst(%arg11 : memref<80x125xi32, #tpu.memory_space<vmem>>)
      tpu.yield
    }) : () -> ()
    %mul3A_3 = arith.constant 80 : i32
    %mul3A_4 = arith.muli %add3A, %mul3A_3 : i32
    "tpu.region"() ({
      %run_scoped3A = tpu.sem_alloc : memref<!tpu.dma_semaphore, #tpu.memory_space<semaphore_mem>>
      %dma_start3A = arith.constant 0 : i32
      %dma_start3A_31 = tpu.memref_slice %arg5[%mul3A_4, %dma_start3A] : memref<2560x125xi32, #tpu.memory_space<hbm>> -> memref<80x125xi32, #tpu.memory_space<hbm>>
      %dma_start3A_32 = arith.constant 0 : i32
      %dma_start3A_33 = tpu.memref_slice %arg5[%mul3A_4, %dma_start3A_32] : memref<2560x125xi32, #tpu.memory_space<hbm>> -> memref<80x125xi32, #tpu.memory_space<hbm>>
      tpu.enqueue_dma source(%dma_start3A_33 : memref<80x125xi32, #tpu.memory_space<hbm>>) target(%arg12 : memref<80x125xi32, #tpu.memory_space<vmem>>) target_semaphore(%run_scoped3A : memref<!tpu.dma_semaphore, #tpu.memory_space<semaphore_mem>>)
      %dma_wait3A = arith.constant 0 : i32
      %dma_wait3A_34 = tpu.memref_slice %arg5[%mul3A_4, %dma_wait3A] : memref<2560x125xi32, #tpu.memory_space<hbm>> -> memref<80x125xi32, #tpu.memory_space<hbm>>
      %dma_wait3A_35 = arith.constant 0 : i32
      %dma_wait3A_36 = tpu.memref_slice %arg5[%mul3A_4, %dma_wait3A_35] : memref<2560x125xi32, #tpu.memory_space<hbm>> -> memref<80x125xi32, #tpu.memory_space<hbm>>
      tpu.wait_dma2 semaphore(%run_scoped3A : memref<!tpu.dma_semaphore, #tpu.memory_space<semaphore_mem>>) src(%dma_wait3A_36 : memref<80x125xi32, #tpu.memory_space<hbm>>) dst(%arg12 : memref<80x125xi32, #tpu.memory_space<vmem>>)
      tpu.yield
    }) : () -> ()
    "tpu.region"() ({
      %run_scoped3A = tpu.sem_alloc : memref<!tpu.dma_semaphore, #tpu.memory_space<semaphore_mem>>
      tpu.enqueue_dma source(%arg6 : memref<125xf32, #tpu.memory_space<hbm>>) target(%arg15 : memref<125xf32, #tpu.memory_space<vmem>>) target_semaphore(%run_scoped3A : memref<!tpu.dma_semaphore, #tpu.memory_space<semaphore_mem>>)
      tpu.wait_dma2 semaphore(%run_scoped3A : memref<!tpu.dma_semaphore, #tpu.memory_space<semaphore_mem>>) src(%arg6 : memref<125xf32, #tpu.memory_space<hbm>>) dst(%arg15 : memref<125xf32, #tpu.memory_space<vmem>>)
      tpu.yield
    }) : () -> ()
    %mul3A_5 = arith.constant 640 : i32
    %mul3A_6 = arith.muli %arg1, %mul3A_5 : i32
    "tpu.region"() ({
      %run_scoped3A = tpu.sem_alloc : memref<!tpu.dma_semaphore, #tpu.memory_space<semaphore_mem>>
      %dma_start3A = tpu.memref_slice %arg16[%mul3A_6] : memref<10240xf32, #tpu.memory_space<vmem_shared>> -> memref<640xf32, #tpu.memory_space<vmem_shared>>
      tpu.enqueue_dma source(%arg7 : memref<640xf32, #tpu.memory_space<hbm>>) target(%dma_start3A : memref<640xf32, #tpu.memory_space<vmem_shared>>) target_semaphore(%run_scoped3A : memref<!tpu.dma_semaphore, #tpu.memory_space<semaphore_mem>>)
      %dma_wait3A = tpu.memref_slice %arg16[%mul3A_6] : memref<10240xf32, #tpu.memory_space<vmem_shared>> -> memref<640xf32, #tpu.memory_space<vmem_shared>>
      tpu.wait_dma2 semaphore(%run_scoped3A : memref<!tpu.dma_semaphore, #tpu.memory_space<semaphore_mem>>) src(%arg7 : memref<640xf32, #tpu.memory_space<hbm>>) dst(%dma_wait3A : memref<640xf32, #tpu.memory_space<vmem_shared>>)
      tpu.yield
    }) : () -> ()
    %mul3A_7 = arith.constant 640 : i32
    %mul3A_8 = arith.muli %arg1, %mul3A_7 : i32
    "tpu.region"() ({
      %run_scoped3A = tpu.sem_alloc : memref<!tpu.dma_semaphore, #tpu.memory_space<semaphore_mem>>
      %dma_start3A = tpu.memref_slice %arg17[%mul3A_8] : memref<10240xf32, #tpu.memory_space<vmem_shared>> -> memref<640xf32, #tpu.memory_space<vmem_shared>>
      tpu.enqueue_dma source(%arg7 : memref<640xf32, #tpu.memory_space<hbm>>) target(%dma_start3A : memref<640xf32, #tpu.memory_space<vmem_shared>>) target_semaphore(%run_scoped3A : memref<!tpu.dma_semaphore, #tpu.memory_space<semaphore_mem>>)
      %dma_wait3A = tpu.memref_slice %arg17[%mul3A_8] : memref<10240xf32, #tpu.memory_space<vmem_shared>> -> memref<640xf32, #tpu.memory_space<vmem_shared>>
      tpu.wait_dma2 semaphore(%run_scoped3A : memref<!tpu.dma_semaphore, #tpu.memory_space<semaphore_mem>>) src(%arg7 : memref<640xf32, #tpu.memory_space<hbm>>) dst(%dma_wait3A : memref<640xf32, #tpu.memory_space<vmem_shared>>)
      tpu.yield
    }) : () -> ()
    %barrier3A = arith.constant 0 : index
    tpu.barrier barrier_id(%barrier3A)
    %scan3A = arith.constant 0 : i32
    %scan3A_9 = arith.constant 0 : i32
    %scan3A_10 = arith.constant 80 : i32
    %scan3A_11 = arith.addi %scan3A_9, %scan3A_10 : i32
    %scan3A_12 = arith.constant 1 : i32
    %scan3A_13 = scf.for %scan3A_31 = %scan3A_9 to %scan3A_11 step %scan3A_12 iter_args(%scan3A_32 = %scan3A) -> (i32)  : i32 {
      "tpu.region"() ({
        %run_scoped3A = tpu.sem_alloc : memref<!tpu.dma_semaphore, #tpu.memory_space<semaphore_mem>>
        %dma_start3A = arith.constant 0 : i32
        %dma_start3A_34 = tpu.memref_slice %arg11[%scan3A_31, %dma_start3A] : memref<80x125xi32, #tpu.memory_space<vmem>> -> memref<1x125xi32, #tpu.memory_space<vmem>>
        %dma_start3A_35 = tpu.memref_squeeze %dma_start3A_34 : memref<1x125xi32, #tpu.memory_space<vmem>> -> memref<125xi32, #tpu.memory_space<vmem>>
        %dma_start3A_36 = arith.constant 0 : i32
        %dma_start3A_37 = tpu.memref_slice %arg16[%dma_start3A_36] : memref<10240xf32, #tpu.memory_space<vmem_shared>> -> memref<10240xf32, #tpu.memory_space<vmem_shared>>
        tpu.enqueue_indirect_dma source(%arg15 : memref<125xf32, #tpu.memory_space<vmem>>) target(%dma_start3A_37 : memref<10240xf32, #tpu.memory_space<vmem_shared>>) offsets(%dma_start3A_35 : memref<125xi32, #tpu.memory_space<vmem>>) semaphore(%run_scoped3A : memref<!tpu.dma_semaphore, #tpu.memory_space<semaphore_mem>>) {add = true}
        %dma_wait3A = arith.constant 0 : i32
        %dma_wait3A_38 = tpu.memref_slice %arg11[%scan3A_31, %dma_wait3A] : memref<80x125xi32, #tpu.memory_space<vmem>> -> memref<1x125xi32, #tpu.memory_space<vmem>>
        %dma_wait3A_39 = tpu.memref_squeeze %dma_wait3A_38 : memref<1x125xi32, #tpu.memory_space<vmem>> -> memref<125xi32, #tpu.memory_space<vmem>>
        %dma_wait3A_40 = arith.constant 0 : i32
        %dma_wait3A_41 = tpu.memref_slice %arg16[%dma_wait3A_40] : memref<10240xf32, #tpu.memory_space<vmem_shared>> -> memref<10240xf32, #tpu.memory_space<vmem_shared>>
        tpu.wait_indirect_dma semaphore(%run_scoped3A : memref<!tpu.dma_semaphore, #tpu.memory_space<semaphore_mem>>) src(%arg15 : memref<125xf32, #tpu.memory_space<vmem>>) dst(%dma_wait3A_41 : memref<10240xf32, #tpu.memory_space<vmem_shared>>)
        tpu.yield
      }) : () -> ()
      "tpu.region"() ({
        %run_scoped3A = tpu.sem_alloc : memref<!tpu.dma_semaphore, #tpu.memory_space<semaphore_mem>>
        %dma_start3A = arith.constant 0 : i32
        %dma_start3A_34 = tpu.memref_slice %arg12[%scan3A_31, %dma_start3A] : memref<80x125xi32, #tpu.memory_space<vmem>> -> memref<1x125xi32, #tpu.memory_space<vmem>>
        %dma_start3A_35 = tpu.memref_squeeze %dma_start3A_34 : memref<1x125xi32, #tpu.memory_space<vmem>> -> memref<125xi32, #tpu.memory_space<vmem>>
        %dma_start3A_36 = arith.constant 0 : i32
        %dma_start3A_37 = tpu.memref_slice %arg17[%dma_start3A_36] : memref<10240xf32, #tpu.memory_space<vmem_shared>> -> memref<10240xf32, #tpu.memory_space<vmem_shared>>
        tpu.enqueue_indirect_dma source(%arg15 : memref<125xf32, #tpu.memory_space<vmem>>) target(%dma_start3A_37 : memref<10240xf32, #tpu.memory_space<vmem_shared>>) offsets(%dma_start3A_35 : memref<125xi32, #tpu.memory_space<vmem>>) semaphore(%run_scoped3A : memref<!tpu.dma_semaphore, #tpu.memory_space<semaphore_mem>>) {add = true}
        %dma_wait3A = arith.constant 0 : i32
        %dma_wait3A_38 = tpu.memref_slice %arg12[%scan3A_31, %dma_wait3A] : memref<80x125xi32, #tpu.memory_space<vmem>> -> memref<1x125xi32, #tpu.memory_space<vmem>>
        %dma_wait3A_39 = tpu.memref_squeeze %dma_wait3A_38 : memref<1x125xi32, #tpu.memory_space<vmem>> -> memref<125xi32, #tpu.memory_space<vmem>>
        %dma_wait3A_40 = arith.constant 0 : i32
        %dma_wait3A_41 = tpu.memref_slice %arg17[%dma_wait3A_40] : memref<10240xf32, #tpu.memory_space<vmem_shared>> -> memref<10240xf32, #tpu.memory_space<vmem_shared>>
        tpu.wait_indirect_dma semaphore(%run_scoped3A : memref<!tpu.dma_semaphore, #tpu.memory_space<semaphore_mem>>) src(%arg15 : memref<125xf32, #tpu.memory_space<vmem>>) dst(%dma_wait3A_41 : memref<10240xf32, #tpu.memory_space<vmem_shared>>)
        tpu.yield
      }) : () -> ()
      %scan3A_33 = arith.constant 0 : i32
      scf.yield %scan3A_33 : i32
    }
    %scan3A_14 = arith.constant 80 : i32
    %scan3A_15 = arith.constant 0 : i32
    %scan3A_16 = arith.constant 0 : i32
    %scan3A_17 = arith.constant 5 : i32
    %scan3A_18 = arith.addi %scan3A_16, %scan3A_17 : i32
    %scan3A_19 = arith.constant 1 : i32
    %scan3A_20 = scf.for %scan3A_31 = %scan3A_16 to %scan3A_18 step %scan3A_19 iter_args(%scan3A_32 = %scan3A_15) -> (i32)  : i32 {
      %mul3A_33 = arith.constant 32 : i32
      %mul3A_34 = arith.muli %scan3A_31, %mul3A_33 : i32
      %add3A_35 = arith.addi %add3A, %mul3A_34 : i32
      %lt3A = arith.constant 160 : i32
      %lt3A_36 = arith.cmpi slt, %add3A_35, %lt3A : i32
      %convert_element_type3A = arith.extui %lt3A_36 : i1 to i32
      %cond3A = arith.constant 0 : i32
      %cond3A_37 = arith.cmpi ne, %convert_element_type3A, %cond3A : i32
      scf.if %cond3A_37 {
        %mul3A_39 = arith.constant 64 : i32
        %mul3A_40 = arith.muli %add3A_35, %mul3A_39 : i32
        "tpu.region"() ({
          %run_scoped3A = tpu.sem_alloc : memref<!tpu.dma_semaphore, #tpu.memory_space<semaphore_mem>>
          %dma_start3A = tpu.memref_slice %arg3[%mul3A_40] : memref<10240xi32, #tpu.memory_space<hbm>> -> memref<64xi32, #tpu.memory_space<hbm>>
          %dma_start3A_43 = tpu.memref_slice %arg3[%mul3A_40] : memref<10240xi32, #tpu.memory_space<hbm>> -> memref<64xi32, #tpu.memory_space<hbm>>
          tpu.enqueue_dma source(%dma_start3A_43 : memref<64xi32, #tpu.memory_space<hbm>>) target(%arg13 : memref<64xi32, #tpu.memory_space<vmem>>) target_semaphore(%run_scoped3A : memref<!tpu.dma_semaphore, #tpu.memory_space<semaphore_mem>>)
          %dma_wait3A = tpu.memref_slice %arg3[%mul3A_40] : memref<10240xi32, #tpu.memory_space<hbm>> -> memref<64xi32, #tpu.memory_space<hbm>>
          %dma_wait3A_44 = tpu.memref_slice %arg3[%mul3A_40] : memref<10240xi32, #tpu.memory_space<hbm>> -> memref<64xi32, #tpu.memory_space<hbm>>
          tpu.wait_dma2 semaphore(%run_scoped3A : memref<!tpu.dma_semaphore, #tpu.memory_space<semaphore_mem>>) src(%dma_wait3A_44 : memref<64xi32, #tpu.memory_space<hbm>>) dst(%arg13 : memref<64xi32, #tpu.memory_space<vmem>>)
          tpu.yield
        }) : () -> ()
        "tpu.region"() ({
          %run_scoped3A = tpu.sem_alloc : memref<!tpu.dma_semaphore, #tpu.memory_space<semaphore_mem>>
          %dma_start3A = arith.constant 0 : i32
          %dma_start3A_43 = arith.constant 0 : i32
          %dma_start3A_44 = tpu.memref_slice %arg2[%dma_start3A, %dma_start3A_43] : memref<10240x128xf32, #tpu.memory_space<hbm>> -> memref<10240x128xf32, #tpu.memory_space<hbm>>
          tpu.enqueue_indirect_dma source(%dma_start3A_44 : memref<10240x128xf32, #tpu.memory_space<hbm>>) target(%arg14 : memref<64x128xf32, #tpu.memory_space<vmem>>) offsets(%arg13 : memref<64xi32, #tpu.memory_space<vmem>>) semaphore(%run_scoped3A : memref<!tpu.dma_semaphore, #tpu.memory_space<semaphore_mem>>)
          %dma_wait3A = arith.constant 0 : i32
          %dma_wait3A_45 = arith.constant 0 : i32
          %dma_wait3A_46 = tpu.memref_slice %arg2[%dma_wait3A, %dma_wait3A_45] : memref<10240x128xf32, #tpu.memory_space<hbm>> -> memref<10240x128xf32, #tpu.memory_space<hbm>>
          tpu.wait_indirect_dma semaphore(%run_scoped3A : memref<!tpu.dma_semaphore, #tpu.memory_space<semaphore_mem>>) src(%dma_wait3A_46 : memref<10240x128xf32, #tpu.memory_space<hbm>>) dst(%arg14 : memref<64x128xf32, #tpu.memory_space<vmem>>)
          tpu.yield
        }) : () -> ()
        %mul3A_41 = arith.constant 64 : i32
        %mul3A_42 = arith.muli %add3A_35, %mul3A_41 : i32
        "tpu.region"() ({
          %run_scoped3A = tpu.sem_alloc : memref<!tpu.dma_semaphore, #tpu.memory_space<semaphore_mem>>
          %dma_start3A = arith.constant 0 : i32
          %dma_start3A_43 = tpu.memref_slice %arg8[%mul3A_42, %dma_start3A] : memref<10240x128xf32, #tpu.memory_space<hbm>> -> memref<64x128xf32, #tpu.memory_space<hbm>>
          %dma_start3A_44 = arith.constant 0 : i32
          %dma_start3A_45 = tpu.memref_slice %arg8[%mul3A_42, %dma_start3A_44] : memref<10240x128xf32, #tpu.memory_space<hbm>> -> memref<64x128xf32, #tpu.memory_space<hbm>>
          tpu.enqueue_dma source(%arg14 : memref<64x128xf32, #tpu.memory_space<vmem>>) target(%dma_start3A_45 : memref<64x128xf32, #tpu.memory_space<hbm>>) target_semaphore(%run_scoped3A : memref<!tpu.dma_semaphore, #tpu.memory_space<semaphore_mem>>)
          %dma_wait3A = arith.constant 0 : i32
          %dma_wait3A_46 = tpu.memref_slice %arg8[%mul3A_42, %dma_wait3A] : memref<10240x128xf32, #tpu.memory_space<hbm>> -> memref<64x128xf32, #tpu.memory_space<hbm>>
          %dma_wait3A_47 = arith.constant 0 : i32
          %dma_wait3A_48 = tpu.memref_slice %arg8[%mul3A_42, %dma_wait3A_47] : memref<10240x128xf32, #tpu.memory_space<hbm>> -> memref<64x128xf32, #tpu.memory_space<hbm>>
          tpu.wait_dma2 semaphore(%run_scoped3A : memref<!tpu.dma_semaphore, #tpu.memory_space<semaphore_mem>>) src(%arg14 : memref<64x128xf32, #tpu.memory_space<vmem>>) dst(%dma_wait3A_48 : memref<64x128xf32, #tpu.memory_space<hbm>>)
          tpu.yield
        }) : () -> ()
      } else {
      }
      %scan3A_38 = arith.constant 0 : i32
      scf.yield %scan3A_38 : i32
    }
    %scan3A_21 = arith.constant 5 : i32
    %barrier3A_22 = arith.constant 0 : index
    tpu.barrier barrier_id(%barrier3A_22)
    %mul3A_23 = arith.constant 640 : i32
    %mul3A_24 = arith.muli %arg1, %mul3A_23 : i32
    %mul3A_25 = arith.constant 640 : i32
    %mul3A_26 = arith.muli %arg1, %mul3A_25 : i32
    "tpu.region"() ({
      %run_scoped3A = tpu.sem_alloc : memref<!tpu.dma_semaphore, #tpu.memory_space<semaphore_mem>>
      %dma_start3A = tpu.memref_slice %arg9[%arg0, %mul3A_26] : memref<2x10240xf32, #tpu.memory_space<hbm>> -> memref<1x640xf32, #tpu.memory_space<hbm>>
      %dma_start3A_31 = tpu.memref_squeeze %dma_start3A : memref<1x640xf32, #tpu.memory_space<hbm>> -> memref<640xf32, #tpu.memory_space<hbm>>
      %dma_start3A_32 = tpu.memref_slice %arg16[%mul3A_24] : memref<10240xf32, #tpu.memory_space<vmem_shared>> -> memref<640xf32, #tpu.memory_space<vmem_shared>>
      tpu.enqueue_dma source(%dma_start3A_32 : memref<640xf32, #tpu.memory_space<vmem_shared>>) target(%dma_start3A_31 : memref<640xf32, #tpu.memory_space<hbm>>) target_semaphore(%run_scoped3A : memref<!tpu.dma_semaphore, #tpu.memory_space<semaphore_mem>>)
      %dma_wait3A = tpu.memref_slice %arg9[%arg0, %mul3A_26] : memref<2x10240xf32, #tpu.memory_space<hbm>> -> memref<1x640xf32, #tpu.memory_space<hbm>>
      %dma_wait3A_33 = tpu.memref_squeeze %dma_wait3A : memref<1x640xf32, #tpu.memory_space<hbm>> -> memref<640xf32, #tpu.memory_space<hbm>>
      %dma_wait3A_34 = tpu.memref_slice %arg16[%mul3A_24] : memref<10240xf32, #tpu.memory_space<vmem_shared>> -> memref<640xf32, #tpu.memory_space<vmem_shared>>
      tpu.wait_dma2 semaphore(%run_scoped3A : memref<!tpu.dma_semaphore, #tpu.memory_space<semaphore_mem>>) src(%dma_wait3A_34 : memref<640xf32, #tpu.memory_space<vmem_shared>>) dst(%dma_wait3A_33 : memref<640xf32, #tpu.memory_space<hbm>>)
      tpu.yield
    }) : () -> ()
    %mul3A_27 = arith.constant 640 : i32
    %mul3A_28 = arith.muli %arg1, %mul3A_27 : i32
    %mul3A_29 = arith.constant 640 : i32
    %mul3A_30 = arith.muli %arg1, %mul3A_29 : i32
    "tpu.region"() ({
      %run_scoped3A = tpu.sem_alloc : memref<!tpu.dma_semaphore, #tpu.memory_space<semaphore_mem>>
      %dma_start3A = tpu.memref_slice %arg10[%arg0, %mul3A_30] : memref<2x10240xf32, #tpu.memory_space<hbm>> -> memref<1x640xf32, #tpu.memory_space<hbm>>
      %dma_start3A_31 = tpu.memref_squeeze %dma_start3A : memref<1x640xf32, #tpu.memory_space<hbm>> -> memref<640xf32, #tpu.memory_space<hbm>>
      %dma_start3A_32 = tpu.memref_slice %arg17[%mul3A_28] : memref<10240xf32, #tpu.memory_space<vmem_shared>> -> memref<640xf32, #tpu.memory_space<vmem_shared>>
      tpu.enqueue_dma source(%dma_start3A_32 : memref<640xf32, #tpu.memory_space<vmem_shared>>) target(%dma_start3A_31 : memref<640xf32, #tpu.memory_space<hbm>>) target_semaphore(%run_scoped3A : memref<!tpu.dma_semaphore, #tpu.memory_space<semaphore_mem>>)
      %dma_wait3A = tpu.memref_slice %arg10[%arg0, %mul3A_30] : memref<2x10240xf32, #tpu.memory_space<hbm>> -> memref<1x640xf32, #tpu.memory_space<hbm>>
      %dma_wait3A_33 = tpu.memref_squeeze %dma_wait3A : memref<1x640xf32, #tpu.memory_space<hbm>> -> memref<640xf32, #tpu.memory_space<hbm>>
      %dma_wait3A_34 = tpu.memref_slice %arg17[%mul3A_28] : memref<10240xf32, #tpu.memory_space<vmem_shared>> -> memref<640xf32, #tpu.memory_space<vmem_shared>>
      tpu.wait_dma2 semaphore(%run_scoped3A : memref<!tpu.dma_semaphore, #tpu.memory_space<semaphore_mem>>) src(%dma_wait3A_34 : memref<640xf32, #tpu.memory_space<vmem_shared>>) dst(%dma_wait3A_33 : memref<640xf32, #tpu.memory_space<hbm>>)
      tpu.yield
    }) : () -> ()
    return
  }
}

#map = affine_map<(d0, d1) -> (0, 0)>
#map1 = affine_map<(d0, d1) -> (0, 0, 0)>
module attributes {stable_mosaic.version = 14 : i64} {
  func.func @body(%arg0: i32, %arg1: i32, %arg2: memref<10240x128xf32, #tpu.memory_space<hbm>>, %arg3: memref<10240x128xf32, #tpu.memory_space<hbm>>, %arg4: memref<10240x128xf32, #tpu.memory_space<hbm>>, %arg5: memref<2560x125xi32, #tpu.memory_space<hbm>>, %arg6: memref<2560x125xi32, #tpu.memory_space<hbm>>, %arg7: memref<2560x125xi32, #tpu.memory_space<hbm>>, %arg8: memref<2560x125xi32, #tpu.memory_space<hbm>>, %arg9: memref<640x128xf32, #tpu.memory_space<hbm>>, %arg10: memref<2x10240x128xf32, #tpu.memory_space<hbm>>, %arg11: memref<2x10240x128xf32, #tpu.memory_space<hbm>>, %arg12: memref<2x10240x128xf32, #tpu.memory_space<hbm>>, %arg13: memref<80x125xi32, #tpu.memory_space<vmem>>, %arg14: memref<80x125xi32, #tpu.memory_space<vmem>>, %arg15: memref<64xi32, #tpu.memory_space<vmem>>, %arg16: memref<64x128xf32, #tpu.memory_space<vmem>>, %arg17: memref<125x128xf32, #tpu.memory_space<vmem>>, %arg18: memref<10240x128xf32, #tpu.memory_space<vmem_shared>>) attributes {dimension_semantics = [#tpu.dimension_semantics<core_parallel>, #tpu.dimension_semantics<subcore_parallel>], iteration_bounds = array<i64: 2, 16>, scalar_prefetch = 0 : i64, scratch_operands = 6 : i64, tpu.core_type = #tpu.core_type<sc_vector_subcore>, window_params = [{transform_indices = #map}, {transform_indices = #map}, {transform_indices = #map}, {transform_indices = #map}, {transform_indices = #map}, {transform_indices = #map}, {transform_indices = #map}, {transform_indices = #map}, {transform_indices = #map1}, {transform_indices = #map1}, {transform_indices = #map1}]} {
    %mul3A = arith.constant 2 : i32
    %mul3A_0 = arith.muli %arg1, %mul3A : i32
    %add3A = arith.addi %mul3A_0, %arg0 : i32
    %mul3A_1 = arith.constant 80 : i32
    %mul3A_2 = arith.muli %add3A, %mul3A_1 : i32
    "tpu.region"() ({
      %run_scoped3A = tpu.sem_alloc : memref<!tpu.dma_semaphore, #tpu.memory_space<semaphore_mem>>
      %dma_start3A = arith.constant 0 : i32
      %dma_start3A_52 = tpu.memref_slice %arg5[%mul3A_2, %dma_start3A] : memref<2560x125xi32, #tpu.memory_space<hbm>> -> memref<80x125xi32, #tpu.memory_space<hbm>>
      %dma_start3A_53 = arith.constant 0 : i32
      %dma_start3A_54 = tpu.memref_slice %arg5[%mul3A_2, %dma_start3A_53] : memref<2560x125xi32, #tpu.memory_space<hbm>> -> memref<80x125xi32, #tpu.memory_space<hbm>>
      tpu.enqueue_dma source(%dma_start3A_54 : memref<80x125xi32, #tpu.memory_space<hbm>>) target(%arg13 : memref<80x125xi32, #tpu.memory_space<vmem>>) target_semaphore(%run_scoped3A : memref<!tpu.dma_semaphore, #tpu.memory_space<semaphore_mem>>)
      %dma_wait3A = arith.constant 0 : i32
      %dma_wait3A_55 = tpu.memref_slice %arg5[%mul3A_2, %dma_wait3A] : memref<2560x125xi32, #tpu.memory_space<hbm>> -> memref<80x125xi32, #tpu.memory_space<hbm>>
      %dma_wait3A_56 = arith.constant 0 : i32
      %dma_wait3A_57 = tpu.memref_slice %arg5[%mul3A_2, %dma_wait3A_56] : memref<2560x125xi32, #tpu.memory_space<hbm>> -> memref<80x125xi32, #tpu.memory_space<hbm>>
      tpu.wait_dma2 semaphore(%run_scoped3A : memref<!tpu.dma_semaphore, #tpu.memory_space<semaphore_mem>>) src(%dma_wait3A_57 : memref<80x125xi32, #tpu.memory_space<hbm>>) dst(%arg13 : memref<80x125xi32, #tpu.memory_space<vmem>>)
      tpu.yield
    }) : () -> ()
    %mul3A_3 = arith.constant 80 : i32
    %mul3A_4 = arith.muli %add3A, %mul3A_3 : i32
    "tpu.region"() ({
      %run_scoped3A = tpu.sem_alloc : memref<!tpu.dma_semaphore, #tpu.memory_space<semaphore_mem>>
      %dma_start3A = arith.constant 0 : i32
      %dma_start3A_52 = tpu.memref_slice %arg6[%mul3A_4, %dma_start3A] : memref<2560x125xi32, #tpu.memory_space<hbm>> -> memref<80x125xi32, #tpu.memory_space<hbm>>
      %dma_start3A_53 = arith.constant 0 : i32
      %dma_start3A_54 = tpu.memref_slice %arg6[%mul3A_4, %dma_start3A_53] : memref<2560x125xi32, #tpu.memory_space<hbm>> -> memref<80x125xi32, #tpu.memory_space<hbm>>
      tpu.enqueue_dma source(%dma_start3A_54 : memref<80x125xi32, #tpu.memory_space<hbm>>) target(%arg14 : memref<80x125xi32, #tpu.memory_space<vmem>>) target_semaphore(%run_scoped3A : memref<!tpu.dma_semaphore, #tpu.memory_space<semaphore_mem>>)
      %dma_wait3A = arith.constant 0 : i32
      %dma_wait3A_55 = tpu.memref_slice %arg6[%mul3A_4, %dma_wait3A] : memref<2560x125xi32, #tpu.memory_space<hbm>> -> memref<80x125xi32, #tpu.memory_space<hbm>>
      %dma_wait3A_56 = arith.constant 0 : i32
      %dma_wait3A_57 = tpu.memref_slice %arg6[%mul3A_4, %dma_wait3A_56] : memref<2560x125xi32, #tpu.memory_space<hbm>> -> memref<80x125xi32, #tpu.memory_space<hbm>>
      tpu.wait_dma2 semaphore(%run_scoped3A : memref<!tpu.dma_semaphore, #tpu.memory_space<semaphore_mem>>) src(%dma_wait3A_57 : memref<80x125xi32, #tpu.memory_space<hbm>>) dst(%arg14 : memref<80x125xi32, #tpu.memory_space<vmem>>)
      tpu.yield
    }) : () -> ()
    %mul3A_5 = arith.constant 640 : i32
    %mul3A_6 = arith.muli %arg1, %mul3A_5 : i32
    "tpu.region"() ({
      %run_scoped3A = tpu.sem_alloc : memref<!tpu.dma_semaphore, #tpu.memory_space<semaphore_mem>>
      %dma_start3A = arith.constant 0 : i32
      %dma_start3A_52 = tpu.memref_slice %arg18[%mul3A_6, %dma_start3A] : memref<10240x128xf32, #tpu.memory_space<vmem_shared>> -> memref<640x128xf32, #tpu.memory_space<vmem_shared>>
      tpu.enqueue_dma source(%arg9 : memref<640x128xf32, #tpu.memory_space<hbm>>) target(%dma_start3A_52 : memref<640x128xf32, #tpu.memory_space<vmem_shared>>) target_semaphore(%run_scoped3A : memref<!tpu.dma_semaphore, #tpu.memory_space<semaphore_mem>>)
      %dma_wait3A = arith.constant 0 : i32
      %dma_wait3A_53 = tpu.memref_slice %arg18[%mul3A_6, %dma_wait3A] : memref<10240x128xf32, #tpu.memory_space<vmem_shared>> -> memref<640x128xf32, #tpu.memory_space<vmem_shared>>
      tpu.wait_dma2 semaphore(%run_scoped3A : memref<!tpu.dma_semaphore, #tpu.memory_space<semaphore_mem>>) src(%arg9 : memref<640x128xf32, #tpu.memory_space<hbm>>) dst(%dma_wait3A_53 : memref<640x128xf32, #tpu.memory_space<vmem_shared>>)
      tpu.yield
    }) : () -> ()
    %barrier3A = arith.constant 0 : index
    tpu.barrier barrier_id(%barrier3A)
    %scan3A = arith.constant 0 : i32
    %scan3A_7 = arith.constant 0 : i32
    %scan3A_8 = arith.constant 80 : i32
    %scan3A_9 = arith.addi %scan3A_7, %scan3A_8 : i32
    %scan3A_10 = arith.constant 1 : i32
    %scan3A_11 = scf.for %scan3A_52 = %scan3A_7 to %scan3A_9 step %scan3A_10 iter_args(%scan3A_53 = %scan3A) -> (i32)  : i32 {
      "tpu.region"() ({
        %run_scoped3A = tpu.sem_alloc : memref<!tpu.dma_semaphore, #tpu.memory_space<semaphore_mem>>
        %dma_start3A = arith.constant 0 : i32
        %dma_start3A_55 = tpu.memref_slice %arg13[%scan3A_52, %dma_start3A] : memref<80x125xi32, #tpu.memory_space<vmem>> -> memref<1x125xi32, #tpu.memory_space<vmem>>
        %dma_start3A_56 = tpu.memref_squeeze %dma_start3A_55 : memref<1x125xi32, #tpu.memory_space<vmem>> -> memref<125xi32, #tpu.memory_space<vmem>>
        %dma_start3A_57 = arith.constant 0 : i32
        %dma_start3A_58 = arith.constant 0 : i32
        %dma_start3A_59 = tpu.memref_slice %arg2[%dma_start3A_57, %dma_start3A_58] : memref<10240x128xf32, #tpu.memory_space<hbm>> -> memref<10240x128xf32, #tpu.memory_space<hbm>>
        tpu.enqueue_indirect_dma source(%dma_start3A_59 : memref<10240x128xf32, #tpu.memory_space<hbm>>) target(%arg17 : memref<125x128xf32, #tpu.memory_space<vmem>>) offsets(%dma_start3A_56 : memref<125xi32, #tpu.memory_space<vmem>>) semaphore(%run_scoped3A : memref<!tpu.dma_semaphore, #tpu.memory_space<semaphore_mem>>)
        %dma_wait3A = arith.constant 0 : i32
        %dma_wait3A_60 = tpu.memref_slice %arg13[%scan3A_52, %dma_wait3A] : memref<80x125xi32, #tpu.memory_space<vmem>> -> memref<1x125xi32, #tpu.memory_space<vmem>>
        %dma_wait3A_61 = tpu.memref_squeeze %dma_wait3A_60 : memref<1x125xi32, #tpu.memory_space<vmem>> -> memref<125xi32, #tpu.memory_space<vmem>>
        %dma_wait3A_62 = arith.constant 0 : i32
        %dma_wait3A_63 = arith.constant 0 : i32
        %dma_wait3A_64 = tpu.memref_slice %arg2[%dma_wait3A_62, %dma_wait3A_63] : memref<10240x128xf32, #tpu.memory_space<hbm>> -> memref<10240x128xf32, #tpu.memory_space<hbm>>
        tpu.wait_indirect_dma semaphore(%run_scoped3A : memref<!tpu.dma_semaphore, #tpu.memory_space<semaphore_mem>>) src(%dma_wait3A_64 : memref<10240x128xf32, #tpu.memory_space<hbm>>) dst(%arg17 : memref<125x128xf32, #tpu.memory_space<vmem>>)
        tpu.yield
      }) : () -> ()
      "tpu.region"() ({
        %run_scoped3A = tpu.sem_alloc : memref<!tpu.dma_semaphore, #tpu.memory_space<semaphore_mem>>
        %dma_start3A = arith.constant 0 : i32
        %dma_start3A_55 = tpu.memref_slice %arg14[%scan3A_52, %dma_start3A] : memref<80x125xi32, #tpu.memory_space<vmem>> -> memref<1x125xi32, #tpu.memory_space<vmem>>
        %dma_start3A_56 = tpu.memref_squeeze %dma_start3A_55 : memref<1x125xi32, #tpu.memory_space<vmem>> -> memref<125xi32, #tpu.memory_space<vmem>>
        %dma_start3A_57 = arith.constant 0 : i32
        %dma_start3A_58 = arith.constant 0 : i32
        %dma_start3A_59 = tpu.memref_slice %arg18[%dma_start3A_57, %dma_start3A_58] : memref<10240x128xf32, #tpu.memory_space<vmem_shared>> -> memref<10240x128xf32, #tpu.memory_space<vmem_shared>>
        tpu.enqueue_indirect_dma source(%arg17 : memref<125x128xf32, #tpu.memory_space<vmem>>) target(%dma_start3A_59 : memref<10240x128xf32, #tpu.memory_space<vmem_shared>>) offsets(%dma_start3A_56 : memref<125xi32, #tpu.memory_space<vmem>>) semaphore(%run_scoped3A : memref<!tpu.dma_semaphore, #tpu.memory_space<semaphore_mem>>) {add = true}
        %dma_wait3A = arith.constant 0 : i32
        %dma_wait3A_60 = tpu.memref_slice %arg14[%scan3A_52, %dma_wait3A] : memref<80x125xi32, #tpu.memory_space<vmem>> -> memref<1x125xi32, #tpu.memory_space<vmem>>
        %dma_wait3A_61 = tpu.memref_squeeze %dma_wait3A_60 : memref<1x125xi32, #tpu.memory_space<vmem>> -> memref<125xi32, #tpu.memory_space<vmem>>
        %dma_wait3A_62 = arith.constant 0 : i32
        %dma_wait3A_63 = arith.constant 0 : i32
        %dma_wait3A_64 = tpu.memref_slice %arg18[%dma_wait3A_62, %dma_wait3A_63] : memref<10240x128xf32, #tpu.memory_space<vmem_shared>> -> memref<10240x128xf32, #tpu.memory_space<vmem_shared>>
        tpu.wait_indirect_dma semaphore(%run_scoped3A : memref<!tpu.dma_semaphore, #tpu.memory_space<semaphore_mem>>) src(%arg17 : memref<125x128xf32, #tpu.memory_space<vmem>>) dst(%dma_wait3A_64 : memref<10240x128xf32, #tpu.memory_space<vmem_shared>>)
        tpu.yield
      }) : () -> ()
      %scan3A_54 = arith.constant 0 : i32
      scf.yield %scan3A_54 : i32
    }
    %scan3A_12 = arith.constant 80 : i32
    %barrier3A_13 = arith.constant 0 : index
    tpu.barrier barrier_id(%barrier3A_13)
    %mul3A_14 = arith.constant 640 : i32
    %mul3A_15 = arith.muli %arg1, %mul3A_14 : i32
    %mul3A_16 = arith.constant 640 : i32
    %mul3A_17 = arith.muli %arg1, %mul3A_16 : i32
    "tpu.region"() ({
      %run_scoped3A = tpu.sem_alloc : memref<!tpu.dma_semaphore, #tpu.memory_space<semaphore_mem>>
      %dma_start3A = arith.constant 0 : i32
      %dma_start3A_52 = tpu.memref_slice %arg10[%arg0, %mul3A_17, %dma_start3A] : memref<2x10240x128xf32, #tpu.memory_space<hbm>> -> memref<1x640x128xf32, #tpu.memory_space<hbm>>
      %dma_start3A_53 = tpu.memref_squeeze %dma_start3A_52 : memref<1x640x128xf32, #tpu.memory_space<hbm>> -> memref<640x128xf32, #tpu.memory_space<hbm>>
      %dma_start3A_54 = arith.constant 0 : i32
      %dma_start3A_55 = tpu.memref_slice %arg18[%mul3A_15, %dma_start3A_54] : memref<10240x128xf32, #tpu.memory_space<vmem_shared>> -> memref<640x128xf32, #tpu.memory_space<vmem_shared>>
      tpu.enqueue_dma source(%dma_start3A_55 : memref<640x128xf32, #tpu.memory_space<vmem_shared>>) target(%dma_start3A_53 : memref<640x128xf32, #tpu.memory_space<hbm>>) target_semaphore(%run_scoped3A : memref<!tpu.dma_semaphore, #tpu.memory_space<semaphore_mem>>)
      %dma_wait3A = arith.constant 0 : i32
      %dma_wait3A_56 = tpu.memref_slice %arg10[%arg0, %mul3A_17, %dma_wait3A] : memref<2x10240x128xf32, #tpu.memory_space<hbm>> -> memref<1x640x128xf32, #tpu.memory_space<hbm>>
      %dma_wait3A_57 = tpu.memref_squeeze %dma_wait3A_56 : memref<1x640x128xf32, #tpu.memory_space<hbm>> -> memref<640x128xf32, #tpu.memory_space<hbm>>
      %dma_wait3A_58 = arith.constant 0 : i32
      %dma_wait3A_59 = tpu.memref_slice %arg18[%mul3A_15, %dma_wait3A_58] : memref<10240x128xf32, #tpu.memory_space<vmem_shared>> -> memref<640x128xf32, #tpu.memory_space<vmem_shared>>
      tpu.wait_dma2 semaphore(%run_scoped3A : memref<!tpu.dma_semaphore, #tpu.memory_space<semaphore_mem>>) src(%dma_wait3A_59 : memref<640x128xf32, #tpu.memory_space<vmem_shared>>) dst(%dma_wait3A_57 : memref<640x128xf32, #tpu.memory_space<hbm>>)
      tpu.yield
    }) : () -> ()
    %mul3A_18 = arith.constant 640 : i32
    %mul3A_19 = arith.muli %arg1, %mul3A_18 : i32
    "tpu.region"() ({
      %run_scoped3A = tpu.sem_alloc : memref<!tpu.dma_semaphore, #tpu.memory_space<semaphore_mem>>
      %dma_start3A = arith.constant 0 : i32
      %dma_start3A_52 = tpu.memref_slice %arg18[%mul3A_19, %dma_start3A] : memref<10240x128xf32, #tpu.memory_space<vmem_shared>> -> memref<640x128xf32, #tpu.memory_space<vmem_shared>>
      tpu.enqueue_dma source(%arg9 : memref<640x128xf32, #tpu.memory_space<hbm>>) target(%dma_start3A_52 : memref<640x128xf32, #tpu.memory_space<vmem_shared>>) target_semaphore(%run_scoped3A : memref<!tpu.dma_semaphore, #tpu.memory_space<semaphore_mem>>)
      %dma_wait3A = arith.constant 0 : i32
      %dma_wait3A_53 = tpu.memref_slice %arg18[%mul3A_19, %dma_wait3A] : memref<10240x128xf32, #tpu.memory_space<vmem_shared>> -> memref<640x128xf32, #tpu.memory_space<vmem_shared>>
      tpu.wait_dma2 semaphore(%run_scoped3A : memref<!tpu.dma_semaphore, #tpu.memory_space<semaphore_mem>>) src(%arg9 : memref<640x128xf32, #tpu.memory_space<hbm>>) dst(%dma_wait3A_53 : memref<640x128xf32, #tpu.memory_space<vmem_shared>>)
      tpu.yield
    }) : () -> ()
    %barrier3A_20 = arith.constant 0 : index
    tpu.barrier barrier_id(%barrier3A_20)
    %scan3A_21 = arith.constant 0 : i32
    %scan3A_22 = arith.constant 0 : i32
    %scan3A_23 = arith.constant 80 : i32
    %scan3A_24 = arith.addi %scan3A_22, %scan3A_23 : i32
    %scan3A_25 = arith.constant 1 : i32
    %scan3A_26 = scf.for %scan3A_52 = %scan3A_22 to %scan3A_24 step %scan3A_25 iter_args(%scan3A_53 = %scan3A_21) -> (i32)  : i32 {
      "tpu.region"() ({
        %run_scoped3A = tpu.sem_alloc : memref<!tpu.dma_semaphore, #tpu.memory_space<semaphore_mem>>
        %dma_start3A = arith.constant 0 : i32
        %dma_start3A_55 = tpu.memref_slice %arg13[%scan3A_52, %dma_start3A] : memref<80x125xi32, #tpu.memory_space<vmem>> -> memref<1x125xi32, #tpu.memory_space<vmem>>
        %dma_start3A_56 = tpu.memref_squeeze %dma_start3A_55 : memref<1x125xi32, #tpu.memory_space<vmem>> -> memref<125xi32, #tpu.memory_space<vmem>>
        %dma_start3A_57 = arith.constant 0 : i32
        %dma_start3A_58 = arith.constant 0 : i32
        %dma_start3A_59 = tpu.memref_slice %arg3[%dma_start3A_57, %dma_start3A_58] : memref<10240x128xf32, #tpu.memory_space<hbm>> -> memref<10240x128xf32, #tpu.memory_space<hbm>>
        tpu.enqueue_indirect_dma source(%dma_start3A_59 : memref<10240x128xf32, #tpu.memory_space<hbm>>) target(%arg17 : memref<125x128xf32, #tpu.memory_space<vmem>>) offsets(%dma_start3A_56 : memref<125xi32, #tpu.memory_space<vmem>>) semaphore(%run_scoped3A : memref<!tpu.dma_semaphore, #tpu.memory_space<semaphore_mem>>)
        %dma_wait3A = arith.constant 0 : i32
        %dma_wait3A_60 = tpu.memref_slice %arg13[%scan3A_52, %dma_wait3A] : memref<80x125xi32, #tpu.memory_space<vmem>> -> memref<1x125xi32, #tpu.memory_space<vmem>>
        %dma_wait3A_61 = tpu.memref_squeeze %dma_wait3A_60 : memref<1x125xi32, #tpu.memory_space<vmem>> -> memref<125xi32, #tpu.memory_space<vmem>>
        %dma_wait3A_62 = arith.constant 0 : i32
        %dma_wait3A_63 = arith.constant 0 : i32
        %dma_wait3A_64 = tpu.memref_slice %arg3[%dma_wait3A_62, %dma_wait3A_63] : memref<10240x128xf32, #tpu.memory_space<hbm>> -> memref<10240x128xf32, #tpu.memory_space<hbm>>
        tpu.wait_indirect_dma semaphore(%run_scoped3A : memref<!tpu.dma_semaphore, #tpu.memory_space<semaphore_mem>>) src(%dma_wait3A_64 : memref<10240x128xf32, #tpu.memory_space<hbm>>) dst(%arg17 : memref<125x128xf32, #tpu.memory_space<vmem>>)
        tpu.yield
      }) : () -> ()
      "tpu.region"() ({
        %run_scoped3A = tpu.sem_alloc : memref<!tpu.dma_semaphore, #tpu.memory_space<semaphore_mem>>
        %dma_start3A = arith.constant 0 : i32
        %dma_start3A_55 = tpu.memref_slice %arg14[%scan3A_52, %dma_start3A] : memref<80x125xi32, #tpu.memory_space<vmem>> -> memref<1x125xi32, #tpu.memory_space<vmem>>
        %dma_start3A_56 = tpu.memref_squeeze %dma_start3A_55 : memref<1x125xi32, #tpu.memory_space<vmem>> -> memref<125xi32, #tpu.memory_space<vmem>>
        %dma_start3A_57 = arith.constant 0 : i32
        %dma_start3A_58 = arith.constant 0 : i32
        %dma_start3A_59 = tpu.memref_slice %arg18[%dma_start3A_57, %dma_start3A_58] : memref<10240x128xf32, #tpu.memory_space<vmem_shared>> -> memref<10240x128xf32, #tpu.memory_space<vmem_shared>>
        tpu.enqueue_indirect_dma source(%arg17 : memref<125x128xf32, #tpu.memory_space<vmem>>) target(%dma_start3A_59 : memref<10240x128xf32, #tpu.memory_space<vmem_shared>>) offsets(%dma_start3A_56 : memref<125xi32, #tpu.memory_space<vmem>>) semaphore(%run_scoped3A : memref<!tpu.dma_semaphore, #tpu.memory_space<semaphore_mem>>) {add = true}
        %dma_wait3A = arith.constant 0 : i32
        %dma_wait3A_60 = tpu.memref_slice %arg14[%scan3A_52, %dma_wait3A] : memref<80x125xi32, #tpu.memory_space<vmem>> -> memref<1x125xi32, #tpu.memory_space<vmem>>
        %dma_wait3A_61 = tpu.memref_squeeze %dma_wait3A_60 : memref<1x125xi32, #tpu.memory_space<vmem>> -> memref<125xi32, #tpu.memory_space<vmem>>
        %dma_wait3A_62 = arith.constant 0 : i32
        %dma_wait3A_63 = arith.constant 0 : i32
        %dma_wait3A_64 = tpu.memref_slice %arg18[%dma_wait3A_62, %dma_wait3A_63] : memref<10240x128xf32, #tpu.memory_space<vmem_shared>> -> memref<10240x128xf32, #tpu.memory_space<vmem_shared>>
        tpu.wait_indirect_dma semaphore(%run_scoped3A : memref<!tpu.dma_semaphore, #tpu.memory_space<semaphore_mem>>) src(%arg17 : memref<125x128xf32, #tpu.memory_space<vmem>>) dst(%dma_wait3A_64 : memref<10240x128xf32, #tpu.memory_space<vmem_shared>>)
        tpu.yield
      }) : () -> ()
      %scan3A_54 = arith.constant 0 : i32
      scf.yield %scan3A_54 : i32
    }
    %scan3A_27 = arith.constant 80 : i32
    %barrier3A_28 = arith.constant 0 : index
    tpu.barrier barrier_id(%barrier3A_28)
    %mul3A_29 = arith.constant 640 : i32
    %mul3A_30 = arith.muli %arg1, %mul3A_29 : i32
    %mul3A_31 = arith.constant 640 : i32
    %mul3A_32 = arith.muli %arg1, %mul3A_31 : i32
    "tpu.region"() ({
      %run_scoped3A = tpu.sem_alloc : memref<!tpu.dma_semaphore, #tpu.memory_space<semaphore_mem>>
      %dma_start3A = arith.constant 0 : i32
      %dma_start3A_52 = tpu.memref_slice %arg11[%arg0, %mul3A_32, %dma_start3A] : memref<2x10240x128xf32, #tpu.memory_space<hbm>> -> memref<1x640x128xf32, #tpu.memory_space<hbm>>
      %dma_start3A_53 = tpu.memref_squeeze %dma_start3A_52 : memref<1x640x128xf32, #tpu.memory_space<hbm>> -> memref<640x128xf32, #tpu.memory_space<hbm>>
      %dma_start3A_54 = arith.constant 0 : i32
      %dma_start3A_55 = tpu.memref_slice %arg18[%mul3A_30, %dma_start3A_54] : memref<10240x128xf32, #tpu.memory_space<vmem_shared>> -> memref<640x128xf32, #tpu.memory_space<vmem_shared>>
      tpu.enqueue_dma source(%dma_start3A_55 : memref<640x128xf32, #tpu.memory_space<vmem_shared>>) target(%dma_start3A_53 : memref<640x128xf32, #tpu.memory_space<hbm>>) target_semaphore(%run_scoped3A : memref<!tpu.dma_semaphore, #tpu.memory_space<semaphore_mem>>)
      %dma_wait3A = arith.constant 0 : i32
      %dma_wait3A_56 = tpu.memref_slice %arg11[%arg0, %mul3A_32, %dma_wait3A] : memref<2x10240x128xf32, #tpu.memory_space<hbm>> -> memref<1x640x128xf32, #tpu.memory_space<hbm>>
      %dma_wait3A_57 = tpu.memref_squeeze %dma_wait3A_56 : memref<1x640x128xf32, #tpu.memory_space<hbm>> -> memref<640x128xf32, #tpu.memory_space<hbm>>
      %dma_wait3A_58 = arith.constant 0 : i32
      %dma_wait3A_59 = tpu.memref_slice %arg18[%mul3A_30, %dma_wait3A_58] : memref<10240x128xf32, #tpu.memory_space<vmem_shared>> -> memref<640x128xf32, #tpu.memory_space<vmem_shared>>
      tpu.wait_dma2 semaphore(%run_scoped3A : memref<!tpu.dma_semaphore, #tpu.memory_space<semaphore_mem>>) src(%dma_wait3A_59 : memref<640x128xf32, #tpu.memory_space<vmem_shared>>) dst(%dma_wait3A_57 : memref<640x128xf32, #tpu.memory_space<hbm>>)
      tpu.yield
    }) : () -> ()
    %mul3A_33 = arith.constant 80 : i32
    %mul3A_34 = arith.muli %add3A, %mul3A_33 : i32
    "tpu.region"() ({
      %run_scoped3A = tpu.sem_alloc : memref<!tpu.dma_semaphore, #tpu.memory_space<semaphore_mem>>
      %dma_start3A = arith.constant 0 : i32
      %dma_start3A_52 = tpu.memref_slice %arg7[%mul3A_34, %dma_start3A] : memref<2560x125xi32, #tpu.memory_space<hbm>> -> memref<80x125xi32, #tpu.memory_space<hbm>>
      %dma_start3A_53 = arith.constant 0 : i32
      %dma_start3A_54 = tpu.memref_slice %arg7[%mul3A_34, %dma_start3A_53] : memref<2560x125xi32, #tpu.memory_space<hbm>> -> memref<80x125xi32, #tpu.memory_space<hbm>>
      tpu.enqueue_dma source(%dma_start3A_54 : memref<80x125xi32, #tpu.memory_space<hbm>>) target(%arg13 : memref<80x125xi32, #tpu.memory_space<vmem>>) target_semaphore(%run_scoped3A : memref<!tpu.dma_semaphore, #tpu.memory_space<semaphore_mem>>)
      %dma_wait3A = arith.constant 0 : i32
      %dma_wait3A_55 = tpu.memref_slice %arg7[%mul3A_34, %dma_wait3A] : memref<2560x125xi32, #tpu.memory_space<hbm>> -> memref<80x125xi32, #tpu.memory_space<hbm>>
      %dma_wait3A_56 = arith.constant 0 : i32
      %dma_wait3A_57 = tpu.memref_slice %arg7[%mul3A_34, %dma_wait3A_56] : memref<2560x125xi32, #tpu.memory_space<hbm>> -> memref<80x125xi32, #tpu.memory_space<hbm>>
      tpu.wait_dma2 semaphore(%run_scoped3A : memref<!tpu.dma_semaphore, #tpu.memory_space<semaphore_mem>>) src(%dma_wait3A_57 : memref<80x125xi32, #tpu.memory_space<hbm>>) dst(%arg13 : memref<80x125xi32, #tpu.memory_space<vmem>>)
      tpu.yield
    }) : () -> ()
    %mul3A_35 = arith.constant 80 : i32
    %mul3A_36 = arith.muli %add3A, %mul3A_35 : i32
    "tpu.region"() ({
      %run_scoped3A = tpu.sem_alloc : memref<!tpu.dma_semaphore, #tpu.memory_space<semaphore_mem>>
      %dma_start3A = arith.constant 0 : i32
      %dma_start3A_52 = tpu.memref_slice %arg8[%mul3A_36, %dma_start3A] : memref<2560x125xi32, #tpu.memory_space<hbm>> -> memref<80x125xi32, #tpu.memory_space<hbm>>
      %dma_start3A_53 = arith.constant 0 : i32
      %dma_start3A_54 = tpu.memref_slice %arg8[%mul3A_36, %dma_start3A_53] : memref<2560x125xi32, #tpu.memory_space<hbm>> -> memref<80x125xi32, #tpu.memory_space<hbm>>
      tpu.enqueue_dma source(%dma_start3A_54 : memref<80x125xi32, #tpu.memory_space<hbm>>) target(%arg14 : memref<80x125xi32, #tpu.memory_space<vmem>>) target_semaphore(%run_scoped3A : memref<!tpu.dma_semaphore, #tpu.memory_space<semaphore_mem>>)
      %dma_wait3A = arith.constant 0 : i32
      %dma_wait3A_55 = tpu.memref_slice %arg8[%mul3A_36, %dma_wait3A] : memref<2560x125xi32, #tpu.memory_space<hbm>> -> memref<80x125xi32, #tpu.memory_space<hbm>>
      %dma_wait3A_56 = arith.constant 0 : i32
      %dma_wait3A_57 = tpu.memref_slice %arg8[%mul3A_36, %dma_wait3A_56] : memref<2560x125xi32, #tpu.memory_space<hbm>> -> memref<80x125xi32, #tpu.memory_space<hbm>>
      tpu.wait_dma2 semaphore(%run_scoped3A : memref<!tpu.dma_semaphore, #tpu.memory_space<semaphore_mem>>) src(%dma_wait3A_57 : memref<80x125xi32, #tpu.memory_space<hbm>>) dst(%arg14 : memref<80x125xi32, #tpu.memory_space<vmem>>)
      tpu.yield
    }) : () -> ()
    %mul3A_37 = arith.constant 640 : i32
    %mul3A_38 = arith.muli %arg1, %mul3A_37 : i32
    "tpu.region"() ({
      %run_scoped3A = tpu.sem_alloc : memref<!tpu.dma_semaphore, #tpu.memory_space<semaphore_mem>>
      %dma_start3A = arith.constant 0 : i32
      %dma_start3A_52 = tpu.memref_slice %arg18[%mul3A_38, %dma_start3A] : memref<10240x128xf32, #tpu.memory_space<vmem_shared>> -> memref<640x128xf32, #tpu.memory_space<vmem_shared>>
      tpu.enqueue_dma source(%arg9 : memref<640x128xf32, #tpu.memory_space<hbm>>) target(%dma_start3A_52 : memref<640x128xf32, #tpu.memory_space<vmem_shared>>) target_semaphore(%run_scoped3A : memref<!tpu.dma_semaphore, #tpu.memory_space<semaphore_mem>>)
      %dma_wait3A = arith.constant 0 : i32
      %dma_wait3A_53 = tpu.memref_slice %arg18[%mul3A_38, %dma_wait3A] : memref<10240x128xf32, #tpu.memory_space<vmem_shared>> -> memref<640x128xf32, #tpu.memory_space<vmem_shared>>
      tpu.wait_dma2 semaphore(%run_scoped3A : memref<!tpu.dma_semaphore, #tpu.memory_space<semaphore_mem>>) src(%arg9 : memref<640x128xf32, #tpu.memory_space<hbm>>) dst(%dma_wait3A_53 : memref<640x128xf32, #tpu.memory_space<vmem_shared>>)
      tpu.yield
    }) : () -> ()
    %barrier3A_39 = arith.constant 0 : index
    tpu.barrier barrier_id(%barrier3A_39)
    %scan3A_40 = arith.constant 0 : i32
    %scan3A_41 = arith.constant 0 : i32
    %scan3A_42 = arith.constant 80 : i32
    %scan3A_43 = arith.addi %scan3A_41, %scan3A_42 : i32
    %scan3A_44 = arith.constant 1 : i32
    %scan3A_45 = scf.for %scan3A_52 = %scan3A_41 to %scan3A_43 step %scan3A_44 iter_args(%scan3A_53 = %scan3A_40) -> (i32)  : i32 {
      "tpu.region"() ({
        %run_scoped3A = tpu.sem_alloc : memref<!tpu.dma_semaphore, #tpu.memory_space<semaphore_mem>>
        %dma_start3A = arith.constant 0 : i32
        %dma_start3A_55 = tpu.memref_slice %arg13[%scan3A_52, %dma_start3A] : memref<80x125xi32, #tpu.memory_space<vmem>> -> memref<1x125xi32, #tpu.memory_space<vmem>>
        %dma_start3A_56 = tpu.memref_squeeze %dma_start3A_55 : memref<1x125xi32, #tpu.memory_space<vmem>> -> memref<125xi32, #tpu.memory_space<vmem>>
        %dma_start3A_57 = arith.constant 0 : i32
        %dma_start3A_58 = arith.constant 0 : i32
        %dma_start3A_59 = tpu.memref_slice %arg4[%dma_start3A_57, %dma_start3A_58] : memref<10240x128xf32, #tpu.memory_space<hbm>> -> memref<10240x128xf32, #tpu.memory_space<hbm>>
        tpu.enqueue_indirect_dma source(%dma_start3A_59 : memref<10240x128xf32, #tpu.memory_space<hbm>>) target(%arg17 : memref<125x128xf32, #tpu.memory_space<vmem>>) offsets(%dma_start3A_56 : memref<125xi32, #tpu.memory_space<vmem>>) semaphore(%run_scoped3A : memref<!tpu.dma_semaphore, #tpu.memory_space<semaphore_mem>>)
        %dma_wait3A = arith.constant 0 : i32
        %dma_wait3A_60 = tpu.memref_slice %arg13[%scan3A_52, %dma_wait3A] : memref<80x125xi32, #tpu.memory_space<vmem>> -> memref<1x125xi32, #tpu.memory_space<vmem>>
        %dma_wait3A_61 = tpu.memref_squeeze %dma_wait3A_60 : memref<1x125xi32, #tpu.memory_space<vmem>> -> memref<125xi32, #tpu.memory_space<vmem>>
        %dma_wait3A_62 = arith.constant 0 : i32
        %dma_wait3A_63 = arith.constant 0 : i32
        %dma_wait3A_64 = tpu.memref_slice %arg4[%dma_wait3A_62, %dma_wait3A_63] : memref<10240x128xf32, #tpu.memory_space<hbm>> -> memref<10240x128xf32, #tpu.memory_space<hbm>>
        tpu.wait_indirect_dma semaphore(%run_scoped3A : memref<!tpu.dma_semaphore, #tpu.memory_space<semaphore_mem>>) src(%dma_wait3A_64 : memref<10240x128xf32, #tpu.memory_space<hbm>>) dst(%arg17 : memref<125x128xf32, #tpu.memory_space<vmem>>)
        tpu.yield
      }) : () -> ()
      "tpu.region"() ({
        %run_scoped3A = tpu.sem_alloc : memref<!tpu.dma_semaphore, #tpu.memory_space<semaphore_mem>>
        %dma_start3A = arith.constant 0 : i32
        %dma_start3A_55 = tpu.memref_slice %arg14[%scan3A_52, %dma_start3A] : memref<80x125xi32, #tpu.memory_space<vmem>> -> memref<1x125xi32, #tpu.memory_space<vmem>>
        %dma_start3A_56 = tpu.memref_squeeze %dma_start3A_55 : memref<1x125xi32, #tpu.memory_space<vmem>> -> memref<125xi32, #tpu.memory_space<vmem>>
        %dma_start3A_57 = arith.constant 0 : i32
        %dma_start3A_58 = arith.constant 0 : i32
        %dma_start3A_59 = tpu.memref_slice %arg18[%dma_start3A_57, %dma_start3A_58] : memref<10240x128xf32, #tpu.memory_space<vmem_shared>> -> memref<10240x128xf32, #tpu.memory_space<vmem_shared>>
        tpu.enqueue_indirect_dma source(%arg17 : memref<125x128xf32, #tpu.memory_space<vmem>>) target(%dma_start3A_59 : memref<10240x128xf32, #tpu.memory_space<vmem_shared>>) offsets(%dma_start3A_56 : memref<125xi32, #tpu.memory_space<vmem>>) semaphore(%run_scoped3A : memref<!tpu.dma_semaphore, #tpu.memory_space<semaphore_mem>>) {add = true}
        %dma_wait3A = arith.constant 0 : i32
        %dma_wait3A_60 = tpu.memref_slice %arg14[%scan3A_52, %dma_wait3A] : memref<80x125xi32, #tpu.memory_space<vmem>> -> memref<1x125xi32, #tpu.memory_space<vmem>>
        %dma_wait3A_61 = tpu.memref_squeeze %dma_wait3A_60 : memref<1x125xi32, #tpu.memory_space<vmem>> -> memref<125xi32, #tpu.memory_space<vmem>>
        %dma_wait3A_62 = arith.constant 0 : i32
        %dma_wait3A_63 = arith.constant 0 : i32
        %dma_wait3A_64 = tpu.memref_slice %arg18[%dma_wait3A_62, %dma_wait3A_63] : memref<10240x128xf32, #tpu.memory_space<vmem_shared>> -> memref<10240x128xf32, #tpu.memory_space<vmem_shared>>
        tpu.wait_indirect_dma semaphore(%run_scoped3A : memref<!tpu.dma_semaphore, #tpu.memory_space<semaphore_mem>>) src(%arg17 : memref<125x128xf32, #tpu.memory_space<vmem>>) dst(%dma_wait3A_64 : memref<10240x128xf32, #tpu.memory_space<vmem_shared>>)
        tpu.yield
      }) : () -> ()
      %scan3A_54 = arith.constant 0 : i32
      scf.yield %scan3A_54 : i32
    }
    %scan3A_46 = arith.constant 80 : i32
    %barrier3A_47 = arith.constant 0 : index
    tpu.barrier barrier_id(%barrier3A_47)
    %mul3A_48 = arith.constant 640 : i32
    %mul3A_49 = arith.muli %arg1, %mul3A_48 : i32
    %mul3A_50 = arith.constant 640 : i32
    %mul3A_51 = arith.muli %arg1, %mul3A_50 : i32
    "tpu.region"() ({
      %run_scoped3A = tpu.sem_alloc : memref<!tpu.dma_semaphore, #tpu.memory_space<semaphore_mem>>
      %dma_start3A = arith.constant 0 : i32
      %dma_start3A_52 = tpu.memref_slice %arg12[%arg0, %mul3A_51, %dma_start3A] : memref<2x10240x128xf32, #tpu.memory_space<hbm>> -> memref<1x640x128xf32, #tpu.memory_space<hbm>>
      %dma_start3A_53 = tpu.memref_squeeze %dma_start3A_52 : memref<1x640x128xf32, #tpu.memory_space<hbm>> -> memref<640x128xf32, #tpu.memory_space<hbm>>
      %dma_start3A_54 = arith.constant 0 : i32
      %dma_start3A_55 = tpu.memref_slice %arg18[%mul3A_49, %dma_start3A_54] : memref<10240x128xf32, #tpu.memory_space<vmem_shared>> -> memref<640x128xf32, #tpu.memory_space<vmem_shared>>
      tpu.enqueue_dma source(%dma_start3A_55 : memref<640x128xf32, #tpu.memory_space<vmem_shared>>) target(%dma_start3A_53 : memref<640x128xf32, #tpu.memory_space<hbm>>) target_semaphore(%run_scoped3A : memref<!tpu.dma_semaphore, #tpu.memory_space<semaphore_mem>>)
      %dma_wait3A = arith.constant 0 : i32
      %dma_wait3A_56 = tpu.memref_slice %arg12[%arg0, %mul3A_51, %dma_wait3A] : memref<2x10240x128xf32, #tpu.memory_space<hbm>> -> memref<1x640x128xf32, #tpu.memory_space<hbm>>
      %dma_wait3A_57 = tpu.memref_squeeze %dma_wait3A_56 : memref<1x640x128xf32, #tpu.memory_space<hbm>> -> memref<640x128xf32, #tpu.memory_space<hbm>>
      %dma_wait3A_58 = arith.constant 0 : i32
      %dma_wait3A_59 = tpu.memref_slice %arg18[%mul3A_49, %dma_wait3A_58] : memref<10240x128xf32, #tpu.memory_space<vmem_shared>> -> memref<640x128xf32, #tpu.memory_space<vmem_shared>>
      tpu.wait_dma2 semaphore(%run_scoped3A : memref<!tpu.dma_semaphore, #tpu.memory_space<semaphore_mem>>) src(%dma_wait3A_59 : memref<640x128xf32, #tpu.memory_space<vmem_shared>>) dst(%dma_wait3A_57 : memref<640x128xf32, #tpu.memory_space<hbm>>)
      tpu.yield
    }) : () -> ()
    return
  }
}

#map = affine_map<(d0, d1) -> (0, 0)>
#map1 = affine_map<(d0, d1) -> (0)>
#map2 = affine_map<(d0, d1) -> (0, 0, 0)>
module attributes {stable_mosaic.version = 14 : i64} {
  func.func @body(%arg0: i32, %arg1: i32, %arg2: memref<10240x128xf32, #tpu.memory_space<hbm>>, %arg3: memref<10240x128xf32, #tpu.memory_space<hbm>>, %arg4: memref<2560x125xi32, #tpu.memory_space<hbm>>, %arg5: memref<2560x125xi32, #tpu.memory_space<hbm>>, %arg6: memref<2560x125xi32, #tpu.memory_space<hbm>>, %arg7: memref<2560x125xi32, #tpu.memory_space<hbm>>, %arg8: memref<640x128xf32, #tpu.memory_space<hbm>>, %arg9: memref<10240x128xf32, #tpu.memory_space<hbm>>, %arg10: memref<10240xi32, #tpu.memory_space<hbm>>, %arg11: memref<2x10240x128xf32, #tpu.memory_space<hbm>>, %arg12: memref<2x10240x128xf32, #tpu.memory_space<hbm>>, %arg13: memref<10240x128xf32, #tpu.memory_space<hbm>>, %arg14: memref<80x125xi32, #tpu.memory_space<vmem>>, %arg15: memref<80x125xi32, #tpu.memory_space<vmem>>, %arg16: memref<64xi32, #tpu.memory_space<vmem>>, %arg17: memref<64x128xf32, #tpu.memory_space<vmem>>, %arg18: memref<125x128xf32, #tpu.memory_space<vmem>>, %arg19: memref<10240x128xf32, #tpu.memory_space<vmem_shared>>) attributes {dimension_semantics = [#tpu.dimension_semantics<core_parallel>, #tpu.dimension_semantics<subcore_parallel>], iteration_bounds = array<i64: 2, 16>, scalar_prefetch = 0 : i64, scratch_operands = 6 : i64, tpu.core_type = #tpu.core_type<sc_vector_subcore>, window_params = [{transform_indices = #map}, {transform_indices = #map}, {transform_indices = #map}, {transform_indices = #map}, {transform_indices = #map}, {transform_indices = #map}, {transform_indices = #map}, {transform_indices = #map}, {transform_indices = #map1}, {transform_indices = #map2}, {transform_indices = #map2}, {transform_indices = #map}]} {
    %mul3A = arith.constant 2 : i32
    %mul3A_0 = arith.muli %arg1, %mul3A : i32
    %add3A = arith.addi %mul3A_0, %arg0 : i32
    %scan3A = arith.constant 0 : i32
    %scan3A_1 = arith.constant 0 : i32
    %scan3A_2 = arith.constant 5 : i32
    %scan3A_3 = arith.addi %scan3A_1, %scan3A_2 : i32
    %scan3A_4 = arith.constant 1 : i32
    %scan3A_5 = scf.for %scan3A_44 = %scan3A_1 to %scan3A_3 step %scan3A_4 iter_args(%scan3A_45 = %scan3A) -> (i32)  : i32 {
      %mul3A_46 = arith.constant 32 : i32
      %mul3A_47 = arith.muli %scan3A_44, %mul3A_46 : i32
      %add3A_48 = arith.addi %add3A, %mul3A_47 : i32
      %lt3A = arith.constant 160 : i32
      %lt3A_49 = arith.cmpi slt, %add3A_48, %lt3A : i32
      %convert_element_type3A = arith.extui %lt3A_49 : i1 to i32
      %cond3A = arith.constant 0 : i32
      %cond3A_50 = arith.cmpi ne, %convert_element_type3A, %cond3A : i32
      scf.if %cond3A_50 {
        %mul3A_52 = arith.constant 64 : i32
        %mul3A_53 = arith.muli %add3A_48, %mul3A_52 : i32
        "tpu.region"() ({
          %run_scoped3A = tpu.sem_alloc : memref<!tpu.dma_semaphore, #tpu.memory_space<semaphore_mem>>
          %dma_start3A = tpu.memref_slice %arg10[%mul3A_53] : memref<10240xi32, #tpu.memory_space<hbm>> -> memref<64xi32, #tpu.memory_space<hbm>>
          %dma_start3A_56 = tpu.memref_slice %arg10[%mul3A_53] : memref<10240xi32, #tpu.memory_space<hbm>> -> memref<64xi32, #tpu.memory_space<hbm>>
          tpu.enqueue_dma source(%dma_start3A_56 : memref<64xi32, #tpu.memory_space<hbm>>) target(%arg16 : memref<64xi32, #tpu.memory_space<vmem>>) target_semaphore(%run_scoped3A : memref<!tpu.dma_semaphore, #tpu.memory_space<semaphore_mem>>)
          %dma_wait3A = tpu.memref_slice %arg10[%mul3A_53] : memref<10240xi32, #tpu.memory_space<hbm>> -> memref<64xi32, #tpu.memory_space<hbm>>
          %dma_wait3A_57 = tpu.memref_slice %arg10[%mul3A_53] : memref<10240xi32, #tpu.memory_space<hbm>> -> memref<64xi32, #tpu.memory_space<hbm>>
          tpu.wait_dma2 semaphore(%run_scoped3A : memref<!tpu.dma_semaphore, #tpu.memory_space<semaphore_mem>>) src(%dma_wait3A_57 : memref<64xi32, #tpu.memory_space<hbm>>) dst(%arg16 : memref<64xi32, #tpu.memory_space<vmem>>)
          tpu.yield
        }) : () -> ()
        "tpu.region"() ({
          %run_scoped3A = tpu.sem_alloc : memref<!tpu.dma_semaphore, #tpu.memory_space<semaphore_mem>>
          %dma_start3A = arith.constant 0 : i32
          %dma_start3A_56 = arith.constant 0 : i32
          %dma_start3A_57 = tpu.memref_slice %arg9[%dma_start3A, %dma_start3A_56] : memref<10240x128xf32, #tpu.memory_space<hbm>> -> memref<10240x128xf32, #tpu.memory_space<hbm>>
          tpu.enqueue_indirect_dma source(%dma_start3A_57 : memref<10240x128xf32, #tpu.memory_space<hbm>>) target(%arg17 : memref<64x128xf32, #tpu.memory_space<vmem>>) offsets(%arg16 : memref<64xi32, #tpu.memory_space<vmem>>) semaphore(%run_scoped3A : memref<!tpu.dma_semaphore, #tpu.memory_space<semaphore_mem>>)
          %dma_wait3A = arith.constant 0 : i32
          %dma_wait3A_58 = arith.constant 0 : i32
          %dma_wait3A_59 = tpu.memref_slice %arg9[%dma_wait3A, %dma_wait3A_58] : memref<10240x128xf32, #tpu.memory_space<hbm>> -> memref<10240x128xf32, #tpu.memory_space<hbm>>
          tpu.wait_indirect_dma semaphore(%run_scoped3A : memref<!tpu.dma_semaphore, #tpu.memory_space<semaphore_mem>>) src(%dma_wait3A_59 : memref<10240x128xf32, #tpu.memory_space<hbm>>) dst(%arg17 : memref<64x128xf32, #tpu.memory_space<vmem>>)
          tpu.yield
        }) : () -> ()
        %mul3A_54 = arith.constant 64 : i32
        %mul3A_55 = arith.muli %add3A_48, %mul3A_54 : i32
        "tpu.region"() ({
          %run_scoped3A = tpu.sem_alloc : memref<!tpu.dma_semaphore, #tpu.memory_space<semaphore_mem>>
          %dma_start3A = arith.constant 0 : i32
          %dma_start3A_56 = tpu.memref_slice %arg13[%mul3A_55, %dma_start3A] : memref<10240x128xf32, #tpu.memory_space<hbm>> -> memref<64x128xf32, #tpu.memory_space<hbm>>
          %dma_start3A_57 = arith.constant 0 : i32
          %dma_start3A_58 = tpu.memref_slice %arg13[%mul3A_55, %dma_start3A_57] : memref<10240x128xf32, #tpu.memory_space<hbm>> -> memref<64x128xf32, #tpu.memory_space<hbm>>
          tpu.enqueue_dma source(%arg17 : memref<64x128xf32, #tpu.memory_space<vmem>>) target(%dma_start3A_58 : memref<64x128xf32, #tpu.memory_space<hbm>>) target_semaphore(%run_scoped3A : memref<!tpu.dma_semaphore, #tpu.memory_space<semaphore_mem>>)
          %dma_wait3A = arith.constant 0 : i32
          %dma_wait3A_59 = tpu.memref_slice %arg13[%mul3A_55, %dma_wait3A] : memref<10240x128xf32, #tpu.memory_space<hbm>> -> memref<64x128xf32, #tpu.memory_space<hbm>>
          %dma_wait3A_60 = arith.constant 0 : i32
          %dma_wait3A_61 = tpu.memref_slice %arg13[%mul3A_55, %dma_wait3A_60] : memref<10240x128xf32, #tpu.memory_space<hbm>> -> memref<64x128xf32, #tpu.memory_space<hbm>>
          tpu.wait_dma2 semaphore(%run_scoped3A : memref<!tpu.dma_semaphore, #tpu.memory_space<semaphore_mem>>) src(%arg17 : memref<64x128xf32, #tpu.memory_space<vmem>>) dst(%dma_wait3A_61 : memref<64x128xf32, #tpu.memory_space<hbm>>)
          tpu.yield
        }) : () -> ()
      } else {
      }
      %scan3A_51 = arith.constant 0 : i32
      scf.yield %scan3A_51 : i32
    }
    %scan3A_6 = arith.constant 5 : i32
    %mul3A_7 = arith.constant 80 : i32
    %mul3A_8 = arith.muli %add3A, %mul3A_7 : i32
    "tpu.region"() ({
      %run_scoped3A = tpu.sem_alloc : memref<!tpu.dma_semaphore, #tpu.memory_space<semaphore_mem>>
      %dma_start3A = arith.constant 0 : i32
      %dma_start3A_44 = tpu.memref_slice %arg4[%mul3A_8, %dma_start3A] : memref<2560x125xi32, #tpu.memory_space<hbm>> -> memref<80x125xi32, #tpu.memory_space<hbm>>
      %dma_start3A_45 = arith.constant 0 : i32
      %dma_start3A_46 = tpu.memref_slice %arg4[%mul3A_8, %dma_start3A_45] : memref<2560x125xi32, #tpu.memory_space<hbm>> -> memref<80x125xi32, #tpu.memory_space<hbm>>
      tpu.enqueue_dma source(%dma_start3A_46 : memref<80x125xi32, #tpu.memory_space<hbm>>) target(%arg14 : memref<80x125xi32, #tpu.memory_space<vmem>>) target_semaphore(%run_scoped3A : memref<!tpu.dma_semaphore, #tpu.memory_space<semaphore_mem>>)
      %dma_wait3A = arith.constant 0 : i32
      %dma_wait3A_47 = tpu.memref_slice %arg4[%mul3A_8, %dma_wait3A] : memref<2560x125xi32, #tpu.memory_space<hbm>> -> memref<80x125xi32, #tpu.memory_space<hbm>>
      %dma_wait3A_48 = arith.constant 0 : i32
      %dma_wait3A_49 = tpu.memref_slice %arg4[%mul3A_8, %dma_wait3A_48] : memref<2560x125xi32, #tpu.memory_space<hbm>> -> memref<80x125xi32, #tpu.memory_space<hbm>>
      tpu.wait_dma2 semaphore(%run_scoped3A : memref<!tpu.dma_semaphore, #tpu.memory_space<semaphore_mem>>) src(%dma_wait3A_49 : memref<80x125xi32, #tpu.memory_space<hbm>>) dst(%arg14 : memref<80x125xi32, #tpu.memory_space<vmem>>)
      tpu.yield
    }) : () -> ()
    %mul3A_9 = arith.constant 80 : i32
    %mul3A_10 = arith.muli %add3A, %mul3A_9 : i32
    "tpu.region"() ({
      %run_scoped3A = tpu.sem_alloc : memref<!tpu.dma_semaphore, #tpu.memory_space<semaphore_mem>>
      %dma_start3A = arith.constant 0 : i32
      %dma_start3A_44 = tpu.memref_slice %arg5[%mul3A_10, %dma_start3A] : memref<2560x125xi32, #tpu.memory_space<hbm>> -> memref<80x125xi32, #tpu.memory_space<hbm>>
      %dma_start3A_45 = arith.constant 0 : i32
      %dma_start3A_46 = tpu.memref_slice %arg5[%mul3A_10, %dma_start3A_45] : memref<2560x125xi32, #tpu.memory_space<hbm>> -> memref<80x125xi32, #tpu.memory_space<hbm>>
      tpu.enqueue_dma source(%dma_start3A_46 : memref<80x125xi32, #tpu.memory_space<hbm>>) target(%arg15 : memref<80x125xi32, #tpu.memory_space<vmem>>) target_semaphore(%run_scoped3A : memref<!tpu.dma_semaphore, #tpu.memory_space<semaphore_mem>>)
      %dma_wait3A = arith.constant 0 : i32
      %dma_wait3A_47 = tpu.memref_slice %arg5[%mul3A_10, %dma_wait3A] : memref<2560x125xi32, #tpu.memory_space<hbm>> -> memref<80x125xi32, #tpu.memory_space<hbm>>
      %dma_wait3A_48 = arith.constant 0 : i32
      %dma_wait3A_49 = tpu.memref_slice %arg5[%mul3A_10, %dma_wait3A_48] : memref<2560x125xi32, #tpu.memory_space<hbm>> -> memref<80x125xi32, #tpu.memory_space<hbm>>
      tpu.wait_dma2 semaphore(%run_scoped3A : memref<!tpu.dma_semaphore, #tpu.memory_space<semaphore_mem>>) src(%dma_wait3A_49 : memref<80x125xi32, #tpu.memory_space<hbm>>) dst(%arg15 : memref<80x125xi32, #tpu.memory_space<vmem>>)
      tpu.yield
    }) : () -> ()
    %mul3A_11 = arith.constant 640 : i32
    %mul3A_12 = arith.muli %arg1, %mul3A_11 : i32
    "tpu.region"() ({
      %run_scoped3A = tpu.sem_alloc : memref<!tpu.dma_semaphore, #tpu.memory_space<semaphore_mem>>
      %dma_start3A = arith.constant 0 : i32
      %dma_start3A_44 = tpu.memref_slice %arg19[%mul3A_12, %dma_start3A] : memref<10240x128xf32, #tpu.memory_space<vmem_shared>> -> memref<640x128xf32, #tpu.memory_space<vmem_shared>>
      tpu.enqueue_dma source(%arg8 : memref<640x128xf32, #tpu.memory_space<hbm>>) target(%dma_start3A_44 : memref<640x128xf32, #tpu.memory_space<vmem_shared>>) target_semaphore(%run_scoped3A : memref<!tpu.dma_semaphore, #tpu.memory_space<semaphore_mem>>)
      %dma_wait3A = arith.constant 0 : i32
      %dma_wait3A_45 = tpu.memref_slice %arg19[%mul3A_12, %dma_wait3A] : memref<10240x128xf32, #tpu.memory_space<vmem_shared>> -> memref<640x128xf32, #tpu.memory_space<vmem_shared>>
      tpu.wait_dma2 semaphore(%run_scoped3A : memref<!tpu.dma_semaphore, #tpu.memory_space<semaphore_mem>>) src(%arg8 : memref<640x128xf32, #tpu.memory_space<hbm>>) dst(%dma_wait3A_45 : memref<640x128xf32, #tpu.memory_space<vmem_shared>>)
      tpu.yield
    }) : () -> ()
    %barrier3A = arith.constant 0 : index
    tpu.barrier barrier_id(%barrier3A)
    %scan3A_13 = arith.constant 0 : i32
    %scan3A_14 = arith.constant 0 : i32
    %scan3A_15 = arith.constant 80 : i32
    %scan3A_16 = arith.addi %scan3A_14, %scan3A_15 : i32
    %scan3A_17 = arith.constant 1 : i32
    %scan3A_18 = scf.for %scan3A_44 = %scan3A_14 to %scan3A_16 step %scan3A_17 iter_args(%scan3A_45 = %scan3A_13) -> (i32)  : i32 {
      "tpu.region"() ({
        %run_scoped3A = tpu.sem_alloc : memref<!tpu.dma_semaphore, #tpu.memory_space<semaphore_mem>>
        %dma_start3A = arith.constant 0 : i32
        %dma_start3A_47 = tpu.memref_slice %arg14[%scan3A_44, %dma_start3A] : memref<80x125xi32, #tpu.memory_space<vmem>> -> memref<1x125xi32, #tpu.memory_space<vmem>>
        %dma_start3A_48 = tpu.memref_squeeze %dma_start3A_47 : memref<1x125xi32, #tpu.memory_space<vmem>> -> memref<125xi32, #tpu.memory_space<vmem>>
        %dma_start3A_49 = arith.constant 0 : i32
        %dma_start3A_50 = arith.constant 0 : i32
        %dma_start3A_51 = tpu.memref_slice %arg2[%dma_start3A_49, %dma_start3A_50] : memref<10240x128xf32, #tpu.memory_space<hbm>> -> memref<10240x128xf32, #tpu.memory_space<hbm>>
        tpu.enqueue_indirect_dma source(%dma_start3A_51 : memref<10240x128xf32, #tpu.memory_space<hbm>>) target(%arg18 : memref<125x128xf32, #tpu.memory_space<vmem>>) offsets(%dma_start3A_48 : memref<125xi32, #tpu.memory_space<vmem>>) semaphore(%run_scoped3A : memref<!tpu.dma_semaphore, #tpu.memory_space<semaphore_mem>>)
        %dma_wait3A = arith.constant 0 : i32
        %dma_wait3A_52 = tpu.memref_slice %arg14[%scan3A_44, %dma_wait3A] : memref<80x125xi32, #tpu.memory_space<vmem>> -> memref<1x125xi32, #tpu.memory_space<vmem>>
        %dma_wait3A_53 = tpu.memref_squeeze %dma_wait3A_52 : memref<1x125xi32, #tpu.memory_space<vmem>> -> memref<125xi32, #tpu.memory_space<vmem>>
        %dma_wait3A_54 = arith.constant 0 : i32
        %dma_wait3A_55 = arith.constant 0 : i32
        %dma_wait3A_56 = tpu.memref_slice %arg2[%dma_wait3A_54, %dma_wait3A_55] : memref<10240x128xf32, #tpu.memory_space<hbm>> -> memref<10240x128xf32, #tpu.memory_space<hbm>>
        tpu.wait_indirect_dma semaphore(%run_scoped3A : memref<!tpu.dma_semaphore, #tpu.memory_space<semaphore_mem>>) src(%dma_wait3A_56 : memref<10240x128xf32, #tpu.memory_space<hbm>>) dst(%arg18 : memref<125x128xf32, #tpu.memory_space<vmem>>)
        tpu.yield
      }) : () -> ()
      "tpu.region"() ({
        %run_scoped3A = tpu.sem_alloc : memref<!tpu.dma_semaphore, #tpu.memory_space<semaphore_mem>>
        %dma_start3A = arith.constant 0 : i32
        %dma_start3A_47 = tpu.memref_slice %arg15[%scan3A_44, %dma_start3A] : memref<80x125xi32, #tpu.memory_space<vmem>> -> memref<1x125xi32, #tpu.memory_space<vmem>>
        %dma_start3A_48 = tpu.memref_squeeze %dma_start3A_47 : memref<1x125xi32, #tpu.memory_space<vmem>> -> memref<125xi32, #tpu.memory_space<vmem>>
        %dma_start3A_49 = arith.constant 0 : i32
        %dma_start3A_50 = arith.constant 0 : i32
        %dma_start3A_51 = tpu.memref_slice %arg19[%dma_start3A_49, %dma_start3A_50] : memref<10240x128xf32, #tpu.memory_space<vmem_shared>> -> memref<10240x128xf32, #tpu.memory_space<vmem_shared>>
        tpu.enqueue_indirect_dma source(%arg18 : memref<125x128xf32, #tpu.memory_space<vmem>>) target(%dma_start3A_51 : memref<10240x128xf32, #tpu.memory_space<vmem_shared>>) offsets(%dma_start3A_48 : memref<125xi32, #tpu.memory_space<vmem>>) semaphore(%run_scoped3A : memref<!tpu.dma_semaphore, #tpu.memory_space<semaphore_mem>>) {add = true}
        %dma_wait3A = arith.constant 0 : i32
        %dma_wait3A_52 = tpu.memref_slice %arg15[%scan3A_44, %dma_wait3A] : memref<80x125xi32, #tpu.memory_space<vmem>> -> memref<1x125xi32, #tpu.memory_space<vmem>>
        %dma_wait3A_53 = tpu.memref_squeeze %dma_wait3A_52 : memref<1x125xi32, #tpu.memory_space<vmem>> -> memref<125xi32, #tpu.memory_space<vmem>>
        %dma_wait3A_54 = arith.constant 0 : i32
        %dma_wait3A_55 = arith.constant 0 : i32
        %dma_wait3A_56 = tpu.memref_slice %arg19[%dma_wait3A_54, %dma_wait3A_55] : memref<10240x128xf32, #tpu.memory_space<vmem_shared>> -> memref<10240x128xf32, #tpu.memory_space<vmem_shared>>
        tpu.wait_indirect_dma semaphore(%run_scoped3A : memref<!tpu.dma_semaphore, #tpu.memory_space<semaphore_mem>>) src(%arg18 : memref<125x128xf32, #tpu.memory_space<vmem>>) dst(%dma_wait3A_56 : memref<10240x128xf32, #tpu.memory_space<vmem_shared>>)
        tpu.yield
      }) : () -> ()
      %scan3A_46 = arith.constant 0 : i32
      scf.yield %scan3A_46 : i32
    }
    %scan3A_19 = arith.constant 80 : i32
    %barrier3A_20 = arith.constant 0 : index
    tpu.barrier barrier_id(%barrier3A_20)
    %mul3A_21 = arith.constant 640 : i32
    %mul3A_22 = arith.muli %arg1, %mul3A_21 : i32
    %mul3A_23 = arith.constant 640 : i32
    %mul3A_24 = arith.muli %arg1, %mul3A_23 : i32
    "tpu.region"() ({
      %run_scoped3A = tpu.sem_alloc : memref<!tpu.dma_semaphore, #tpu.memory_space<semaphore_mem>>
      %dma_start3A = arith.constant 0 : i32
      %dma_start3A_44 = tpu.memref_slice %arg11[%arg0, %mul3A_24, %dma_start3A] : memref<2x10240x128xf32, #tpu.memory_space<hbm>> -> memref<1x640x128xf32, #tpu.memory_space<hbm>>
      %dma_start3A_45 = tpu.memref_squeeze %dma_start3A_44 : memref<1x640x128xf32, #tpu.memory_space<hbm>> -> memref<640x128xf32, #tpu.memory_space<hbm>>
      %dma_start3A_46 = arith.constant 0 : i32
      %dma_start3A_47 = tpu.memref_slice %arg19[%mul3A_22, %dma_start3A_46] : memref<10240x128xf32, #tpu.memory_space<vmem_shared>> -> memref<640x128xf32, #tpu.memory_space<vmem_shared>>
      tpu.enqueue_dma source(%dma_start3A_47 : memref<640x128xf32, #tpu.memory_space<vmem_shared>>) target(%dma_start3A_45 : memref<640x128xf32, #tpu.memory_space<hbm>>) target_semaphore(%run_scoped3A : memref<!tpu.dma_semaphore, #tpu.memory_space<semaphore_mem>>)
      %dma_wait3A = arith.constant 0 : i32
      %dma_wait3A_48 = tpu.memref_slice %arg11[%arg0, %mul3A_24, %dma_wait3A] : memref<2x10240x128xf32, #tpu.memory_space<hbm>> -> memref<1x640x128xf32, #tpu.memory_space<hbm>>
      %dma_wait3A_49 = tpu.memref_squeeze %dma_wait3A_48 : memref<1x640x128xf32, #tpu.memory_space<hbm>> -> memref<640x128xf32, #tpu.memory_space<hbm>>
      %dma_wait3A_50 = arith.constant 0 : i32
      %dma_wait3A_51 = tpu.memref_slice %arg19[%mul3A_22, %dma_wait3A_50] : memref<10240x128xf32, #tpu.memory_space<vmem_shared>> -> memref<640x128xf32, #tpu.memory_space<vmem_shared>>
      tpu.wait_dma2 semaphore(%run_scoped3A : memref<!tpu.dma_semaphore, #tpu.memory_space<semaphore_mem>>) src(%dma_wait3A_51 : memref<640x128xf32, #tpu.memory_space<vmem_shared>>) dst(%dma_wait3A_49 : memref<640x128xf32, #tpu.memory_space<hbm>>)
      tpu.yield
    }) : () -> ()
    %mul3A_25 = arith.constant 80 : i32
    %mul3A_26 = arith.muli %add3A, %mul3A_25 : i32
    "tpu.region"() ({
      %run_scoped3A = tpu.sem_alloc : memref<!tpu.dma_semaphore, #tpu.memory_space<semaphore_mem>>
      %dma_start3A = arith.constant 0 : i32
      %dma_start3A_44 = tpu.memref_slice %arg6[%mul3A_26, %dma_start3A] : memref<2560x125xi32, #tpu.memory_space<hbm>> -> memref<80x125xi32, #tpu.memory_space<hbm>>
      %dma_start3A_45 = arith.constant 0 : i32
      %dma_start3A_46 = tpu.memref_slice %arg6[%mul3A_26, %dma_start3A_45] : memref<2560x125xi32, #tpu.memory_space<hbm>> -> memref<80x125xi32, #tpu.memory_space<hbm>>
      tpu.enqueue_dma source(%dma_start3A_46 : memref<80x125xi32, #tpu.memory_space<hbm>>) target(%arg14 : memref<80x125xi32, #tpu.memory_space<vmem>>) target_semaphore(%run_scoped3A : memref<!tpu.dma_semaphore, #tpu.memory_space<semaphore_mem>>)
      %dma_wait3A = arith.constant 0 : i32
      %dma_wait3A_47 = tpu.memref_slice %arg6[%mul3A_26, %dma_wait3A] : memref<2560x125xi32, #tpu.memory_space<hbm>> -> memref<80x125xi32, #tpu.memory_space<hbm>>
      %dma_wait3A_48 = arith.constant 0 : i32
      %dma_wait3A_49 = tpu.memref_slice %arg6[%mul3A_26, %dma_wait3A_48] : memref<2560x125xi32, #tpu.memory_space<hbm>> -> memref<80x125xi32, #tpu.memory_space<hbm>>
      tpu.wait_dma2 semaphore(%run_scoped3A : memref<!tpu.dma_semaphore, #tpu.memory_space<semaphore_mem>>) src(%dma_wait3A_49 : memref<80x125xi32, #tpu.memory_space<hbm>>) dst(%arg14 : memref<80x125xi32, #tpu.memory_space<vmem>>)
      tpu.yield
    }) : () -> ()
    %mul3A_27 = arith.constant 80 : i32
    %mul3A_28 = arith.muli %add3A, %mul3A_27 : i32
    "tpu.region"() ({
      %run_scoped3A = tpu.sem_alloc : memref<!tpu.dma_semaphore, #tpu.memory_space<semaphore_mem>>
      %dma_start3A = arith.constant 0 : i32
      %dma_start3A_44 = tpu.memref_slice %arg7[%mul3A_28, %dma_start3A] : memref<2560x125xi32, #tpu.memory_space<hbm>> -> memref<80x125xi32, #tpu.memory_space<hbm>>
      %dma_start3A_45 = arith.constant 0 : i32
      %dma_start3A_46 = tpu.memref_slice %arg7[%mul3A_28, %dma_start3A_45] : memref<2560x125xi32, #tpu.memory_space<hbm>> -> memref<80x125xi32, #tpu.memory_space<hbm>>
      tpu.enqueue_dma source(%dma_start3A_46 : memref<80x125xi32, #tpu.memory_space<hbm>>) target(%arg15 : memref<80x125xi32, #tpu.memory_space<vmem>>) target_semaphore(%run_scoped3A : memref<!tpu.dma_semaphore, #tpu.memory_space<semaphore_mem>>)
      %dma_wait3A = arith.constant 0 : i32
      %dma_wait3A_47 = tpu.memref_slice %arg7[%mul3A_28, %dma_wait3A] : memref<2560x125xi32, #tpu.memory_space<hbm>> -> memref<80x125xi32, #tpu.memory_space<hbm>>
      %dma_wait3A_48 = arith.constant 0 : i32
      %dma_wait3A_49 = tpu.memref_slice %arg7[%mul3A_28, %dma_wait3A_48] : memref<2560x125xi32, #tpu.memory_space<hbm>> -> memref<80x125xi32, #tpu.memory_space<hbm>>
      tpu.wait_dma2 semaphore(%run_scoped3A : memref<!tpu.dma_semaphore, #tpu.memory_space<semaphore_mem>>) src(%dma_wait3A_49 : memref<80x125xi32, #tpu.memory_space<hbm>>) dst(%arg15 : memref<80x125xi32, #tpu.memory_space<vmem>>)
      tpu.yield
    }) : () -> ()
    %mul3A_29 = arith.constant 640 : i32
    %mul3A_30 = arith.muli %arg1, %mul3A_29 : i32
    "tpu.region"() ({
      %run_scoped3A = tpu.sem_alloc : memref<!tpu.dma_semaphore, #tpu.memory_space<semaphore_mem>>
      %dma_start3A = arith.constant 0 : i32
      %dma_start3A_44 = tpu.memref_slice %arg19[%mul3A_30, %dma_start3A] : memref<10240x128xf32, #tpu.memory_space<vmem_shared>> -> memref<640x128xf32, #tpu.memory_space<vmem_shared>>
      tpu.enqueue_dma source(%arg8 : memref<640x128xf32, #tpu.memory_space<hbm>>) target(%dma_start3A_44 : memref<640x128xf32, #tpu.memory_space<vmem_shared>>) target_semaphore(%run_scoped3A : memref<!tpu.dma_semaphore, #tpu.memory_space<semaphore_mem>>)
      %dma_wait3A = arith.constant 0 : i32
      %dma_wait3A_45 = tpu.memref_slice %arg19[%mul3A_30, %dma_wait3A] : memref<10240x128xf32, #tpu.memory_space<vmem_shared>> -> memref<640x128xf32, #tpu.memory_space<vmem_shared>>
      tpu.wait_dma2 semaphore(%run_scoped3A : memref<!tpu.dma_semaphore, #tpu.memory_space<semaphore_mem>>) src(%arg8 : memref<640x128xf32, #tpu.memory_space<hbm>>) dst(%dma_wait3A_45 : memref<640x128xf32, #tpu.memory_space<vmem_shared>>)
      tpu.yield
    }) : () -> ()
    %barrier3A_31 = arith.constant 0 : index
    tpu.barrier barrier_id(%barrier3A_31)
    %scan3A_32 = arith.constant 0 : i32
    %scan3A_33 = arith.constant 0 : i32
    %scan3A_34 = arith.constant 80 : i32
    %scan3A_35 = arith.addi %scan3A_33, %scan3A_34 : i32
    %scan3A_36 = arith.constant 1 : i32
    %scan3A_37 = scf.for %scan3A_44 = %scan3A_33 to %scan3A_35 step %scan3A_36 iter_args(%scan3A_45 = %scan3A_32) -> (i32)  : i32 {
      "tpu.region"() ({
        %run_scoped3A = tpu.sem_alloc : memref<!tpu.dma_semaphore, #tpu.memory_space<semaphore_mem>>
        %dma_start3A = arith.constant 0 : i32
        %dma_start3A_47 = tpu.memref_slice %arg14[%scan3A_44, %dma_start3A] : memref<80x125xi32, #tpu.memory_space<vmem>> -> memref<1x125xi32, #tpu.memory_space<vmem>>
        %dma_start3A_48 = tpu.memref_squeeze %dma_start3A_47 : memref<1x125xi32, #tpu.memory_space<vmem>> -> memref<125xi32, #tpu.memory_space<vmem>>
        %dma_start3A_49 = arith.constant 0 : i32
        %dma_start3A_50 = arith.constant 0 : i32
        %dma_start3A_51 = tpu.memref_slice %arg3[%dma_start3A_49, %dma_start3A_50] : memref<10240x128xf32, #tpu.memory_space<hbm>> -> memref<10240x128xf32, #tpu.memory_space<hbm>>
        tpu.enqueue_indirect_dma source(%dma_start3A_51 : memref<10240x128xf32, #tpu.memory_space<hbm>>) target(%arg18 : memref<125x128xf32, #tpu.memory_space<vmem>>) offsets(%dma_start3A_48 : memref<125xi32, #tpu.memory_space<vmem>>) semaphore(%run_scoped3A : memref<!tpu.dma_semaphore, #tpu.memory_space<semaphore_mem>>)
        %dma_wait3A = arith.constant 0 : i32
        %dma_wait3A_52 = tpu.memref_slice %arg14[%scan3A_44, %dma_wait3A] : memref<80x125xi32, #tpu.memory_space<vmem>> -> memref<1x125xi32, #tpu.memory_space<vmem>>
        %dma_wait3A_53 = tpu.memref_squeeze %dma_wait3A_52 : memref<1x125xi32, #tpu.memory_space<vmem>> -> memref<125xi32, #tpu.memory_space<vmem>>
        %dma_wait3A_54 = arith.constant 0 : i32
        %dma_wait3A_55 = arith.constant 0 : i32
        %dma_wait3A_56 = tpu.memref_slice %arg3[%dma_wait3A_54, %dma_wait3A_55] : memref<10240x128xf32, #tpu.memory_space<hbm>> -> memref<10240x128xf32, #tpu.memory_space<hbm>>
        tpu.wait_indirect_dma semaphore(%run_scoped3A : memref<!tpu.dma_semaphore, #tpu.memory_space<semaphore_mem>>) src(%dma_wait3A_56 : memref<10240x128xf32, #tpu.memory_space<hbm>>) dst(%arg18 : memref<125x128xf32, #tpu.memory_space<vmem>>)
        tpu.yield
      }) : () -> ()
      "tpu.region"() ({
        %run_scoped3A = tpu.sem_alloc : memref<!tpu.dma_semaphore, #tpu.memory_space<semaphore_mem>>
        %dma_start3A = arith.constant 0 : i32
        %dma_start3A_47 = tpu.memref_slice %arg15[%scan3A_44, %dma_start3A] : memref<80x125xi32, #tpu.memory_space<vmem>> -> memref<1x125xi32, #tpu.memory_space<vmem>>
        %dma_start3A_48 = tpu.memref_squeeze %dma_start3A_47 : memref<1x125xi32, #tpu.memory_space<vmem>> -> memref<125xi32, #tpu.memory_space<vmem>>
        %dma_start3A_49 = arith.constant 0 : i32
        %dma_start3A_50 = arith.constant 0 : i32
        %dma_start3A_51 = tpu.memref_slice %arg19[%dma_start3A_49, %dma_start3A_50] : memref<10240x128xf32, #tpu.memory_space<vmem_shared>> -> memref<10240x128xf32, #tpu.memory_space<vmem_shared>>
        tpu.enqueue_indirect_dma source(%arg18 : memref<125x128xf32, #tpu.memory_space<vmem>>) target(%dma_start3A_51 : memref<10240x128xf32, #tpu.memory_space<vmem_shared>>) offsets(%dma_start3A_48 : memref<125xi32, #tpu.memory_space<vmem>>) semaphore(%run_scoped3A : memref<!tpu.dma_semaphore, #tpu.memory_space<semaphore_mem>>) {add = true}
        %dma_wait3A = arith.constant 0 : i32
        %dma_wait3A_52 = tpu.memref_slice %arg15[%scan3A_44, %dma_wait3A] : memref<80x125xi32, #tpu.memory_space<vmem>> -> memref<1x125xi32, #tpu.memory_space<vmem>>
        %dma_wait3A_53 = tpu.memref_squeeze %dma_wait3A_52 : memref<1x125xi32, #tpu.memory_space<vmem>> -> memref<125xi32, #tpu.memory_space<vmem>>
        %dma_wait3A_54 = arith.constant 0 : i32
        %dma_wait3A_55 = arith.constant 0 : i32
        %dma_wait3A_56 = tpu.memref_slice %arg19[%dma_wait3A_54, %dma_wait3A_55] : memref<10240x128xf32, #tpu.memory_space<vmem_shared>> -> memref<10240x128xf32, #tpu.memory_space<vmem_shared>>
        tpu.wait_indirect_dma semaphore(%run_scoped3A : memref<!tpu.dma_semaphore, #tpu.memory_space<semaphore_mem>>) src(%arg18 : memref<125x128xf32, #tpu.memory_space<vmem>>) dst(%dma_wait3A_56 : memref<10240x128xf32, #tpu.memory_space<vmem_shared>>)
        tpu.yield
      }) : () -> ()
      %scan3A_46 = arith.constant 0 : i32
      scf.yield %scan3A_46 : i32
    }
    %scan3A_38 = arith.constant 80 : i32
    %barrier3A_39 = arith.constant 0 : index
    tpu.barrier barrier_id(%barrier3A_39)
    %mul3A_40 = arith.constant 640 : i32
    %mul3A_41 = arith.muli %arg1, %mul3A_40 : i32
    %mul3A_42 = arith.constant 640 : i32
    %mul3A_43 = arith.muli %arg1, %mul3A_42 : i32
    "tpu.region"() ({
      %run_scoped3A = tpu.sem_alloc : memref<!tpu.dma_semaphore, #tpu.memory_space<semaphore_mem>>
      %dma_start3A = arith.constant 0 : i32
      %dma_start3A_44 = tpu.memref_slice %arg12[%arg0, %mul3A_43, %dma_start3A] : memref<2x10240x128xf32, #tpu.memory_space<hbm>> -> memref<1x640x128xf32, #tpu.memory_space<hbm>>
      %dma_start3A_45 = tpu.memref_squeeze %dma_start3A_44 : memref<1x640x128xf32, #tpu.memory_space<hbm>> -> memref<640x128xf32, #tpu.memory_space<hbm>>
      %dma_start3A_46 = arith.constant 0 : i32
      %dma_start3A_47 = tpu.memref_slice %arg19[%mul3A_41, %dma_start3A_46] : memref<10240x128xf32, #tpu.memory_space<vmem_shared>> -> memref<640x128xf32, #tpu.memory_space<vmem_shared>>
      tpu.enqueue_dma source(%dma_start3A_47 : memref<640x128xf32, #tpu.memory_space<vmem_shared>>) target(%dma_start3A_45 : memref<640x128xf32, #tpu.memory_space<hbm>>) target_semaphore(%run_scoped3A : memref<!tpu.dma_semaphore, #tpu.memory_space<semaphore_mem>>)
      %dma_wait3A = arith.constant 0 : i32
      %dma_wait3A_48 = tpu.memref_slice %arg12[%arg0, %mul3A_43, %dma_wait3A] : memref<2x10240x128xf32, #tpu.memory_space<hbm>> -> memref<1x640x128xf32, #tpu.memory_space<hbm>>
      %dma_wait3A_49 = tpu.memref_squeeze %dma_wait3A_48 : memref<1x640x128xf32, #tpu.memory_space<hbm>> -> memref<640x128xf32, #tpu.memory_space<hbm>>
      %dma_wait3A_50 = arith.constant 0 : i32
      %dma_wait3A_51 = tpu.memref_slice %arg19[%mul3A_41, %dma_wait3A_50] : memref<10240x128xf32, #tpu.memory_space<vmem_shared>> -> memref<640x128xf32, #tpu.memory_space<vmem_shared>>
      tpu.wait_dma2 semaphore(%run_scoped3A : memref<!tpu.dma_semaphore, #tpu.memory_space<semaphore_mem>>) src(%dma_wait3A_51 : memref<640x128xf32, #tpu.memory_space<vmem_shared>>) dst(%dma_wait3A_49 : memref<640x128xf32, #tpu.memory_space<hbm>>)
      tpu.yield
    }) : () -> ()
    return
  }
}

module attributes {stable_mosaic.version = 14 : i64} {
  func.func @body(%arg0: i32, %arg1: memref<1024x128xf32, #tpu.memory_space<vmem>>, %arg2: memref<128x128xf32, #tpu.memory_space<vmem>>, %arg3: memref<1024x128xf32, #tpu.memory_space<vmem>>) attributes {dimension_semantics = [#tpu.dimension_semantics<arbitrary>], iteration_bounds = array<i64: 10>, scalar_prefetch = 0 : i64, scratch_operands = 0 : i64, tpu.core_type = #tpu.core_type<tc>, window_params = [{transform_indices = @transform_0, window_bounds = array<i64: 1024, 128>}, {pipeline_mode = #tpu.pipeline_mode<synchronous>, transform_indices = @transform_1, window_bounds = array<i64: 128, 128>}, {transform_indices = @transform_2, window_bounds = array<i64: 1024, 128>}]} {
    %get3A = arith.constant 0 : index
    %get3A_0 = arith.constant 0 : index
    %get3A_1 = vector.load %arg1[%get3A, %get3A_0] : memref<1024x128xf32, #tpu.memory_space<vmem>>, vector<1024x128xf32>
    %get3A_2 = arith.constant 0 : index
    %get3A_3 = arith.constant 0 : index
    %get3A_4 = vector.load %arg2[%get3A_2, %get3A_3] : memref<128x128xf32, #tpu.memory_space<vmem>>, vector<128x128xf32>
    %dot_general3A = arith.constant dense<0.000000e+00> : vector<1024x128xf32>
    %dot_general3A_5 = tpu.matmul %get3A_1, %get3A_4, %dot_general3A {dimension_numbers = #tpu.dot_dimension_numbers<[1], [0], [0], [1], [0, 0, 1, 1], [], []>, transpose_lhs_hint = false} : vector<1024x128xf32>, vector<128x128xf32>, vector<1024x128xf32> -> vector<1024x128xf32>
    %swap3A = arith.constant 0 : index
    %swap3A_6 = arith.constant 0 : index
    %swap3A_7 = vector.load %arg3[%swap3A, %swap3A_6] : memref<1024x128xf32, #tpu.memory_space<vmem>>, vector<1024x128xf32>
    tpu.vector_store %arg3[%swap3A, %swap3A_6], %dot_general3A_5 {strides = array<i32>} : memref<1024x128xf32, #tpu.memory_space<vmem>>, vector<1024x128xf32>,
    return
  }
  func.func @transform_0(%arg0: i32) -> (i32, i32) {
    %c0_i32 = arith.constant 0 : i32
    %c0_i32_0 = arith.constant 0 : i32
    return %arg0, %c0_i32 : i32, i32
  }
  func.func @transform_1(%arg0: i32) -> (i32, i32) {
    %c0_i32 = arith.constant 0 : i32
    %c0_i32_0 = arith.constant 0 : i32
    %c0_i32_1 = arith.constant 0 : i32
    return %c0_i32, %c0_i32_0 : i32, i32
  }
  func.func @transform_2(%arg0: i32) -> (i32, i32) {
    %c0_i32 = arith.constant 0 : i32
    %c0_i32_0 = arith.constant 0 : i32
    return %arg0, %c0_i32 : i32, i32
  }
}

module attributes {stable_mosaic.version = 14 : i64} {
  func.func @body(%arg0: i32, %arg1: memref<1024x128xf32, #tpu.memory_space<vmem>>, %arg2: memref<1024x128xf32, #tpu.memory_space<vmem>>, %arg3: memref<2x1024xf32, #tpu.memory_space<vmem>>, %arg4: memref<2x1024xf32, #tpu.memory_space<vmem>>, %arg5: memref<1x1xf32, #tpu.memory_space<smem>>, %arg6: memref<1024x128xf32, #tpu.memory_space<vmem>>, %arg7: memref<1024x128xf32, #tpu.memory_space<vmem>>, %arg8: memref<1024x128xf32, #tpu.memory_space<vmem>>) attributes {dimension_semantics = [#tpu.dimension_semantics<arbitrary>], iteration_bounds = array<i64: 10>, scalar_prefetch = 0 : i64, scratch_operands = 0 : i64, tpu.core_type = #tpu.core_type<tc>, window_params = [{transform_indices = @transform_0, window_bounds = array<i64: 1024, 128>}, {transform_indices = @transform_1, window_bounds = array<i64: 1024, 128>}, {transform_indices = @transform_2, window_bounds = array<i64: 2, 1024>}, {transform_indices = @transform_3, window_bounds = array<i64: 2, 1024>}, {transform_indices = @transform_4, window_bounds = array<i64: 1, 1>}, {transform_indices = @transform_5, window_bounds = array<i64: 1024, 128>}, {transform_indices = @transform_6, window_bounds = array<i64: 1024, 128>}, {transform_indices = @transform_7, window_bounds = array<i64: 1024, 128>}]} {
    %get3A = arith.constant 0 : index
    %get3A_0 = arith.constant 0 : index
    %get3A_1 = memref.load %arg5[%get3A, %get3A_0] : memref<1x1xf32, #tpu.memory_space<smem>>
    %get3A_2 = arith.constant 0 : index
    %get3A_3 = arith.constant 0 : index
    %get3A_4 = vector.load %arg3[%get3A_2, %get3A_3] : memref<2x1024xf32, #tpu.memory_space<vmem>>, vector<1x1024xf32>
    %get3A_5 = vector.shape_cast %get3A_4 : vector<1x1024xf32> to vector<1024xf32>
    %get3A_6 = arith.constant 1 : index
    %get3A_7 = arith.constant 0 : index
    %get3A_8 = vector.load %arg3[%get3A_6, %get3A_7] : memref<2x1024xf32, #tpu.memory_space<vmem>>, vector<1x1024xf32>
    %get3A_9 = vector.shape_cast %get3A_8 : vector<1x1024xf32> to vector<1024xf32>
    %add3A = arith.addf %get3A_5, %get3A_9 : vector<1024xf32>
    %add3A_10 = arith.constant 1.000000e+00 : f32
    %add3A_11 = vector.broadcast %add3A_10 : f32 to vector<1024xf32>
    %add3A_12 = arith.addf %add3A, %add3A_11 : vector<1024xf32>
    %rsqrt3A = math.rsqrt %add3A_12 : vector<1024xf32>
    %broadcast_in_dim3A = vector.shape_cast %rsqrt3A : vector<1024xf32> to vector<1024x1xf32>
    %get3A_13 = arith.constant 0 : index
    %get3A_14 = arith.constant 0 : index
    %get3A_15 = vector.load %arg4[%get3A_13, %get3A_14] : memref<2x1024xf32, #tpu.memory_space<vmem>>, vector<1x1024xf32>
    %get3A_16 = vector.shape_cast %get3A_15 : vector<1x1024xf32> to vector<1024xf32>
    %get3A_17 = arith.constant 1 : index
    %get3A_18 = arith.constant 0 : index
    %get3A_19 = vector.load %arg4[%get3A_17, %get3A_18] : memref<2x1024xf32, #tpu.memory_space<vmem>>, vector<1x1024xf32>
    %get3A_20 = vector.shape_cast %get3A_19 : vector<1x1024xf32> to vector<1024xf32>
    %add3A_21 = arith.addf %get3A_16, %get3A_20 : vector<1024xf32>
    %add3A_22 = arith.constant 1.000000e+00 : f32
    %add3A_23 = vector.broadcast %add3A_22 : f32 to vector<1024xf32>
    %add3A_24 = arith.addf %add3A_21, %add3A_23 : vector<1024xf32>
    %rsqrt3A_25 = math.rsqrt %add3A_24 : vector<1024xf32>
    %broadcast_in_dim3A_26 = vector.shape_cast %rsqrt3A_25 : vector<1024xf32> to vector<1024x1xf32>
    %get3A_27 = arith.constant 0 : index
    %get3A_28 = arith.constant 0 : index
    %get3A_29 = vector.load %arg1[%get3A_27, %get3A_28] : memref<1024x128xf32, #tpu.memory_space<vmem>>, vector<1024x128xf32>
    %mul3A = vector.broadcast %get3A_1 : f32 to vector<1024x128xf32>
    %mul3A_30 = arith.mulf %mul3A, %get3A_29 : vector<1024x128xf32>
    %sub3A = arith.constant 1.000000e+00 : f32
    %sub3A_31 = arith.subf %sub3A, %get3A_1 : f32
    %get3A_32 = arith.constant 0 : index
    %get3A_33 = arith.constant 0 : index
    %get3A_34 = vector.load %arg2[%get3A_32, %get3A_33] : memref<1024x128xf32, #tpu.memory_space<vmem>>, vector<1024x128xf32>
    %mul3A_35 = vector.broadcast %sub3A_31 : f32 to vector<1024x128xf32>
    %mul3A_36 = arith.mulf %mul3A_35, %get3A_34 : vector<1024x128xf32>
    %add3A_37 = arith.addf %mul3A_30, %mul3A_36 : vector<1024x128xf32>
    %mul3A_38 = vector.broadcast %broadcast_in_dim3A : vector<1024x1xf32> to vector<1024x128xf32>
    %mul3A_39 = arith.mulf %add3A_37, %mul3A_38 : vector<1024x128xf32>
    %swap3A = arith.constant 0 : index
    %swap3A_40 = arith.constant 0 : index
    %swap3A_41 = vector.load %arg6[%swap3A, %swap3A_40] : memref<1024x128xf32, #tpu.memory_space<vmem>>, vector<1024x128xf32>
    tpu.vector_store %arg6[%swap3A, %swap3A_40], %mul3A_39 {strides = array<i32>} : memref<1024x128xf32, #tpu.memory_space<vmem>>, vector<1024x128xf32>,
    %mul3A_42 = vector.broadcast %broadcast_in_dim3A_26 : vector<1024x1xf32> to vector<1024x128xf32>
    %mul3A_43 = arith.mulf %add3A_37, %mul3A_42 : vector<1024x128xf32>
    %swap3A_44 = arith.constant 0 : index
    %swap3A_45 = arith.constant 0 : index
    %swap3A_46 = vector.load %arg7[%swap3A_44, %swap3A_45] : memref<1024x128xf32, #tpu.memory_space<vmem>>, vector<1024x128xf32>
    tpu.vector_store %arg7[%swap3A_44, %swap3A_45], %mul3A_43 {strides = array<i32>} : memref<1024x128xf32, #tpu.memory_space<vmem>>, vector<1024x128xf32>,
    %mul3A_47 = vector.broadcast %broadcast_in_dim3A : vector<1024x1xf32> to vector<1024x128xf32>
    %mul3A_48 = arith.mulf %get3A_29, %mul3A_47 : vector<1024x128xf32>
    %swap3A_49 = arith.constant 0 : index
    %swap3A_50 = arith.constant 0 : index
    %swap3A_51 = vector.load %arg8[%swap3A_49, %swap3A_50] : memref<1024x128xf32, #tpu.memory_space<vmem>>, vector<1024x128xf32>
    tpu.vector_store %arg8[%swap3A_49, %swap3A_50], %mul3A_48 {strides = array<i32>} : memref<1024x128xf32, #tpu.memory_space<vmem>>, vector<1024x128xf32>,
    return
  }
  func.func @transform_0(%arg0: i32) -> (i32, i32) {
    %c0_i32 = arith.constant 0 : i32
    %c0_i32_0 = arith.constant 0 : i32
    return %arg0, %c0_i32 : i32, i32
  }
  func.func @transform_1(%arg0: i32) -> (i32, i32) {
    %c0_i32 = arith.constant 0 : i32
    %c0_i32_0 = arith.constant 0 : i32
    return %arg0, %c0_i32 : i32, i32
  }
  func.func @transform_2(%arg0: i32) -> (i32, i32) {
    %c0_i32 = arith.constant 0 : i32
    %c0_i32_0 = arith.constant 0 : i32
    return %c0_i32, %arg0 : i32, i32
  }
  func.func @transform_3(%arg0: i32) -> (i32, i32) {
    %c0_i32 = arith.constant 0 : i32
    %c0_i32_0 = arith.constant 0 : i32
    return %c0_i32, %arg0 : i32, i32
  }
  func.func @transform_4(%arg0: i32) -> (i32, i32) {
    %c0_i32 = arith.constant 0 : i32
    %c0_i32_0 = arith.constant 0 : i32
    %c0_i32_1 = arith.constant 0 : i32
    return %c0_i32, %c0_i32_0 : i32, i32
  }
  func.func @transform_5(%arg0: i32) -> (i32, i32) {
    %c0_i32 = arith.constant 0 : i32
    %c0_i32_0 = arith.constant 0 : i32
    return %arg0, %c0_i32 : i32, i32
  }
  func.func @transform_6(%arg0: i32) -> (i32, i32) {
    %c0_i32 = arith.constant 0 : i32
    %c0_i32_0 = arith.constant 0 : i32
    return %arg0, %c0_i32 : i32, i32
  }
  func.func @transform_7(%arg0: i32) -> (i32, i32) {
    %c0_i32 = arith.constant 0 : i32
    %c0_i32_0 = arith.constant 0 : i32
    return %arg0, %c0_i32 : i32, i32
  }
}

module attributes {stable_mosaic.version = 14 : i64} {
  func.func @body(%arg0: i32, %arg1: memref<2x1024x128xf32, #tpu.memory_space<vmem>>, %arg2: memref<2x1024x128xf32, #tpu.memory_space<vmem>>, %arg3: memref<2x1024x128xf32, #tpu.memory_space<vmem>>, %arg4: memref<1024x128xf32, #tpu.memory_space<vmem>>, %arg5: memref<1024x128xf32, #tpu.memory_space<vmem>>, %arg6: memref<2x1024xf32, #tpu.memory_space<vmem>>, %arg7: memref<2x1024xf32, #tpu.memory_space<vmem>>, %arg8: memref<1x128xf32, #tpu.memory_space<vmem>>, %arg9: memref<128x128xf32, #tpu.memory_space<vmem>>, %arg10: memref<1x1xf32, #tpu.memory_space<smem>>, %arg11: memref<1024x128xf32, #tpu.memory_space<vmem>>, %arg12: memref<1024x128xf32, #tpu.memory_space<vmem>>, %arg13: memref<1024x128xf32, #tpu.memory_space<vmem>>) attributes {dimension_semantics = [#tpu.dimension_semantics<arbitrary>], iteration_bounds = array<i64: 10>, scalar_prefetch = 0 : i64, scratch_operands = 0 : i64, tpu.core_type = #tpu.core_type<tc>, window_params = [{transform_indices = @transform_0, window_bounds = array<i64: 2, 1024, 128>}, {transform_indices = @transform_1, window_bounds = array<i64: 2, 1024, 128>}, {transform_indices = @transform_2, window_bounds = array<i64: 2, 1024, 128>}, {transform_indices = @transform_3, window_bounds = array<i64: 1024, 128>}, {transform_indices = @transform_4, window_bounds = array<i64: 1024, 128>}, {transform_indices = @transform_5, window_bounds = array<i64: 2, 1024>}, {transform_indices = @transform_6, window_bounds = array<i64: 2, 1024>}, {pipeline_mode = #tpu.pipeline_mode<synchronous>, transform_indices = @transform_7, window_bounds = array<i64: 1, 128>}, {pipeline_mode = #tpu.pipeline_mode<synchronous>, transform_indices = @transform_8, window_bounds = array<i64: 128, 128>}, {transform_indices = @transform_9, window_bounds = array<i64: 1, 1>}, {transform_indices = @transform_10, window_bounds = array<i64: 1024, 128>}, {transform_indices = @transform_11, window_bounds = array<i64: 1024, 128>}, {transform_indices = @transform_12, window_bounds = array<i64: 1024, 128>}]} {
    %get3A = arith.constant 0 : index
    %get3A_0 = arith.constant 0 : index
    %get3A_1 = memref.load %arg10[%get3A, %get3A_0] : memref<1x1xf32, #tpu.memory_space<smem>>
    %get3A_2 = arith.constant 0 : index
    %get3A_3 = arith.constant 0 : index
    %get3A_4 = vector.load %arg6[%get3A_2, %get3A_3] : memref<2x1024xf32, #tpu.memory_space<vmem>>, vector<1x1024xf32>
    %get3A_5 = vector.shape_cast %get3A_4 : vector<1x1024xf32> to vector<1024xf32>
    %get3A_6 = arith.constant 1 : index
    %get3A_7 = arith.constant 0 : index
    %get3A_8 = vector.load %arg6[%get3A_6, %get3A_7] : memref<2x1024xf32, #tpu.memory_space<vmem>>, vector<1x1024xf32>
    %get3A_9 = vector.shape_cast %get3A_8 : vector<1x1024xf32> to vector<1024xf32>
    %add3A = arith.addf %get3A_5, %get3A_9 : vector<1024xf32>
    %add3A_10 = arith.constant 1.000000e+00 : f32
    %add3A_11 = vector.broadcast %add3A_10 : f32 to vector<1024xf32>
    %add3A_12 = arith.addf %add3A, %add3A_11 : vector<1024xf32>
    %get3A_13 = arith.constant 0 : index
    %get3A_14 = arith.constant 0 : index
    %get3A_15 = vector.load %arg7[%get3A_13, %get3A_14] : memref<2x1024xf32, #tpu.memory_space<vmem>>, vector<1x1024xf32>
    %get3A_16 = vector.shape_cast %get3A_15 : vector<1x1024xf32> to vector<1024xf32>
    %get3A_17 = arith.constant 1 : index
    %get3A_18 = arith.constant 0 : index
    %get3A_19 = vector.load %arg7[%get3A_17, %get3A_18] : memref<2x1024xf32, #tpu.memory_space<vmem>>, vector<1x1024xf32>
    %get3A_20 = vector.shape_cast %get3A_19 : vector<1x1024xf32> to vector<1024xf32>
    %add3A_21 = arith.addf %get3A_16, %get3A_20 : vector<1024xf32>
    %add3A_22 = arith.constant 1.000000e+00 : f32
    %add3A_23 = vector.broadcast %add3A_22 : f32 to vector<1024xf32>
    %add3A_24 = arith.addf %add3A_21, %add3A_23 : vector<1024xf32>
    %rsqrt3A = math.rsqrt %add3A_12 : vector<1024xf32>
    %broadcast_in_dim3A = vector.shape_cast %rsqrt3A : vector<1024xf32> to vector<1024x1xf32>
    %rsqrt3A_25 = math.rsqrt %add3A_24 : vector<1024xf32>
    %broadcast_in_dim3A_26 = vector.shape_cast %rsqrt3A_25 : vector<1024xf32> to vector<1024x1xf32>
    %div3A = arith.constant 1.000000e+00 : f32
    %div3A_27 = vector.broadcast %div3A : f32 to vector<1024xf32>
    %div3A_28 = arith.divf %div3A_27, %add3A_12 : vector<1024xf32>
    %broadcast_in_dim3A_29 = vector.shape_cast %div3A_28 : vector<1024xf32> to vector<1024x1xf32>
    %div3A_30 = arith.constant 1.000000e+00 : f32
    %div3A_31 = vector.broadcast %div3A_30 : f32 to vector<1024xf32>
    %div3A_32 = arith.divf %div3A_31, %add3A_24 : vector<1024xf32>
    %broadcast_in_dim3A_33 = vector.shape_cast %div3A_32 : vector<1024xf32> to vector<1024x1xf32>
    %get3A_34 = arith.constant 0 : index
    %get3A_35 = arith.constant 0 : index
    %get3A_36 = vector.load %arg4[%get3A_34, %get3A_35] : memref<1024x128xf32, #tpu.memory_space<vmem>>, vector<1024x128xf32>
    %get3A_37 = arith.constant 0 : index
    %get3A_38 = arith.constant 0 : index
    %get3A_39 = vector.load %arg8[%get3A_37, %get3A_38] : memref<1x128xf32, #tpu.memory_space<vmem>>, vector<1x128xf32>
    %get3A_40 = vector.shape_cast %get3A_39 : vector<1x128xf32> to vector<128xf32>
    %broadcast_in_dim3A_41 = vector.shape_cast %get3A_40 : vector<128xf32> to vector<1x128xf32>
    %get3A_42 = arith.constant 0 : index
    %get3A_43 = arith.constant 0 : index
    %get3A_44 = arith.constant 0 : index
    %get3A_45 = vector.load %arg1[%get3A_42, %get3A_43, %get3A_44] : memref<2x1024x128xf32, #tpu.memory_space<vmem>>, vector<1x1024x128xf32>
    %get3A_46 = vector.shape_cast %get3A_45 : vector<1x1024x128xf32> to vector<1024x128xf32>
    %get3A_47 = arith.constant 1 : index
    %get3A_48 = arith.constant 0 : index
    %get3A_49 = arith.constant 0 : index
    %get3A_50 = vector.load %arg1[%get3A_47, %get3A_48, %get3A_49] : memref<2x1024x128xf32, #tpu.memory_space<vmem>>, vector<1x1024x128xf32>
    %get3A_51 = vector.shape_cast %get3A_50 : vector<1x1024x128xf32> to vector<1024x128xf32>
    %add3A_52 = arith.addf %get3A_46, %get3A_51 : vector<1024x128xf32>
    %get3A_53 = arith.constant 0 : index
    %get3A_54 = arith.constant 0 : index
    %get3A_55 = arith.constant 0 : index
    %get3A_56 = vector.load %arg2[%get3A_53, %get3A_54, %get3A_55] : memref<2x1024x128xf32, #tpu.memory_space<vmem>>, vector<1x1024x128xf32>
    %get3A_57 = vector.shape_cast %get3A_56 : vector<1x1024x128xf32> to vector<1024x128xf32>
    %get3A_58 = arith.constant 1 : index
    %get3A_59 = arith.constant 0 : index
    %get3A_60 = arith.constant 0 : index
    %get3A_61 = vector.load %arg2[%get3A_58, %get3A_59, %get3A_60] : memref<2x1024x128xf32, #tpu.memory_space<vmem>>, vector<1x1024x128xf32>
    %get3A_62 = vector.shape_cast %get3A_61 : vector<1x1024x128xf32> to vector<1024x128xf32>
    %add3A_63 = arith.addf %get3A_57, %get3A_62 : vector<1024x128xf32>
    %get3A_64 = arith.constant 0 : index
    %get3A_65 = arith.constant 0 : index
    %get3A_66 = arith.constant 0 : index
    %get3A_67 = vector.load %arg3[%get3A_64, %get3A_65, %get3A_66] : memref<2x1024x128xf32, #tpu.memory_space<vmem>>, vector<1x1024x128xf32>
    %get3A_68 = vector.shape_cast %get3A_67 : vector<1x1024x128xf32> to vector<1024x128xf32>
    %get3A_69 = arith.constant 1 : index
    %get3A_70 = arith.constant 0 : index
    %get3A_71 = arith.constant 0 : index
    %get3A_72 = vector.load %arg3[%get3A_69, %get3A_70, %get3A_71] : memref<2x1024x128xf32, #tpu.memory_space<vmem>>, vector<1x1024x128xf32>
    %get3A_73 = vector.shape_cast %get3A_72 : vector<1x1024x128xf32> to vector<1024x128xf32>
    %add3A_74 = arith.addf %get3A_68, %get3A_73 : vector<1024x128xf32>
    %mul3A = vector.broadcast %broadcast_in_dim3A : vector<1024x1xf32> to vector<1024x128xf32>
    %mul3A_75 = arith.mulf %mul3A, %add3A_52 : vector<1024x128xf32>
    %mul3A_76 = vector.broadcast %broadcast_in_dim3A_29 : vector<1024x1xf32> to vector<1024x128xf32>
    %mul3A_77 = arith.mulf %get3A_36, %mul3A_76 : vector<1024x128xf32>
    %add3A_78 = arith.addf %mul3A_75, %mul3A_77 : vector<1024x128xf32>
    %add3A_79 = vector.broadcast %broadcast_in_dim3A_41 : vector<1x128xf32> to vector<1024x128xf32>
    %add3A_80 = arith.addf %add3A_78, %add3A_79 : vector<1024x128xf32>
    %max3A = arith.constant 0.000000e+00 : f32
    %max3A_81 = vector.broadcast %max3A : f32 to vector<1024x128xf32>
    %max3A_82 = arith.maximumf %add3A_80, %max3A_81 : vector<1024x128xf32>
    %mul3A_83 = vector.broadcast %broadcast_in_dim3A_26 : vector<1024x1xf32> to vector<1024x128xf32>
    %mul3A_84 = arith.mulf %mul3A_83, %add3A_63 : vector<1024x128xf32>
    %get3A_85 = arith.constant 0 : index
    %get3A_86 = arith.constant 0 : index
    %get3A_87 = vector.load %arg5[%get3A_85, %get3A_86] : memref<1024x128xf32, #tpu.memory_space<vmem>>, vector<1024x128xf32>
    %mul3A_88 = vector.broadcast %broadcast_in_dim3A_33 : vector<1024x1xf32> to vector<1024x128xf32>
    %mul3A_89 = arith.mulf %get3A_87, %mul3A_88 : vector<1024x128xf32>
    %add3A_90 = arith.addf %mul3A_84, %mul3A_89 : vector<1024x128xf32>
    %add3A_91 = vector.broadcast %broadcast_in_dim3A_41 : vector<1x128xf32> to vector<1024x128xf32>
    %add3A_92 = arith.addf %add3A_90, %add3A_91 : vector<1024x128xf32>
    %max3A_93 = arith.constant 0.000000e+00 : f32
    %max3A_94 = vector.broadcast %max3A_93 : f32 to vector<1024x128xf32>
    %max3A_95 = arith.maximumf %add3A_92, %max3A_94 : vector<1024x128xf32>
    %mul3A_96 = vector.broadcast %broadcast_in_dim3A : vector<1024x1xf32> to vector<1024x128xf32>
    %mul3A_97 = arith.mulf %mul3A_96, %add3A_74 : vector<1024x128xf32>
    %mul3A_98 = vector.broadcast %broadcast_in_dim3A_29 : vector<1024x1xf32> to vector<1024x128xf32>
    %mul3A_99 = arith.mulf %get3A_36, %mul3A_98 : vector<1024x128xf32>
    %add3A_100 = arith.addf %mul3A_97, %mul3A_99 : vector<1024x128xf32>
    %add3A_101 = vector.broadcast %broadcast_in_dim3A_41 : vector<1x128xf32> to vector<1024x128xf32>
    %add3A_102 = arith.addf %add3A_100, %add3A_101 : vector<1024x128xf32>
    %max3A_103 = arith.constant 0.000000e+00 : f32
    %max3A_104 = vector.broadcast %max3A_103 : f32 to vector<1024x128xf32>
    %max3A_105 = arith.maximumf %add3A_102, %max3A_104 : vector<1024x128xf32>
    %get3A_106 = arith.constant 0 : index
    %get3A_107 = arith.constant 0 : index
    %get3A_108 = vector.load %arg9[%get3A_106, %get3A_107] : memref<128x128xf32, #tpu.memory_space<vmem>>, vector<128x128xf32>
    %dot_general3A = arith.constant dense<0.000000e+00> : vector<1024x128xf32>
    %dot_general3A_109 = tpu.matmul %max3A_105, %get3A_108, %dot_general3A {dimension_numbers = #tpu.dot_dimension_numbers<[1], [0], [0], [1], [0, 0, 1, 1], [], []>, transpose_lhs_hint = false} : vector<1024x128xf32>, vector<128x128xf32>, vector<1024x128xf32> -> vector<1024x128xf32>
    %mul3A_110 = vector.broadcast %get3A_1 : f32 to vector<1024x128xf32>
    %mul3A_111 = arith.mulf %mul3A_110, %max3A_82 : vector<1024x128xf32>
    %sub3A = arith.constant 1.000000e+00 : f32
    %sub3A_112 = arith.subf %sub3A, %get3A_1 : f32
    %mul3A_113 = vector.broadcast %sub3A_112 : f32 to vector<1024x128xf32>
    %mul3A_114 = arith.mulf %mul3A_113, %max3A_95 : vector<1024x128xf32>
    %add3A_115 = arith.addf %mul3A_111, %mul3A_114 : vector<1024x128xf32>
    %dot_general3A_116 = arith.constant dense<0.000000e+00> : vector<1024x128xf32>
    %dot_general3A_117 = tpu.matmul %add3A_115, %get3A_108, %dot_general3A_116 {dimension_numbers = #tpu.dot_dimension_numbers<[1], [0], [0], [1], [0, 0, 1, 1], [], []>, transpose_lhs_hint = false} : vector<1024x128xf32>, vector<128x128xf32>, vector<1024x128xf32> -> vector<1024x128xf32>
    %swap3A = arith.constant 0 : index
    %swap3A_118 = arith.constant 0 : index
    %swap3A_119 = vector.load %arg11[%swap3A, %swap3A_118] : memref<1024x128xf32, #tpu.memory_space<vmem>>, vector<1024x128xf32>
    tpu.vector_store %arg11[%swap3A, %swap3A_118], %dot_general3A_109 {strides = array<i32>} : memref<1024x128xf32, #tpu.memory_space<vmem>>, vector<1024x128xf32>,
    %mul3A_120 = vector.broadcast %broadcast_in_dim3A : vector<1024x1xf32> to vector<1024x128xf32>
    %mul3A_121 = arith.mulf %dot_general3A_117, %mul3A_120 : vector<1024x128xf32>
    %swap3A_122 = arith.constant 0 : index
    %swap3A_123 = arith.constant 0 : index
    %swap3A_124 = vector.load %arg12[%swap3A_122, %swap3A_123] : memref<1024x128xf32, #tpu.memory_space<vmem>>, vector<1024x128xf32>
    tpu.vector_store %arg12[%swap3A_122, %swap3A_123], %mul3A_121 {strides = array<i32>} : memref<1024x128xf32, #tpu.memory_space<vmem>>, vector<1024x128xf32>,
    %mul3A_125 = vector.broadcast %broadcast_in_dim3A_26 : vector<1024x1xf32> to vector<1024x128xf32>
    %mul3A_126 = arith.mulf %dot_general3A_117, %mul3A_125 : vector<1024x128xf32>
    %swap3A_127 = arith.constant 0 : index
    %swap3A_128 = arith.constant 0 : index
    %swap3A_129 = vector.load %arg13[%swap3A_127, %swap3A_128] : memref<1024x128xf32, #tpu.memory_space<vmem>>, vector<1024x128xf32>
    tpu.vector_store %arg13[%swap3A_127, %swap3A_128], %mul3A_126 {strides = array<i32>} : memref<1024x128xf32, #tpu.memory_space<vmem>>, vector<1024x128xf32>,
    return
  }
  func.func @transform_0(%arg0: i32) -> (i32, i32, i32) {
    %c0_i32 = arith.constant 0 : i32
    %c0_i32_0 = arith.constant 0 : i32
    %c0_i32_1 = arith.constant 0 : i32
    return %c0_i32, %arg0, %c0_i32_0 : i32, i32, i32
  }
  func.func @transform_1(%arg0: i32) -> (i32, i32, i32) {
    %c0_i32 = arith.constant 0 : i32
    %c0_i32_0 = arith.constant 0 : i32
    %c0_i32_1 = arith.constant 0 : i32
    return %c0_i32, %arg0, %c0_i32_0 : i32, i32, i32
  }
  func.func @transform_2(%arg0: i32) -> (i32, i32, i32) {
    %c0_i32 = arith.constant 0 : i32
    %c0_i32_0 = arith.constant 0 : i32
    %c0_i32_1 = arith.constant 0 : i32
    return %c0_i32, %arg0, %c0_i32_0 : i32, i32, i32
  }
  func.func @transform_3(%arg0: i32) -> (i32, i32) {
    %c0_i32 = arith.constant 0 : i32
    %c0_i32_0 = arith.constant 0 : i32
    return %arg0, %c0_i32 : i32, i32
  }
  func.func @transform_4(%arg0: i32) -> (i32, i32) {
    %c0_i32 = arith.constant 0 : i32
    %c0_i32_0 = arith.constant 0 : i32
    return %arg0, %c0_i32 : i32, i32
  }
  func.func @transform_5(%arg0: i32) -> (i32, i32) {
    %c0_i32 = arith.constant 0 : i32
    %c0_i32_0 = arith.constant 0 : i32
    return %c0_i32, %arg0 : i32, i32
  }
  func.func @transform_6(%arg0: i32) -> (i32, i32) {
    %c0_i32 = arith.constant 0 : i32
    %c0_i32_0 = arith.constant 0 : i32
    return %c0_i32, %arg0 : i32, i32
  }
  func.func @transform_7(%arg0: i32) -> (i32, i32) {
    %c0_i32 = arith.constant 0 : i32
    %c0_i32_0 = arith.constant 0 : i32
    %c0_i32_1 = arith.constant 0 : i32
    return %c0_i32, %c0_i32_0 : i32, i32
  }
  func.func @transform_8(%arg0: i32) -> (i32, i32) {
    %c0_i32 = arith.constant 0 : i32
    %c0_i32_0 = arith.constant 0 : i32
    %c0_i32_1 = arith.constant 0 : i32
    return %c0_i32, %c0_i32_0 : i32, i32
  }
  func.func @transform_9(%arg0: i32) -> (i32, i32) {
    %c0_i32 = arith.constant 0 : i32
    %c0_i32_0 = arith.constant 0 : i32
    %c0_i32_1 = arith.constant 0 : i32
    return %c0_i32, %c0_i32_0 : i32, i32
  }
  func.func @transform_10(%arg0: i32) -> (i32, i32) {
    %c0_i32 = arith.constant 0 : i32
    %c0_i32_0 = arith.constant 0 : i32
    return %arg0, %c0_i32 : i32, i32
  }
  func.func @transform_11(%arg0: i32) -> (i32, i32) {
    %c0_i32 = arith.constant 0 : i32
    %c0_i32_0 = arith.constant 0 : i32
    return %arg0, %c0_i32 : i32, i32
  }
  func.func @transform_12(%arg0: i32) -> (i32, i32) {
    %c0_i32 = arith.constant 0 : i32
    %c0_i32_0 = arith.constant 0 : i32
    return %arg0, %c0_i32 : i32, i32
  }
}

module attributes {stable_mosaic.version = 14 : i64} {
  func.func @body(%arg0: i32, %arg1: memref<2x1024x128xf32, #tpu.memory_space<vmem>>, %arg2: memref<2x1024x128xf32, #tpu.memory_space<vmem>>, %arg3: memref<1024x128xf32, #tpu.memory_space<vmem>>, %arg4: memref<1024x128xf32, #tpu.memory_space<vmem>>, %arg5: memref<2x1024xf32, #tpu.memory_space<vmem>>, %arg6: memref<2x1024xf32, #tpu.memory_space<vmem>>, %arg7: memref<1x128xf32, #tpu.memory_space<vmem>>, %arg8: memref<128x64xf32, #tpu.memory_space<vmem>>, %arg9: memref<1x64xf32, #tpu.memory_space<vmem>>, %arg10: memref<1x1xf32, #tpu.memory_space<smem>>, %arg11: memref<1024x64xf32, #tpu.memory_space<vmem>>) attributes {dimension_semantics = [#tpu.dimension_semantics<arbitrary>], iteration_bounds = array<i64: 10>, scalar_prefetch = 0 : i64, scratch_operands = 0 : i64, tpu.core_type = #tpu.core_type<tc>, window_params = [{transform_indices = @transform_0, window_bounds = array<i64: 2, 1024, 128>}, {transform_indices = @transform_1, window_bounds = array<i64: 2, 1024, 128>}, {transform_indices = @transform_2, window_bounds = array<i64: 1024, 128>}, {transform_indices = @transform_3, window_bounds = array<i64: 1024, 128>}, {transform_indices = @transform_4, window_bounds = array<i64: 2, 1024>}, {transform_indices = @transform_5, window_bounds = array<i64: 2, 1024>}, {pipeline_mode = #tpu.pipeline_mode<synchronous>, transform_indices = @transform_6, window_bounds = array<i64: 1, 128>}, {pipeline_mode = #tpu.pipeline_mode<synchronous>, transform_indices = @transform_7, window_bounds = array<i64: 128, 64>}, {pipeline_mode = #tpu.pipeline_mode<synchronous>, transform_indices = @transform_8, window_bounds = array<i64: 1, 64>}, {transform_indices = @transform_9, window_bounds = array<i64: 1, 1>}, {transform_indices = @transform_10, window_bounds = array<i64: 1024, 64>}]} {
    %get3A = arith.constant 0 : index
    %get3A_0 = arith.constant 0 : index
    %get3A_1 = memref.load %arg10[%get3A, %get3A_0] : memref<1x1xf32, #tpu.memory_space<smem>>
    %get3A_2 = arith.constant 0 : index
    %get3A_3 = arith.constant 0 : index
    %get3A_4 = vector.load %arg5[%get3A_2, %get3A_3] : memref<2x1024xf32, #tpu.memory_space<vmem>>, vector<1x1024xf32>
    %get3A_5 = vector.shape_cast %get3A_4 : vector<1x1024xf32> to vector<1024xf32>
    %get3A_6 = arith.constant 1 : index
    %get3A_7 = arith.constant 0 : index
    %get3A_8 = vector.load %arg5[%get3A_6, %get3A_7] : memref<2x1024xf32, #tpu.memory_space<vmem>>, vector<1x1024xf32>
    %get3A_9 = vector.shape_cast %get3A_8 : vector<1x1024xf32> to vector<1024xf32>
    %add3A = arith.addf %get3A_5, %get3A_9 : vector<1024xf32>
    %add3A_10 = arith.constant 1.000000e+00 : f32
    %add3A_11 = vector.broadcast %add3A_10 : f32 to vector<1024xf32>
    %add3A_12 = arith.addf %add3A, %add3A_11 : vector<1024xf32>
    %get3A_13 = arith.constant 0 : index
    %get3A_14 = arith.constant 0 : index
    %get3A_15 = vector.load %arg6[%get3A_13, %get3A_14] : memref<2x1024xf32, #tpu.memory_space<vmem>>, vector<1x1024xf32>
    %get3A_16 = vector.shape_cast %get3A_15 : vector<1x1024xf32> to vector<1024xf32>
    %get3A_17 = arith.constant 1 : index
    %get3A_18 = arith.constant 0 : index
    %get3A_19 = vector.load %arg6[%get3A_17, %get3A_18] : memref<2x1024xf32, #tpu.memory_space<vmem>>, vector<1x1024xf32>
    %get3A_20 = vector.shape_cast %get3A_19 : vector<1x1024xf32> to vector<1024xf32>
    %add3A_21 = arith.addf %get3A_16, %get3A_20 : vector<1024xf32>
    %add3A_22 = arith.constant 1.000000e+00 : f32
    %add3A_23 = vector.broadcast %add3A_22 : f32 to vector<1024xf32>
    %add3A_24 = arith.addf %add3A_21, %add3A_23 : vector<1024xf32>
    %rsqrt3A = math.rsqrt %add3A_12 : vector<1024xf32>
    %broadcast_in_dim3A = vector.shape_cast %rsqrt3A : vector<1024xf32> to vector<1024x1xf32>
    %rsqrt3A_25 = math.rsqrt %add3A_24 : vector<1024xf32>
    %broadcast_in_dim3A_26 = vector.shape_cast %rsqrt3A_25 : vector<1024xf32> to vector<1024x1xf32>
    %div3A = arith.constant 1.000000e+00 : f32
    %div3A_27 = vector.broadcast %div3A : f32 to vector<1024xf32>
    %div3A_28 = arith.divf %div3A_27, %add3A_12 : vector<1024xf32>
    %broadcast_in_dim3A_29 = vector.shape_cast %div3A_28 : vector<1024xf32> to vector<1024x1xf32>
    %div3A_30 = arith.constant 1.000000e+00 : f32
    %div3A_31 = vector.broadcast %div3A_30 : f32 to vector<1024xf32>
    %div3A_32 = arith.divf %div3A_31, %add3A_24 : vector<1024xf32>
    %broadcast_in_dim3A_33 = vector.shape_cast %div3A_32 : vector<1024xf32> to vector<1024x1xf32>
    %get3A_34 = arith.constant 0 : index
    %get3A_35 = arith.constant 0 : index
    %get3A_36 = vector.load %arg7[%get3A_34, %get3A_35] : memref<1x128xf32, #tpu.memory_space<vmem>>, vector<1x128xf32>
    %get3A_37 = vector.shape_cast %get3A_36 : vector<1x128xf32> to vector<128xf32>
    %broadcast_in_dim3A_38 = vector.shape_cast %get3A_37 : vector<128xf32> to vector<1x128xf32>
    %get3A_39 = arith.constant 0 : index
    %get3A_40 = arith.constant 0 : index
    %get3A_41 = arith.constant 0 : index
    %get3A_42 = vector.load %arg1[%get3A_39, %get3A_40, %get3A_41] : memref<2x1024x128xf32, #tpu.memory_space<vmem>>, vector<1x1024x128xf32>
    %get3A_43 = vector.shape_cast %get3A_42 : vector<1x1024x128xf32> to vector<1024x128xf32>
    %get3A_44 = arith.constant 1 : index
    %get3A_45 = arith.constant 0 : index
    %get3A_46 = arith.constant 0 : index
    %get3A_47 = vector.load %arg1[%get3A_44, %get3A_45, %get3A_46] : memref<2x1024x128xf32, #tpu.memory_space<vmem>>, vector<1x1024x128xf32>
    %get3A_48 = vector.shape_cast %get3A_47 : vector<1x1024x128xf32> to vector<1024x128xf32>
    %add3A_49 = arith.addf %get3A_43, %get3A_48 : vector<1024x128xf32>
    %get3A_50 = arith.constant 0 : index
    %get3A_51 = arith.constant 0 : index
    %get3A_52 = arith.constant 0 : index
    %get3A_53 = vector.load %arg2[%get3A_50, %get3A_51, %get3A_52] : memref<2x1024x128xf32, #tpu.memory_space<vmem>>, vector<1x1024x128xf32>
    %get3A_54 = vector.shape_cast %get3A_53 : vector<1x1024x128xf32> to vector<1024x128xf32>
    %get3A_55 = arith.constant 1 : index
    %get3A_56 = arith.constant 0 : index
    %get3A_57 = arith.constant 0 : index
    %get3A_58 = vector.load %arg2[%get3A_55, %get3A_56, %get3A_57] : memref<2x1024x128xf32, #tpu.memory_space<vmem>>, vector<1x1024x128xf32>
    %get3A_59 = vector.shape_cast %get3A_58 : vector<1x1024x128xf32> to vector<1024x128xf32>
    %add3A_60 = arith.addf %get3A_54, %get3A_59 : vector<1024x128xf32>
    %mul3A = vector.broadcast %broadcast_in_dim3A : vector<1024x1xf32> to vector<1024x128xf32>
    %mul3A_61 = arith.mulf %mul3A, %add3A_49 : vector<1024x128xf32>
    %get3A_62 = arith.constant 0 : index
    %get3A_63 = arith.constant 0 : index
    %get3A_64 = vector.load %arg3[%get3A_62, %get3A_63] : memref<1024x128xf32, #tpu.memory_space<vmem>>, vector<1024x128xf32>
    %mul3A_65 = vector.broadcast %broadcast_in_dim3A_29 : vector<1024x1xf32> to vector<1024x128xf32>
    %mul3A_66 = arith.mulf %get3A_64, %mul3A_65 : vector<1024x128xf32>
    %add3A_67 = arith.addf %mul3A_61, %mul3A_66 : vector<1024x128xf32>
    %add3A_68 = vector.broadcast %broadcast_in_dim3A_38 : vector<1x128xf32> to vector<1024x128xf32>
    %add3A_69 = arith.addf %add3A_67, %add3A_68 : vector<1024x128xf32>
    %max3A = arith.constant 0.000000e+00 : f32
    %max3A_70 = vector.broadcast %max3A : f32 to vector<1024x128xf32>
    %max3A_71 = arith.maximumf %add3A_69, %max3A_70 : vector<1024x128xf32>
    %mul3A_72 = vector.broadcast %broadcast_in_dim3A_26 : vector<1024x1xf32> to vector<1024x128xf32>
    %mul3A_73 = arith.mulf %mul3A_72, %add3A_60 : vector<1024x128xf32>
    %get3A_74 = arith.constant 0 : index
    %get3A_75 = arith.constant 0 : index
    %get3A_76 = vector.load %arg4[%get3A_74, %get3A_75] : memref<1024x128xf32, #tpu.memory_space<vmem>>, vector<1024x128xf32>
    %mul3A_77 = vector.broadcast %broadcast_in_dim3A_33 : vector<1024x1xf32> to vector<1024x128xf32>
    %mul3A_78 = arith.mulf %get3A_76, %mul3A_77 : vector<1024x128xf32>
    %add3A_79 = arith.addf %mul3A_73, %mul3A_78 : vector<1024x128xf32>
    %add3A_80 = vector.broadcast %broadcast_in_dim3A_38 : vector<1x128xf32> to vector<1024x128xf32>
    %add3A_81 = arith.addf %add3A_79, %add3A_80 : vector<1024x128xf32>
    %max3A_82 = arith.constant 0.000000e+00 : f32
    %max3A_83 = vector.broadcast %max3A_82 : f32 to vector<1024x128xf32>
    %max3A_84 = arith.maximumf %add3A_81, %max3A_83 : vector<1024x128xf32>
    %mul3A_85 = vector.broadcast %get3A_1 : f32 to vector<1024x128xf32>
    %mul3A_86 = arith.mulf %mul3A_85, %max3A_71 : vector<1024x128xf32>
    %sub3A = arith.constant 1.000000e+00 : f32
    %sub3A_87 = arith.subf %sub3A, %get3A_1 : f32
    %mul3A_88 = vector.broadcast %sub3A_87 : f32 to vector<1024x128xf32>
    %mul3A_89 = arith.mulf %mul3A_88, %max3A_84 : vector<1024x128xf32>
    %add3A_90 = arith.addf %mul3A_86, %mul3A_89 : vector<1024x128xf32>
    %get3A_91 = arith.constant 0 : index
    %get3A_92 = arith.constant 0 : index
    %get3A_93 = vector.load %arg8[%get3A_91, %get3A_92] : memref<128x64xf32, #tpu.memory_space<vmem>>, vector<128x64xf32>
    %dot_general3A = arith.constant dense<0.000000e+00> : vector<1024x64xf32>
    %dot_general3A_94 = tpu.matmul %add3A_90, %get3A_93, %dot_general3A {dimension_numbers = #tpu.dot_dimension_numbers<[1], [0], [0], [1], [0, 0, 1, 1], [], []>, transpose_lhs_hint = false} : vector<1024x128xf32>, vector<128x64xf32>, vector<1024x64xf32> -> vector<1024x64xf32>
    %get3A_95 = arith.constant 0 : index
    %get3A_96 = arith.constant 0 : index
    %get3A_97 = vector.load %arg9[%get3A_95, %get3A_96] : memref<1x64xf32, #tpu.memory_space<vmem>>, vector<1x64xf32>
    %get3A_98 = vector.shape_cast %get3A_97 : vector<1x64xf32> to vector<64xf32>
    %broadcast_in_dim3A_99 = vector.shape_cast %get3A_98 : vector<64xf32> to vector<1x64xf32>
    %add3A_100 = vector.broadcast %broadcast_in_dim3A_99 : vector<1x64xf32> to vector<1024x64xf32>
    %add3A_101 = arith.addf %dot_general3A_94, %add3A_100 : vector<1024x64xf32>
    %reduce_max3A = arith.constant dense<0xFF800000> : vector<1024xf32>
    %reduce_max3A_102 = vector.multi_reduction <maximumf>, %add3A_101, %reduce_max3A [1] : vector<1024x64xf32> to vector<1024xf32>
    %broadcast_in_dim3A_103 = vector.shape_cast %reduce_max3A_102 : vector<1024xf32> to vector<1024x1xf32>
    %sub3A_104 = vector.broadcast %broadcast_in_dim3A_103 : vector<1024x1xf32> to vector<1024x64xf32>
    %sub3A_105 = arith.subf %add3A_101, %sub3A_104 : vector<1024x64xf32>
    %exp3A = math.exp %sub3A_105 : vector<1024x64xf32>
    %reduce_sum3A = arith.constant dense<0.000000e+00> : vector<1024xf32>
    %reduce_sum3A_106 = vector.multi_reduction <add>, %exp3A, %reduce_sum3A [1] : vector<1024x64xf32> to vector<1024xf32>
    %broadcast_in_dim3A_107 = vector.shape_cast %reduce_sum3A_106 : vector<1024xf32> to vector<1024x1xf32>
    %log3A = math.log %broadcast_in_dim3A_107 : vector<1024x1xf32>
    %sub3A_108 = vector.broadcast %log3A : vector<1024x1xf32> to vector<1024x64xf32>
    %sub3A_109 = arith.subf %sub3A_105, %sub3A_108 : vector<1024x64xf32>
    %swap3A = arith.constant 0 : index
    %swap3A_110 = arith.constant 0 : index
    %swap3A_111 = vector.load %arg11[%swap3A, %swap3A_110] : memref<1024x64xf32, #tpu.memory_space<vmem>>, vector<1024x64xf32>
    tpu.vector_store %arg11[%swap3A, %swap3A_110], %sub3A_109 {strides = array<i32>} : memref<1024x64xf32, #tpu.memory_space<vmem>>, vector<1024x64xf32>,
    return
  }
  func.func @transform_0(%arg0: i32) -> (i32, i32, i32) {
    %c0_i32 = arith.constant 0 : i32
    %c0_i32_0 = arith.constant 0 : i32
    %c0_i32_1 = arith.constant 0 : i32
    return %c0_i32, %arg0, %c0_i32_0 : i32, i32, i32
  }
  func.func @transform_1(%arg0: i32) -> (i32, i32, i32) {
    %c0_i32 = arith.constant 0 : i32
    %c0_i32_0 = arith.constant 0 : i32
    %c0_i32_1 = arith.constant 0 : i32
    return %c0_i32, %arg0, %c0_i32_0 : i32, i32, i32
  }
  func.func @transform_2(%arg0: i32) -> (i32, i32) {
    %c0_i32 = arith.constant 0 : i32
    %c0_i32_0 = arith.constant 0 : i32
    return %arg0, %c0_i32 : i32, i32
  }
  func.func @transform_3(%arg0: i32) -> (i32, i32) {
    %c0_i32 = arith.constant 0 : i32
    %c0_i32_0 = arith.constant 0 : i32
    return %arg0, %c0_i32 : i32, i32
  }
  func.func @transform_4(%arg0: i32) -> (i32, i32) {
    %c0_i32 = arith.constant 0 : i32
    %c0_i32_0 = arith.constant 0 : i32
    return %c0_i32, %arg0 : i32, i32
  }
  func.func @transform_5(%arg0: i32) -> (i32, i32) {
    %c0_i32 = arith.constant 0 : i32
    %c0_i32_0 = arith.constant 0 : i32
    return %c0_i32, %arg0 : i32, i32
  }
  func.func @transform_6(%arg0: i32) -> (i32, i32) {
    %c0_i32 = arith.constant 0 : i32
    %c0_i32_0 = arith.constant 0 : i32
    %c0_i32_1 = arith.constant 0 : i32
    return %c0_i32, %c0_i32_0 : i32, i32
  }
  func.func @transform_7(%arg0: i32) -> (i32, i32) {
    %c0_i32 = arith.constant 0 : i32
    %c0_i32_0 = arith.constant 0 : i32
    %c0_i32_1 = arith.constant 0 : i32
    return %c0_i32, %c0_i32_0 : i32, i32
  }
  func.func @transform_8(%arg0: i32) -> (i32, i32) {
    %c0_i32 = arith.constant 0 : i32
    %c0_i32_0 = arith.constant 0 : i32
    %c0_i32_1 = arith.constant 0 : i32
    return %c0_i32, %c0_i32_0 : i32, i32
  }
  func.func @transform_9(%arg0: i32) -> (i32, i32) {
    %c0_i32 = arith.constant 0 : i32
    %c0_i32_0 = arith.constant 0 : i32
    %c0_i32_1 = arith.constant 0 : i32
    return %c0_i32, %c0_i32_0 : i32, i32
  }
  func.func @transform_10(%arg0: i32) -> (i32, i32) {
    %c0_i32 = arith.constant 0 : i32
    %c0_i32_0 = arith.constant 0 : i32
    return %arg0, %c0_i32 : i32, i32
  }
}

</mosaic_0001>

<sc_bundles>
// kernel: kernel.12.cloned.1.call-start
scs
__scs_entry_jumppad:
0x0: {  	(pc) =	sbr.rel $0x88, $3  }
0x1: {  	(tag) =	ssettag $0x0;
	lr =	simm.s32 $0x1  }
0x2: {  	[smem:$0x3F96] =	sst lr;
	_ =	strace $0xD0000000  }
0x3: {  	_ = 	snop  }
0x4: {  	_ = 	snop  }
0x5: {  	_ = 	snop  }
0x6: {  	_ = 	snop  }
0x7: {  	_ = 	snop  }
__scs_overlays_trampoline_lowered:
0x8: {  	[smem:$0x3FA5] =	sst s0  }
0x9: {  	[smem:$0x3FA6] =	sst s1  }
0xa: {  	[smem:$0x3FA7] =	sst s2  }
0xb: {  	[smem:$0x3FA8] =	sst s3  }
0xc: {  	[smem:$0x3FA9] =	sst s4  }
0xd: {  	[smem:$0x3FAA] =	sst s5  }
0xe: {  	[smem:$0x3FAB] =	sst s6  }
0xf: {  	[smem:$0x3FAC] =	sst s7  }
0x10: {  	[smem:$0x3FAD] =	sst s8  }
0x11: {  	[smem:$0x3FAE] =	sst s9;
	s0 =	simm.s32 @!p0 $0x0  }
0x12: {  	s1 =	sld [smem:$0x3F94];
	s0 =	simm.s32 @p0 $0x1  }
0x13: {  	[smem:$0x3FAF] =	sst s0;
	s0 =	simm.s32 @!p1 $0x0  }
0x14: {  	s2 =	sld [smem:$0x3F93];
	s0 =	simm.s32 @p1 $0x1  }
0x15: {  	[smem:$0x3FB0] =	sst s0;
	s0 =	simm.s32 @!p2 $0x0  }
0x16: {  	s3 =	sld [smem:$0x3FDB];
	s0 =	simm.s32 @p2 $0x1  }
0x17: {  	s4 =	simm.s32 $0x1BF5;
	[smem:$0x3FB2] =	sst s0  }
0x18: {  	s0 =	sld [smem:$0x3F95];
	_ =	swait.ge [sflag:s4], $0x0  }
0x19: {  	s7 =	sld [smem:$0x3F96]  }
0x1a: {  	s8 =	sadd.s32 $0xFFFFE003, lr  }
0x1b: {  	s9 =	sadd.s32 $0xFFFFFEF7, lr;
	s5 =	simm.s32 $0xFFFFFFFF;
	p2 =	slt.u32 s8, $0xFFFFF086  }
0x1c: {  	p1 =	slt.u32 s9, $0xF7A;
	s5 =	simm.s32 @!p2 $0x0  }
0x1d: {  	s5 =	simm.s32 @p1 $0x1;
	p0 =	seq.s32 s7, s2  }
0x1e: {  	s7 =	smul.u32 @!p0 $0xF7A, s2;
	p2 =	seq.s32 @!p0 s5, $0x0  }
0x1f: {  	s9 =	smul.u32 $0xF7A, s1;
	s8 =	simm.s32 @!p0 $0x1BF5;
	p2 =	por !p2, p0  }
0x20: {  	[sflag:s8] =	ssyncset.s32 @!p0 $0xFFFFF086;
	s6 =	sadd.s32 @!p0 s3, s7;
	s7 =	simm.s32 @!p0 $0x108  }
0x21: {  	s3 =	sadd.s32 s3, s9;
	s6 =	sadd.s32 @!p0 $0x88, s6;
	s7 =	simm.s32 @p2 $0x1082  }
0x22: {  	[simem:s7], [sflag:s8] =	dma.local @!p0 [hbm:s6], $0xF7A  }
0x23: {  	s9 =	sor.u32 $0xD0000000, s2;
	s6 =	simm.s32 $0x108;
	_ =	swait.ge @!p0 [sflag:s8], $0x0  }
0x24: {  	s3 =	sadd.s32 $0x88, s3;
	s6 =	simm.s32 @!p1 $0x1082;
	[sflag:s4] =	ssyncset.s32 $0xFFFFF086  }
0x25: {  	[simem:s6], [sflag:s4] =	dma.local [hbm:s3], $0xF7A  }
0x26: {  	[smem:$0x3F96] =	sst s1;
	(tag) =	ssettag s2;
	_ =	strace s9  }
0x27: {  	s1 =	sld [smem:$0x3FA6]  }
0x28: {  	s2 =	sld [smem:$0x3FA7]  }
0x29: {  	s4 =	sld [smem:$0x3FA9]  }
0x2a: {  	p0 =	seq.s32 s5, $0x0;
	s5 =	sld [smem:$0x3FAA]  }
0x2b: {  	s6 =	sld [smem:$0x3FAB]  }
0x2c: {  	s7 =	sld [smem:$0x3FAC]  }
0x2d: {  	s3 =	simm.s32 $0x108;
	s8 =	sld [smem:$0x3FAD]  }
0x2e: {  	s3 =	simm.s32 @!p0 $0x1082;
	s9 =	sld [smem:$0x3FAE]  }
0x2f: {  	lr =	sadd.s32 s0, s3;
	s0 =	sld [smem:$0x3FA5]  }
0x30: {  	s3 =	sld [smem:$0x3FA8]  }
0x31: {  	[smem:$0x3FB1] =	sst s10  }
0x32: {  	s10 =	sld [smem:$0x3FAF];
	_ =	sdelay $0x3  }
0x33: {  	p0 =	seq.s32 s10, $0x1;
	s10 =	sld [smem:$0x3FB1];
	_ =	sdelay $0x3  }
0x34: {  	[smem:$0x3FB1] =	sst s10  }
0x35: {  	s10 =	sld [smem:$0x3FB0];
	_ =	sdelay $0x3  }
0x36: {  	p1 =	seq.s32 s10, $0x1;
	s10 =	sld [smem:$0x3FB1];
	_ =	sdelay $0x3  }
0x37: {  	[smem:$0x3FB1] =	sst s10  }
0x38: {  	s10 =	sld [smem:$0x3FB2]  }
0x39: {  	_ = 	snop;
	(pc) =	sbr.ind lr, $3  }
0x3a: {  	_ = 	snop  }
0x3b: {  	_ = 	snop  }
0x3c: {  	p2 =	seq.s32 s10, $0x1;
	s10 =	sld [smem:$0x3FB1]  }
0x3d: {  	_ =	shalt  }
0x3e: {  	_ =	shalt  }
0x3f: {  	_ =	shalt  }
0x40: {  	_ =	shalt  }
0x41: {  	_ =	shalt  }
0x42: {  	_ =	shalt  }
0x43: {  	_ =	shalt  }
0x44: {  	_ =	shalt  }
0x45: {  	_ =	shalt  }
0x46: {  	_ =	shalt  }
0x47: {  	_ =	shalt  }
0x48: {  	_ =	shalt  }
0x49: {  	_ =	shalt  }
0x4a: {  	_ =	shalt  }
0x4b: {  	_ =	shalt  }
0x4c: {  	_ =	shalt  }
0x4d: {  	_ =	shalt  }
0x4e: {  	_ =	shalt  }
0x4f: {  	_ =	shalt  }
0x50: {  	_ =	shalt  }
0x51: {  	_ =	shalt  }
0x52: {  	_ =	shalt  }
0x53: {  	_ =	shalt  }
0x54: {  	_ =	shalt  }
0x55: {  	_ =	shalt  }
0x56: {  	_ =	shalt  }
0x57: {  	_ =	shalt  }
0x58: {  	_ =	shalt  }
0x59: {  	_ =	shalt  }
0x5a: {  	_ =	shalt  }
0x5b: {  	_ =	shalt  }
0x5c: {  	_ =	shalt  }
0x5d: {  	_ =	shalt  }
0x5e: {  	_ =	shalt  }
0x5f: {  	_ =	shalt  }
0x60: {  	_ =	shalt  }
0x61: {  	_ =	shalt  }
0x62: {  	_ =	shalt  }
0x63: {  	_ =	shalt  }
0x64: {  	_ =	shalt  }
0x65: {  	_ =	shalt  }
0x66: {  	_ =	shalt  }
0x67: {  	_ =	shalt  }
0x68: {  	_ =	shalt  }
0x69: {  	_ =	shalt  }
0x6a: {  	_ =	shalt  }
0x6b: {  	_ =	shalt  }
0x6c: {  	_ =	shalt  }
0x6d: {  	_ =	shalt  }
0x6e: {  	_ =	shalt  }
0x6f: {  	_ =	shalt  }
0x70: {  	_ =	shalt  }
0x71: {  	_ =	shalt  }
0x72: {  	_ =	shalt  }
0x73: {  	_ =	shalt  }
0x74: {  	_ =	shalt  }
0x75: {  	_ =	shalt  }
0x76: {  	_ =	shalt  }
0x77: {  	_ =	shalt  }
0x78: {  	_ =	shalt  }
0x79: {  	_ =	shalt  }
0x7a: {  	_ =	shalt  }
0x7b: {  	_ =	shalt  }
0x7c: {  	_ =	shalt  }
0x7d: {  	_ =	shalt  }
0x7e: {  	_ =	shalt  }
0x7f: {  	_ =	shalt  }
0x80: {  	_ =	shalt  }
0x81: {  	_ =	shalt  }
0x82: {  	_ =	shalt  }
0x83: {  	_ =	shalt  }
0x84: {  	_ =	shalt  }
0x85: {  	_ =	shalt  }
0x86: {  	_ =	shalt  }
0x87: {  	_ =	shalt  }
.Lfunc_end0:
.L_simem_size_0:
called_computation.1_lowered:
.L_overlay_start_0:
0x88: {  	s2 =	sld [smem:$0x3FD9]  }
0x89: {  	s3 =	sld [smem:$0x3FFE];
	_ =	sdelay $0x1  }
0x8a: {  	s1 =	srdreg.scid  }
0x8b: {  	s0 =	sand.u32 $0x1, s1  }
0x8c: {  	s17 =	sshll.u32 s0, $0xA;
	s2 =	sadd.s32 s3, s2  }
0x8d: {  	s2 =	sadd.s32 s2, s17  }
0x8e: {  	[smem:$0x3FBD] =	sst s2  }
0x8f: {  	_ = 	snop  }
0x90: {  	s2 =	sld [smem:$0x3FD0];
	(tm) =	ssettm $0x1  }
0x91: {  	s18 =	sld [smem:$0x3FFB];
	_ =	sdelay $0x3  }
0x92: {  	_ =	strace s18  }
0x93: {  	s3 =	sld [smem:$0x3FFC];
	_ =	sdelay $0x3  }
0x94: {  	_ =	strace s3  }
0x95: {  	s3 =	sld [smem:$0x3FFD];
	_ =	sdelay $0x3  }
0x96: {  	_ =	strace s3  }
0x97: {  	_ =	strace $0x8FFFFFFF  }
0x98: {  	s19 =	sld [smem:$0x3FDB];
	_ =	sdelay $0x1  }
0x99: {  	s4 =	simm.s32 $_scs_section_size  }
0x9a: {  	s5 =	simm.s32 $_size__tile_overlayer_lowered;
	s6 =	simm.s32 $_tile_overlayer_lowered  }
0x9b: {  	s22 =	simm.s32 $0x1BFF;
	s21 =	sshll.u32 s6, $0x1;
	s3 =	sadd.s32 s4, s19  }
0x9c: {  	s7 =	simm.s32 $0x0;
	s20 =	sshll.u32 s5, $0x1;
	s5 =	sadd.s32 s21, s3  }
0x9d: {  	[timem:s7], [sflag:s22] =	dma.local [hbm:s5], s20  }
0x9e: {  	_ =	swait.ge [sflag:s22], s20  }
0x9f: {  	s4 =	ssub.s32 $0x0, s20;
	[sflag:s22] =	ssyncset.done $0x0  }
0xa0: {  	[sflag:s22] =	ssyncadd.s32 s4;
	_ =	sdelay $0x1  }
0xa1: {  	s23 =	simm.s32 $0x1B8B  }
0xa2: {  	_ =	swait.ge [sflag:s23], $0x1  }
0xa3: {  	[sflag:s23] =	ssyncset.done $0x0  }
0xa4: {  	s25 =	simm.s32 $0x1B8E;
	s24 =	sld [smem:$0x3FFE];
	[sflag:s23] =	ssyncadd.s32 $0xFFFFFFFF  }
0xa5: {  	s26 =	simm.s32 $execute0_lowered;
	[smem:$0x3FD2] =	sst s25  }
0xa6: {  	s5 =	sshll.u32 s26, $0x1;
	_ =	strace $0x80000049;
	[dreg:$0x1] =	wrdreg $0xFFFFFFFF  }
0xa7: {  	s28 =	simm.s32 $_size_execute0_lowered;
	s3 =	sadd.s32 s3, s5;
	[dreg:$0x0] =	wrdreg $0x0  }
0xa8: {  	s5 =	sshll.u32 s28, $0x1;
	[dreg:$0x2] =	wrdreg s3  }
0xa9: {  	[dreg:$0x3] =	wrdreg s5  }
0xaa: {  	[dreg:$0x4] =	wrdreg $0xC0  }
0xab: {  	_ =	task [dreg:s7], $0x5FFFF  }
0xac: {  	[dreg:$0x1] =	wrdreg $0xFFFFFFFF  }
0xad: {  	[dreg:$0x0] =	wrdreg $0x60  }
0xae: {  	[dreg:$0x2] =	wrdreg s24  }
0xaf: {  	[dreg:$0x3] =	wrdreg s2  }
0xb0: {  	[dreg:$0x4] =	wrdreg $0x90000  }
0xb1: {  	[dreg:$0x5] =	wrdreg $0x9  }
0xb2: {  	_ =	task.clear_ibuf [dreg:s7], $0x6FFFF;
	_ =	strace $0x90000049  }
0xb3: {  	s29 =	simm.s32 $0x9;
	_ =	strace $0x8000004B  }
0xb4: {  	_ =	swait.ge [sflag:s29], $0x1  }
0xb5: {  	[sflag:s29] =	ssyncadd.s32 $0xFFFFFFFF  }
0xb6: {  	_ =	strace $0x9000004B  }
0xb7: {  	_ =	sfence  }
0xb8: {  	s30 =	sld [smem:$0x0];
	_ =	sdelay $0x2  }
0xb9: {  	s31 =	sshll.u32 s1, $0xD;
	s1 =	sshrl.u32 s1, $0x2  }
0xba: {  	s3 =	sand.u32 $0x4000, s31;
	s1 =	sadd.s32 s1, s30  }
0xbb: {  	s0 =	sor.u32 s3, s0;
	s1 =	sshll.u32 s1, $0x11  }
0xbc: {  	s0 =	sor.u32 s1, s0  }
0xbd: {  	s0 =	sadd.s32 $0x8F2B, s0  }
0xbe: {  	[sflag:s0] =	ssyncadd.remote.s32 $0x1  }
0xbf: {  	_ =	sfence.sel $0xFFFF  }
0xc0: {  	[dreg:$0x0] =	wrdreg $0xFFFFFFFF;
	(pc) =	sbr.abs _section_cstart, $3  }
0xc1: {  	[dreg:$0x1] =	wrdreg $0xFFFFFFFF  }
0xc2: {  	_ =	task.clear_ibuf [dreg:s7], $0x2FFFF;
	_ =	strace $0x9FFFFFFF  }
0xc3: {  	(tm) =	ssettm $0x7FFFFFFF  }
tec
execute0_lowered:
.L_overlay_start_1:
0x0: {  	(tag) =	ssettag $0x1  }
0x1: {  	s8 =	rddreg [dreg:$0x0]  }
0x2: {  	s1 =	srdreg.scid;
	s9 =	rddreg [dreg:$0x1]  }
0x3: {  	s0 =	stileid.u32;
	s2 =	rddreg [dreg:$0x2];
	s3 =	simm.s32 $0x0  }
0x4: {  	s20 =	simm.s32 $0x7D;
	s21 =	simm.s32 $0x5000;
	s22 =	simm.s32 $0x0  }
0x5: {  	s7 =	sand.u32 $0x1, s1;
	s29 =	sshll.u32 s0, $0x1;
	s1 =	rddreg [dreg:$0x3]  }
0x6: {  	[smem:$0x7FF] =	sst s3;
	s12 =	smul.u32 $0x14000, s0;
	s5 =	sadd.s32 $0x9CA00, s8  }
0x7: {  	s6 =	sadd.s32 $0x74A00, s8;
	s15 =	smul.u32 $0x50000, s0;
	s18 =	sshll.u32 s0, $0x6  }
0x8: {  	s4 =	sor.u32 s7, s29;
	s11 =	smul.u32 $0x140000, s7;
	_ =	strace $0x8000004A  }
0x9: {  	s30 =	ssub.s32 $0x2, s7;
	s7 =	sadd.s32 $0xC4A00, s8;
	s18 =	sor.u32 $0x1C01, s18  }
0xa: {  	s10 =	smul.u32 $0x500, s4;
	s4 =	sadd.s32 $0xEA00, s8;
	s14 =	sshrl.u32 s30, $0x1  }
0xb: {  	s31 =	sshrl.u32 s15, $0x2;
	s11 =	sadd.s32 s12, s11;
	s17 =	ssub.s32 s30, s14  }
0xc: {  	s19 =	sadd.s32 s31, s2;
	s13 =	sadd.s32 s10, s8;
	s11 =	sshrl.u32 s11, $0x3  }
0xd: {  	s9 =	sadd.s32 s9, s10;
	s15 =	smax.u32 s17, $0x1;
	s17 =	simm.s32 $0x2800  }
0xe: {  	s19 =	sshrl.u32 s19, $0x3;
	s16 =	sadd.s32 s11, s8;
	s8 =	sadd.s32 $0x60A00, s13  }
0xf: {  	s12 =	sadd.s32 $0x6AA00, s13;
	s13 =	sadd.s32 $0x4A00, s13;
	s10 =	sadd.s32 $0xC7200, s16  }
0x10: {  	s11 =	sadd.s32 $0x117200, s16;
	s14 =	sadd.s32 $0x167200, s16;
	s16 =	simm.s32 $0x1  }
.LBB2_1:
0x11: {  	[tilespmem:s3], [sflag:$0x1] =	stream.linear.gather [hbm4b:s8+s3], $0x2800, $0x38;
	[tilespmem:$0x1D000] =	vst v63  }
0x12: {  	_ =	swait.ge [sflag:s16], $0x2800  }
0x13: {  	[sflag:s16] =	ssyncset.done $0x0  }
0x14: {  	[sflag:s16] =	ssyncadd.s32 $0xFFFFD800  }
0x15: {  	[tilespmem:s17], [sflag:$0x1] =	stream.linear.gather [hbm4b:s9+s3], $0x2800, $0x38;
	[tilespmem:$0x1D000] =	vst v63  }
0x16: {  	_ =	swait.ge [sflag:s16], $0x2800  }
0x17: {  	[sflag:s16] =	ssyncset.done $0x0  }
0x18: {  	[sflag:s16] =	ssyncadd.s32 $0xFFFFD800  }
0x19: {  	[spmem:s19], [sflag:s18] =	dma.local [hbm:s7], $0x2800  }
0x1a: {  	_ =	swait.ge [sflag:s16], $0x2800  }
0x1b: {  	[sflag:s16] =	ssyncset.done $0x0  }
0x1c: {  	[sflag:s16] =	ssyncadd.s32 $0xFFFFD800  }
0x1d: {  	s23 =	simm.s32 $0x0;
	[bflag:$0x0] =	sbarrier.arrive $0xFFFF  }
0x1e: {  	[tilespmem:s21], [sflag:$0x1] =	stream.indirect.gather [hbm4b:s4+s20], $0x80, s23, s20, $0xb8;
	[tilespmem:$0x1D000] =	vst v63  }
0x1f: {  	_ =	swait.ge [sflag:s16], $0x3E80  }
0x20: {  	[sflag:s16] =	ssyncset.done $0x0  }
0x21: {  	s31 =	simm.s32 $0x2800;
	[sflag:s16] =	ssyncadd.s32 $0xFFFFC180  }
0x22: {  	[spmem:s2] =	stream.indirect.scatter.add.f32 [tilespmem:s21], [sflag:$0x1], $0x80, s31, s20, $0xb8;
	[tilespmem:$0x1D000] =	vst v63  }
0x23: {  	_ =	swait.ge [sflag:s16], $0x3E80  }
0x24: {  	s24 =	simm.s32 $0x400;
	s23 =	simm.s32 $0x200;
	[sflag:s16] =	ssyncset.done $0x0  }
.LBB2_2:
0x25: {  	s25 =	sshra.s32 s23, $0x2  }
0x26: {  	[sflag:s16] =	ssyncadd.s32 $0xFFFFC180;
	s23 =	smov.u32 s24;
	s26 =	sadd.s32 $0x200, s24  }
0x27: {  	[tilespmem:s21], [sflag:$0x1] =	stream.indirect.gather [hbm4b:s4+s20], $0x80, s25, s20, $0xb8;
	[tilespmem:$0x1D000] =	vst v63  }
0x28: {  	p0 =	sne.s32 s24, $0x9E00;
	_ =	swait.ge [sflag:s16], $0x3E80  }
.Ltmp0:
0x29: {  	[sflag:s16] =	ssyncset.done $0x0;
	(pc) =	sbr.rel @p0 .LBB2_2-.Ltmp0, $4  }
0x2a: {  	s24 =	sadd.s32 $0x2800, s25;
	[sflag:s16] =	ssyncadd.s32 $0xFFFFC180  }
0x2b: {  	[spmem:s2] =	stream.indirect.scatter.add.f32 [tilespmem:s21], [sflag:$0x1], $0x80, s24, s20, $0xb8;
	[tilespmem:$0x1D000] =	vst v63  }
0x2c: {  	_ =	swait.ge [sflag:s16], $0x3E80  }
0x2d: {  	s24 =	smov.u32 s26;
	[sflag:s16] =	ssyncset.done $0x0  }
0x2e: {  	s23 =	sshra.s32 s23, $0x2;
	[sflag:s16] =	ssyncadd.s32 $0xFFFFC180  }
0x2f: {  	[tilespmem:s21], [sflag:$0x1] =	stream.indirect.gather [hbm4b:s4+s20], $0x80, s23, s20, $0xb8;
	[tilespmem:$0x1D000] =	vst v63  }
0x30: {  	_ =	swait.ge [sflag:s16], $0x3E80  }
0x31: {  	[sflag:s16] =	ssyncset.done $0x0  }
0x32: {  	s23 =	sadd.s32 $0x2800, s23;
	[sflag:s16] =	ssyncadd.s32 $0xFFFFC180  }
0x33: {  	[spmem:s2] =	stream.indirect.scatter.add.f32 [tilespmem:s21], [sflag:$0x1], $0x80, s23, s20, $0xb8;
	[tilespmem:$0x1D000] =	vst v63  }
0x34: {  	_ =	swait.ge [sflag:s16], $0x3E80  }
0x35: {  	[sflag:s16] =	ssyncset.done $0x0  }
0x36: {  	[sflag:s16] =	ssyncadd.s32 $0xFFFFC180  }
0x37: {  	[bflag:$0x0] =	sbarrier.arrive $0xFFFF  }
0x38: {  	[hbm:s10], [sflag:s18] =	dma.local [spmem:s19], $0x2800  }
0x39: {  	_ =	swait.ge [sflag:s16], $0x2800  }
0x3a: {  	[sflag:s16] =	ssyncset.done $0x0  }
0x3b: {  	[sflag:s16] =	ssyncadd.s32 $0xFFFFD800  }
0x3c: {  	[spmem:s19], [sflag:s18] =	dma.local [hbm:s7], $0x2800  }
0x3d: {  	_ =	swait.ge [sflag:s16], $0x2800  }
0x3e: {  	[sflag:s16] =	ssyncset.done $0x0  }
0x3f: {  	[sflag:s16] =	ssyncadd.s32 $0xFFFFD800  }
0x40: {  	s30 =	simm.s32 $0x0;
	[bflag:$0x0] =	sbarrier.arrive $0xFFFF  }
0x41: {  	[tilespmem:s21], [sflag:$0x1] =	stream.indirect.gather [hbm4b:s5+s20], $0x80, s30, s20, $0xb8;
	[tilespmem:$0x1D000] =	vst v63  }
0x42: {  	_ =	swait.ge [sflag:s16], $0x3E80  }
0x43: {  	[sflag:s16] =	ssyncset.done $0x0  }
0x44: {  	s31 =	simm.s32 $0x2800;
	[sflag:s16] =	ssyncadd.s32 $0xFFFFC180  }
0x45: {  	[spmem:s2] =	stream.indirect.scatter.add.f32 [tilespmem:s21], [sflag:$0x1], $0x80, s31, s20, $0xb8;
	[tilespmem:$0x1D000] =	vst v63  }
0x46: {  	_ =	swait.ge [sflag:s16], $0x3E80  }
0x47: {  	s24 =	simm.s32 $0x400;
	s23 =	simm.s32 $0x200;
	[sflag:s16] =	ssyncset.done $0x0  }
.LBB2_4:
0x48: {  	s25 =	sshra.s32 s23, $0x2  }
0x49: {  	[sflag:s16] =	ssyncadd.s32 $0xFFFFC180;
	s23 =	smov.u32 s24;
	s26 =	sadd.s32 $0x200, s24  }
0x4a: {  	[tilespmem:s21], [sflag:$0x1] =	stream.indirect.gather [hbm4b:s5+s20], $0x80, s25, s20, $0xb8;
	[tilespmem:$0x1D000] =	vst v63  }
0x4b: {  	p0 =	sne.s32 s24, $0x9E00;
	_ =	swait.ge [sflag:s16], $0x3E80  }
.Ltmp1:
0x4c: {  	[sflag:s16] =	ssyncset.done $0x0;
	(pc) =	sbr.rel @p0 .LBB2_4-.Ltmp1, $4  }
0x4d: {  	s24 =	sadd.s32 $0x2800, s25;
	[sflag:s16] =	ssyncadd.s32 $0xFFFFC180  }
0x4e: {  	[spmem:s2] =	stream.indirect.scatter.add.f32 [tilespmem:s21], [sflag:$0x1], $0x80, s24, s20, $0xb8;
	[tilespmem:$0x1D000] =	vst v63  }
0x4f: {  	_ =	swait.ge [sflag:s16], $0x3E80  }
0x50: {  	s24 =	smov.u32 s26;
	[sflag:s16] =	ssyncset.done $0x0  }
0x51: {  	s23 =	sshra.s32 s23, $0x2;
	[sflag:s16] =	ssyncadd.s32 $0xFFFFC180  }
0x52: {  	[tilespmem:s21], [sflag:$0x1] =	stream.indirect.gather [hbm4b:s5+s20], $0x80, s23, s20, $0xb8;
	[tilespmem:$0x1D000] =	vst v63  }
0x53: {  	_ =	swait.ge [sflag:s16], $0x3E80  }
0x54: {  	[sflag:s16] =	ssyncset.done $0x0  }
0x55: {  	s23 =	sadd.s32 $0x2800, s23;
	[sflag:s16] =	ssyncadd.s32 $0xFFFFC180  }
0x56: {  	[spmem:s2] =	stream.indirect.scatter.add.f32 [tilespmem:s21], [sflag:$0x1], $0x80, s23, s20, $0xb8;
	[tilespmem:$0x1D000] =	vst v63  }
0x57: {  	_ =	swait.ge [sflag:s16], $0x3E80  }
0x58: {  	[sflag:s16] =	ssyncset.done $0x0  }
0x59: {  	[sflag:s16] =	ssyncadd.s32 $0xFFFFC180  }
0x5a: {  	[bflag:$0x0] =	sbarrier.arrive $0xFFFF  }
0x5b: {  	[hbm:s11], [sflag:s18] =	dma.local [spmem:s19], $0x2800  }
0x5c: {  	_ =	swait.ge [sflag:s16], $0x2800  }
0x5d: {  	[sflag:s16] =	ssyncset.done $0x0  }
0x5e: {  	s29 =	simm.s32 $0x0;
	[sflag:s16] =	ssyncadd.s32 $0xFFFFD800  }
0x5f: {  	[tilespmem:s29], [sflag:$0x1] =	stream.linear.gather [hbm4b:s12+s29], $0x2800, $0x38;
	[tilespmem:$0x1D000] =	vst v63  }
0x60: {  	_ =	swait.ge [sflag:s16], $0x2800  }
0x61: {  	[sflag:s16] =	ssyncset.done $0x0  }
0x62: {  	[sflag:s16] =	ssyncadd.s32 $0xFFFFD800  }
0x63: {  	[tilespmem:s17], [sflag:$0x1] =	stream.linear.gather [hbm4b:s13+s29], $0x2800, $0x38;
	[tilespmem:$0x1D000] =	vst v63  }
0x64: {  	_ =	swait.ge [sflag:s16], $0x2800  }
0x65: {  	[sflag:s16] =	ssyncset.done $0x0  }
0x66: {  	[sflag:s16] =	ssyncadd.s32 $0xFFFFD800  }
0x67: {  	[spmem:s19], [sflag:s18] =	dma.local [hbm:s7], $0x2800  }
0x68: {  	_ =	swait.ge [sflag:s16], $0x2800  }
0x69: {  	[sflag:s16] =	ssyncset.done $0x0  }
0x6a: {  	[sflag:s16] =	ssyncadd.s32 $0xFFFFD800  }
0x6b: {  	s30 =	simm.s32 $0x0;
	[bflag:$0x0] =	sbarrier.arrive $0xFFFF  }
0x6c: {  	[tilespmem:s21], [sflag:$0x1] =	stream.indirect.gather [hbm4b:s6+s20], $0x80, s30, s20, $0xb8;
	[tilespmem:$0x1D000] =	vst v63  }
0x6d: {  	_ =	swait.ge [sflag:s16], $0x3E80  }
0x6e: {  	[sflag:s16] =	ssyncset.done $0x0  }
0x6f: {  	s31 =	simm.s32 $0x2800;
	[sflag:s16] =	ssyncadd.s32 $0xFFFFC180  }
0x70: {  	[spmem:s2] =	stream.indirect.scatter.add.f32 [tilespmem:s21], [sflag:$0x1], $0x80, s31, s20, $0xb8;
	[tilespmem:$0x1D000] =	vst v63  }
0x71: {  	_ =	swait.ge [sflag:s16], $0x3E80  }
0x72: {  	s24 =	simm.s32 $0x400;
	s23 =	simm.s32 $0x200;
	[sflag:s16] =	ssyncset.done $0x0  }
.LBB2_6:
0x73: {  	s25 =	sshra.s32 s23, $0x2  }
0x74: {  	[sflag:s16] =	ssyncadd.s32 $0xFFFFC180;
	s23 =	smov.u32 s24;
	s26 =	sadd.s32 $0x200, s24  }
0x75: {  	[tilespmem:s21], [sflag:$0x1] =	stream.indirect.gather [hbm4b:s6+s20], $0x80, s25, s20, $0xb8;
	[tilespmem:$0x1D000] =	vst v63  }
0x76: {  	p0 =	sne.s32 s24, $0x9E00;
	_ =	swait.ge [sflag:s16], $0x3E80  }
.Ltmp2:
0x77: {  	[sflag:s16] =	ssyncset.done $0x0;
	(pc) =	sbr.rel @p0 .LBB2_6-.Ltmp2, $4  }
0x78: {  	s24 =	sadd.s32 $0x2800, s25;
	[sflag:s16] =	ssyncadd.s32 $0xFFFFC180  }
0x79: {  	[spmem:s2] =	stream.indirect.scatter.add.f32 [tilespmem:s21], [sflag:$0x1], $0x80, s24, s20, $0xb8;
	[tilespmem:$0x1D000] =	vst v63  }
0x7a: {  	_ =	swait.ge [sflag:s16], $0x3E80  }
0x7b: {  	s24 =	smov.u32 s26;
	[sflag:s16] =	ssyncset.done $0x0  }
0x7c: {  	s23 =	sshra.s32 s23, $0x2;
	[sflag:s16] =	ssyncadd.s32 $0xFFFFC180  }
0x7d: {  	[tilespmem:s21], [sflag:$0x1] =	stream.indirect.gather [hbm4b:s6+s20], $0x80, s23, s20, $0xb8;
	[tilespmem:$0x1D000] =	vst v63  }
0x7e: {  	_ =	swait.ge [sflag:s16], $0x3E80  }
0x7f: {  	[sflag:s16] =	ssyncset.done $0x0  }
0x80: {  	s23 =	sadd.s32 $0x2800, s23;
	[sflag:s16] =	ssyncadd.s32 $0xFFFFC180  }
0x81: {  	[spmem:s2] =	stream.indirect.scatter.add.f32 [tilespmem:s21], [sflag:$0x1], $0x80, s23, s20, $0xb8;
	[tilespmem:$0x1D000] =	vst v63  }
0x82: {  	_ =	swait.ge [sflag:s16], $0x3E80  }
0x83: {  	s22 =	sadd.s32 $0x1, s22;
	[sflag:s16] =	ssyncset.done $0x0  }
0x84: {  	p0 =	sne.s32 s22, s15;
	[sflag:s16] =	ssyncadd.s32 $0xFFFFC180  }
.Ltmp3:
0x85: {  	[bflag:$0x0] =	sbarrier.arrive $0xFFFF;
	(pc) =	sbr.rel @p0 .LBB2_1-.Ltmp3, $4  }
0x86: {  	[hbm:s14], [sflag:s18] =	dma.local [spmem:s19], $0x2800  }
0x87: {  	_ =	swait.ge [sflag:s16], $0x2800  }
0x88: {  	[sflag:s16] =	ssyncset.done $0x0  }
0x89: {  	[sflag:s16] =	ssyncadd.s32 $0xFFFFD800  }
0x8a: {  	_ =	sfence.sel $0x180000  }
0x8b: {  	[bflag:$0x0] =	sbarrier.arrive $0xFFFF  }
0x8c: {  	p0 =	sne.s32 s0, $0x0;
	_ =	strace $0x9000004A  }
0x8d: {  	s0 =	sadd.s32 @!p0 $0x100000, s1;
	[bflag:$0x2] =	sbarrier.arrive $0xFFFF  }
0x8e: {  	[sflag:s0] =	ssyncadd.tile.s32 @!p0 $0x1;
	_ =	shalt  }
.Lfunc_end2:
_tile_overlayer_lowered:
.L_overlay_start_2:
0x8f: {  	(tag) =	ssettag $0x2  }
0x90: {  	s0 =	rddreg [dreg:$0x0];
	s2 =	stileid.u32  }
0x91: {  	s1 =	rddreg [dreg:$0x1];
	p0 =	sne.s32 s2, $0x0  }
0x92: {  	s3 =	rddreg [dreg:$0x2];
	[bflag:$0x3] =	sbarrier.arrive $0xFFFF;
	s2 =	simm.s32 @!p0 $0x1C01  }
0x93: {  	[timem:s3], [sflag:s2] =	dma.local @!p0 [hbm:s0], s1  }
0x94: {  	s0 =	simm.s32 @!p0 $0x1  }
0x95: {  	_ =	swait.ge @!p0 [sflag:s0], s1  }
0x96: {  	s1 =	ssub.s32 @!p0 $0x0, s1;
	[sflag:s0] =	ssyncset.done @!p0 $0x0  }
0x97: {  	[sflag:s0] =	ssyncadd.s32 @!p0 s1  }
0x98: {  	[bflag:$0x3] =	sbarrier.arrive $0xFFFF  }
0x99: {  	_ =	shalt  }

// kernel: kernel.15.cloned.1.call-start
scs
__scs_entry_jumppad:
0x0: {  	(pc) =	sbr.rel $0x88, $3  }
0x1: {  	(tag) =	ssettag $0x0;
	lr =	simm.s32 $0x1  }
0x2: {  	[smem:$0x3F96] =	sst lr;
	_ =	strace $0xD0000000  }
0x3: {  	_ = 	snop  }
0x4: {  	_ = 	snop  }
0x5: {  	_ = 	snop  }
0x6: {  	_ = 	snop  }
0x7: {  	_ = 	snop  }
__scs_overlays_trampoline_lowered:
0x8: {  	[smem:$0x3FA5] =	sst s0  }
0x9: {  	[smem:$0x3FA6] =	sst s1  }
0xa: {  	[smem:$0x3FA7] =	sst s2  }
0xb: {  	[smem:$0x3FA8] =	sst s3  }
0xc: {  	[smem:$0x3FA9] =	sst s4  }
0xd: {  	[smem:$0x3FAA] =	sst s5  }
0xe: {  	[smem:$0x3FAB] =	sst s6  }
0xf: {  	[smem:$0x3FAC] =	sst s7  }
0x10: {  	[smem:$0x3FAD] =	sst s8  }
0x11: {  	[smem:$0x3FAE] =	sst s9;
	s0 =	simm.s32 @!p0 $0x0  }
0x12: {  	s1 =	sld [smem:$0x3F94];
	s0 =	simm.s32 @p0 $0x1  }
0x13: {  	[smem:$0x3FAF] =	sst s0;
	s0 =	simm.s32 @!p1 $0x0  }
0x14: {  	s2 =	sld [smem:$0x3F93];
	s0 =	simm.s32 @p1 $0x1  }
0x15: {  	[smem:$0x3FB0] =	sst s0;
	s0 =	simm.s32 @!p2 $0x0  }
0x16: {  	s3 =	sld [smem:$0x3FDB];
	s0 =	simm.s32 @p2 $0x1  }
0x17: {  	s4 =	simm.s32 $0x1BF5;
	[smem:$0x3FB2] =	sst s0  }
0x18: {  	s0 =	sld [smem:$0x3F95];
	_ =	swait.ge [sflag:s4], $0x0  }
0x19: {  	s7 =	sld [smem:$0x3F96]  }
0x1a: {  	s8 =	sadd.s32 $0xFFFFE003, lr  }
0x1b: {  	s9 =	sadd.s32 $0xFFFFFEF7, lr;
	s5 =	simm.s32 $0xFFFFFFFF;
	p2 =	slt.u32 s8, $0xFFFFF086  }
0x1c: {  	p1 =	slt.u32 s9, $0xF7A;
	s5 =	simm.s32 @!p2 $0x0  }
0x1d: {  	s5 =	simm.s32 @p1 $0x1;
	p0 =	seq.s32 s7, s2  }
0x1e: {  	s7 =	smul.u32 @!p0 $0xF7A, s2;
	p2 =	seq.s32 @!p0 s5, $0x0  }
0x1f: {  	s9 =	smul.u32 $0xF7A, s1;
	s8 =	simm.s32 @!p0 $0x1BF5;
	p2 =	por !p2, p0  }
0x20: {  	[sflag:s8] =	ssyncset.s32 @!p0 $0xFFFFF086;
	s6 =	sadd.s32 @!p0 s3, s7;
	s7 =	simm.s32 @!p0 $0x108  }
0x21: {  	s3 =	sadd.s32 s3, s9;
	s6 =	sadd.s32 @!p0 $0x88, s6;
	s7 =	simm.s32 @p2 $0x1082  }
0x22: {  	[simem:s7], [sflag:s8] =	dma.local @!p0 [hbm:s6], $0xF7A  }
0x23: {  	s9 =	sor.u32 $0xD0000000, s2;
	s6 =	simm.s32 $0x108;
	_ =	swait.ge @!p0 [sflag:s8], $0x0  }
0x24: {  	s3 =	sadd.s32 $0x88, s3;
	s6 =	simm.s32 @!p1 $0x1082;
	[sflag:s4] =	ssyncset.s32 $0xFFFFF086  }
0x25: {  	[simem:s6], [sflag:s4] =	dma.local [hbm:s3], $0xF7A  }
0x26: {  	[smem:$0x3F96] =	sst s1;
	(tag) =	ssettag s2;
	_ =	strace s9  }
0x27: {  	s1 =	sld [smem:$0x3FA6]  }
0x28: {  	s2 =	sld [smem:$0x3FA7]  }
0x29: {  	s4 =	sld [smem:$0x3FA9]  }
0x2a: {  	p0 =	seq.s32 s5, $0x0;
	s5 =	sld [smem:$0x3FAA]  }
0x2b: {  	s6 =	sld [smem:$0x3FAB]  }
0x2c: {  	s7 =	sld [smem:$0x3FAC]  }
0x2d: {  	s3 =	simm.s32 $0x108;
	s8 =	sld [smem:$0x3FAD]  }
0x2e: {  	s3 =	simm.s32 @!p0 $0x1082;
	s9 =	sld [smem:$0x3FAE]  }
0x2f: {  	lr =	sadd.s32 s0, s3;
	s0 =	sld [smem:$0x3FA5]  }
0x30: {  	s3 =	sld [smem:$0x3FA8]  }
0x31: {  	[smem:$0x3FB1] =	sst s10  }
0x32: {  	s10 =	sld [smem:$0x3FAF];
	_ =	sdelay $0x3  }
0x33: {  	p0 =	seq.s32 s10, $0x1;
	s10 =	sld [smem:$0x3FB1];
	_ =	sdelay $0x3  }
0x34: {  	[smem:$0x3FB1] =	sst s10  }
0x35: {  	s10 =	sld [smem:$0x3FB0];
	_ =	sdelay $0x3  }
0x36: {  	p1 =	seq.s32 s10, $0x1;
	s10 =	sld [smem:$0x3FB1];
	_ =	sdelay $0x3  }
0x37: {  	[smem:$0x3FB1] =	sst s10  }
0x38: {  	s10 =	sld [smem:$0x3FB2]  }
0x39: {  	_ = 	snop;
	(pc) =	sbr.ind lr, $3  }
0x3a: {  	_ = 	snop  }
0x3b: {  	_ = 	snop  }
0x3c: {  	p2 =	seq.s32 s10, $0x1;
	s10 =	sld [smem:$0x3FB1]  }
0x3d: {  	_ =	shalt  }
0x3e: {  	_ =	shalt  }
0x3f: {  	_ =	shalt  }
0x40: {  	_ =	shalt  }
0x41: {  	_ =	shalt  }
0x42: {  	_ =	shalt  }
0x43: {  	_ =	shalt  }
0x44: {  	_ =	shalt  }
0x45: {  	_ =	shalt  }
0x46: {  	_ =	shalt  }
0x47: {  	_ =	shalt  }
0x48: {  	_ =	shalt  }
0x49: {  	_ =	shalt  }
0x4a: {  	_ =	shalt  }
0x4b: {  	_ =	shalt  }
0x4c: {  	_ =	shalt  }
0x4d: {  	_ =	shalt  }
0x4e: {  	_ =	shalt  }
0x4f: {  	_ =	shalt  }
0x50: {  	_ =	shalt  }
0x51: {  	_ =	shalt  }
0x52: {  	_ =	shalt  }
0x53: {  	_ =	shalt  }
0x54: {  	_ =	shalt  }
0x55: {  	_ =	shalt  }
0x56: {  	_ =	shalt  }
0x57: {  	_ =	shalt  }
0x58: {  	_ =	shalt  }
0x59: {  	_ =	shalt  }
0x5a: {  	_ =	shalt  }
0x5b: {  	_ =	shalt  }
0x5c: {  	_ =	shalt  }
0x5d: {  	_ =	shalt  }
0x5e: {  	_ =	shalt  }
0x5f: {  	_ =	shalt  }
0x60: {  	_ =	shalt  }
0x61: {  	_ =	shalt  }
0x62: {  	_ =	shalt  }
0x63: {  	_ =	shalt  }
0x64: {  	_ =	shalt  }
0x65: {  	_ =	shalt  }
0x66: {  	_ =	shalt  }
0x67: {  	_ =	shalt  }
0x68: {  	_ =	shalt  }
0x69: {  	_ =	shalt  }
0x6a: {  	_ =	shalt  }
0x6b: {  	_ =	shalt  }
0x6c: {  	_ =	shalt  }
0x6d: {  	_ =	shalt  }
0x6e: {  	_ =	shalt  }
0x6f: {  	_ =	shalt  }
0x70: {  	_ =	shalt  }
0x71: {  	_ =	shalt  }
0x72: {  	_ =	shalt  }
0x73: {  	_ =	shalt  }
0x74: {  	_ =	shalt  }
0x75: {  	_ =	shalt  }
0x76: {  	_ =	shalt  }
0x77: {  	_ =	shalt  }
0x78: {  	_ =	shalt  }
0x79: {  	_ =	shalt  }
0x7a: {  	_ =	shalt  }
0x7b: {  	_ =	shalt  }
0x7c: {  	_ =	shalt  }
0x7d: {  	_ =	shalt  }
0x7e: {  	_ =	shalt  }
0x7f: {  	_ =	shalt  }
0x80: {  	_ =	shalt  }
0x81: {  	_ =	shalt  }
0x82: {  	_ =	shalt  }
0x83: {  	_ =	shalt  }
0x84: {  	_ =	shalt  }
0x85: {  	_ =	shalt  }
0x86: {  	_ =	shalt  }
0x87: {  	_ =	shalt  }
.Lfunc_end0:
.L_simem_size_0:
called_computation.2_lowered:
.L_overlay_start_0:
0x88: {  	s2 =	sld [smem:$0x3FD9]  }
0x89: {  	s3 =	sld [smem:$0x3FFE];
	_ =	sdelay $0x1  }
0x8a: {  	s1 =	srdreg.scid  }
0x8b: {  	s0 =	sand.u32 $0x1, s1  }
0x8c: {  	s17 =	sshll.u32 s0, $0xA;
	s2 =	sadd.s32 s3, s2  }
0x8d: {  	s2 =	sadd.s32 s2, s17  }
0x8e: {  	[smem:$0x3FBD] =	sst s2  }
0x8f: {  	_ = 	snop  }
0x90: {  	s2 =	sld [smem:$0x3FD0];
	(tm) =	ssettm $0x1  }
0x91: {  	s18 =	sld [smem:$0x3FFB];
	_ =	sdelay $0x3  }
0x92: {  	_ =	strace s18  }
0x93: {  	s3 =	sld [smem:$0x3FFC];
	_ =	sdelay $0x3  }
0x94: {  	_ =	strace s3  }
0x95: {  	s3 =	sld [smem:$0x3FFD];
	_ =	sdelay $0x3  }
0x96: {  	_ =	strace s3  }
0x97: {  	_ =	strace $0x8FFFFFFF  }
0x98: {  	s19 =	sld [smem:$0x3FDB];
	_ =	sdelay $0x1  }
0x99: {  	s4 =	simm.s32 $_scs_section_size  }
0x9a: {  	s5 =	simm.s32 $_size__tile_overlayer_lowered;
	s6 =	simm.s32 $_tile_overlayer_lowered  }
0x9b: {  	s22 =	simm.s32 $0x1BFF;
	s21 =	sshll.u32 s6, $0x1;
	s3 =	sadd.s32 s4, s19  }
0x9c: {  	s7 =	simm.s32 $0x0;
	s20 =	sshll.u32 s5, $0x1;
	s5 =	sadd.s32 s21, s3  }
0x9d: {  	[timem:s7], [sflag:s22] =	dma.local [hbm:s5], s20  }
0x9e: {  	_ =	swait.ge [sflag:s22], s20  }
0x9f: {  	s4 =	ssub.s32 $0x0, s20;
	[sflag:s22] =	ssyncset.done $0x0  }
0xa0: {  	[sflag:s22] =	ssyncadd.s32 s4;
	_ =	sdelay $0x1  }
0xa1: {  	s23 =	simm.s32 $0x1B8B  }
0xa2: {  	_ =	swait.ge [sflag:s23], $0x1  }
0xa3: {  	[sflag:s23] =	ssyncset.done $0x0  }
0xa4: {  	s25 =	simm.s32 $0x1B8E;
	s24 =	sld [smem:$0x3FFE];
	[sflag:s23] =	ssyncadd.s32 $0xFFFFFFFF  }
0xa5: {  	s26 =	simm.s32 $execute0_lowered;
	[smem:$0x3FD2] =	sst s25  }
0xa6: {  	s5 =	sshll.u32 s26, $0x1;
	_ =	strace $0x8000004C;
	[dreg:$0x1] =	wrdreg $0xFFFFFFFF  }
0xa7: {  	s28 =	simm.s32 $_size_execute0_lowered;
	s3 =	sadd.s32 s3, s5;
	[dreg:$0x0] =	wrdreg $0x0  }
0xa8: {  	s5 =	sshll.u32 s28, $0x1;
	[dreg:$0x2] =	wrdreg s3  }
0xa9: {  	[dreg:$0x3] =	wrdreg s5  }
0xaa: {  	[dreg:$0x4] =	wrdreg $0xC0  }
0xab: {  	_ =	task [dreg:s7], $0x5FFFF  }
0xac: {  	[dreg:$0x1] =	wrdreg $0xFFFFFFFF  }
0xad: {  	[dreg:$0x0] =	wrdreg $0x60  }
0xae: {  	[dreg:$0x2] =	wrdreg s24  }
0xaf: {  	[dreg:$0x3] =	wrdreg s2  }
0xb0: {  	[dreg:$0x4] =	wrdreg $0xB0800  }
0xb1: {  	[dreg:$0x5] =	wrdreg $0x9  }
0xb2: {  	_ =	task.clear_ibuf [dreg:s7], $0x6FFFF;
	_ =	strace $0x9000004C  }
0xb3: {  	s29 =	simm.s32 $0x9;
	_ =	strace $0x8000004E  }
0xb4: {  	_ =	swait.ge [sflag:s29], $0x1  }
0xb5: {  	[sflag:s29] =	ssyncadd.s32 $0xFFFFFFFF  }
0xb6: {  	_ =	strace $0x9000004E  }
0xb7: {  	_ =	sfence  }
0xb8: {  	s30 =	sld [smem:$0x0];
	_ =	sdelay $0x2  }
0xb9: {  	s31 =	sshll.u32 s1, $0xD;
	s1 =	sshrl.u32 s1, $0x2  }
0xba: {  	s3 =	sand.u32 $0x4000, s31;
	s1 =	sadd.s32 s1, s30  }
0xbb: {  	s0 =	sor.u32 s3, s0;
	s1 =	sshll.u32 s1, $0x11  }
0xbc: {  	s0 =	sor.u32 s1, s0  }
0xbd: {  	s0 =	sadd.s32 $0x8F2B, s0  }
0xbe: {  	[sflag:s0] =	ssyncadd.remote.s32 $0x1  }
0xbf: {  	_ =	sfence.sel $0xFFFF  }
0xc0: {  	[dreg:$0x0] =	wrdreg $0xFFFFFFFF;
	(pc) =	sbr.abs _section_cstart, $3  }
0xc1: {  	[dreg:$0x1] =	wrdreg $0xFFFFFFFF  }
0xc2: {  	_ =	task.clear_ibuf [dreg:s7], $0x2FFFF;
	_ =	strace $0x9FFFFFFF  }
0xc3: {  	(tm) =	ssettm $0x7FFFFFFF  }
tec
execute0_lowered:
.L_overlay_start_1:
0x0: {  	(tag) =	ssettag $0x1  }
0x1: {  	s0 =	srdreg.scid  }
0x2: {  	s15 =	stileid.u32;
	s1 =	rddreg [dreg:$0x0]  }
0x3: {  	s8 =	rddreg [dreg:$0x1];
	s3 =	simm.s32 $0x0;
	s28 =	simm.s32 $0x2  }
0x4: {  	s29 =	simm.s32 $0x40;
	s30 =	simm.s32 $0x5080;
	s31 =	simm.s32 $0x1  }
0x5: {  	s0 =	sand.u32 $0x1, s0;
	s2 =	sshll.u32 s15, $0x1;
	[smem:$0x7FF] =	sst s3  }
0x6: {  	s11 =	smul.u32 $0x14000, s15;
	s4 =	sadd.s32 $0x37000, s1;
	s5 =	sadd.s32 $0x74A00, s1  }
0x7: {  	s6 =	sadd.s32 $0xC4A00, s1;
	s13 =	sadd.s32 $0x36A00, s1;
	s16 =	smul.u32 $0x50000, s15  }
0x8: {  	s9 =	sor.u32 s0, s2;
	s2 =	rddreg [dreg:$0x2];
	s7 =	smul.u32 $0x140000, s0  }
0x9: {  	_ =	strace $0x8000004D;
	s0 =	ssub.s32 $0x2, s0;
	s10 =	smul.u32 $0x500, s9  }
0xa: {  	s14 =	sshrl.u32 s0, $0x1;
	s18 =	sor.u32 $0x20, s9;
	s21 =	sshrl.u32 s16, $0x2  }
0xb: {  	s22 =	sshll.u32 s9, $0x3;
	s26 =	sor.u32 $0x40, s9;
	s20 =	sor.u32 $0x60, s9  }
0xc: {  	s11 =	sadd.s32 s11, s7;
	s7 =	sadd.s32 $0xEA00, s1;
	s0 =	ssub.s32 s0, s14  }
0xd: {  	s23 =	sshll.u32 s18, $0x3;
	s24 =	sadd.s32 s13, s22;
	s19 =	sshll.u32 s26, $0x3  }
0xe: {  	s22 =	sshll.u32 s20, $0x3;
	s12 =	sadd.s32 s10, s1;
	s11 =	sshrl.u32 s11, $0x3  }
0xf: {  	s8 =	sadd.s32 s8, s10;
	s10 =	sadd.s32 s21, s2;
	[dreg:$0x7] =	wrdreg s24  }
0x10: {  	s25 =	sadd.s32 s13, s23;
	s21 =	sor.u32 $0x80, s9;
	[dreg:$0x5] =	wrdreg s8  }
0x11: {  	s14 =	sadd.s32 s13, s19;
	s23 =	sadd.s32 s13, s22;
	[dreg:$0x6] =	wrdreg s10  }
0x12: {  	s9 =	sshll.u32 s9, $0xA;
	s24 =	sshll.u32 s26, $0xA;
	[dreg:$0x8] =	wrdreg s25  }
0x13: {  	s11 =	sadd.s32 s11, s1;
	s1 =	sadd.s32 $0x9CA00, s1;
	[dreg:$0x9] =	wrdreg s14  }
0x14: {  	s17 =	sadd.s32 $0x60A00, s12;
	s16 =	sshll.u32 s21, $0x3;
	[dreg:$0xa] =	wrdreg s23  }
0x15: {  	s8 =	sshll.u32 s18, $0xA;
	s25 =	sshll.u32 s20, $0xA;
	s26 =	sshll.u32 s21, $0xA  }
0x16: {  	s22 =	sadd.s32 $0x6AA00, s12;
	s23 =	sadd.s32 $0x4A00, s12;
	[dreg:$0x4] =	wrdreg s17  }
0x17: {  	s13 =	sadd.s32 s13, s16;
	s16 =	sadd.s32 $0xC7200, s11;
	s17 =	sadd.s32 s1, s9  }
0x18: {  	s18 =	sadd.s32 s1, s8;
	s19 =	sadd.s32 s1, s24;
	s20 =	sadd.s32 s1, s25  }
0x19: {  	s21 =	sadd.s32 s1, s26;
	s24 =	sadd.s32 $0x117200, s11;
	s25 =	smax.u32 s0, $0x1  }
0x1a: {  	s26 =	simm.s32 $0x5000;
	s1 =	simm.s32 $0x2800;
	s0 =	simm.s32 $0x7D  }
0x1b: {  	s8 =	simm.s32 $0x7080;
	s9 =	simm.s32 $0x0;
	[dreg:$0xb] =	wrdreg s13  }
.LBB2_1:
0x1c: {  	s10 =	rddreg [dreg:$0x7]  }
0x1d: {  	[tilespmem:s26], [sflag:$0x2] =	stream.linear.gather [hbm4b:s10+s3], $0x40, $0x38;
	[tilespmem:$0x1F080] =	vst v63  }
0x1e: {  	_ =	swait.ge [sflag:s28], $0x40  }
0x1f: {  	[sflag:s28] =	ssyncset.done $0x0  }
0x20: {  	[sflag:s28] =	ssyncadd.s32 $0xFFFFFFC0  }
0x21: {  	[tilespmem:s30], [sflag:$0x2] =	stream.indirect.gather [hbm4b:s7+s29], $0x80, s26, s29, $0xb8;
	[tilespmem:$0x1F080] =	vst v63  }
0x22: {  	_ =	swait.ge [sflag:s28], $0x2000  }
0x23: {  	[sflag:s28] =	ssyncset.done $0x0  }
0x24: {  	[sflag:s28] =	ssyncadd.s32 $0xFFFFE000  }
0x25: {  	[hbm4b:s17+s3] =	stream.linear.scatter [tilespmem:s30], [sflag:$0x1], $0x2000, $0x38;
	[tilespmem:$0x1F080] =	vst v63  }
0x26: {  	_ =	swait.ge [sflag:s31], $0x2000  }
0x27: {  	[sflag:s31] =	ssyncset.done $0x0  }
0x28: {  	s13 =	rddreg [dreg:$0x8];
	[sflag:s31] =	ssyncadd.s32 $0xFFFFE000  }
0x29: {  	[tilespmem:s26], [sflag:$0x2] =	stream.linear.gather [hbm4b:s13+s3], $0x40, $0x38;
	[tilespmem:$0x1F080] =	vst v63  }
0x2a: {  	_ =	swait.ge [sflag:s28], $0x40  }
0x2b: {  	[sflag:s28] =	ssyncset.done $0x0  }
0x2c: {  	[sflag:s28] =	ssyncadd.s32 $0xFFFFFFC0  }
0x2d: {  	[tilespmem:s30], [sflag:$0x2] =	stream.indirect.gather [hbm4b:s7+s29], $0x80, s26, s29, $0xb8;
	[tilespmem:$0x1F080] =	vst v63  }
0x2e: {  	_ =	swait.ge [sflag:s28], $0x2000  }
0x2f: {  	[sflag:s28] =	ssyncset.done $0x0  }
0x30: {  	[sflag:s28] =	ssyncadd.s32 $0xFFFFE000  }
0x31: {  	[hbm4b:s18+s3] =	stream.linear.scatter [tilespmem:s30], [sflag:$0x1], $0x2000, $0x38;
	[tilespmem:$0x1F080] =	vst v63  }
0x32: {  	_ =	swait.ge [sflag:s31], $0x2000  }
0x33: {  	[sflag:s31] =	ssyncset.done $0x0  }
0x34: {  	s14 =	rddreg [dreg:$0x9];
	[sflag:s31] =	ssyncadd.s32 $0xFFFFE000  }
0x35: {  	[tilespmem:s26], [sflag:$0x2] =	stream.linear.gather [hbm4b:s14+s3], $0x40, $0x38;
	[tilespmem:$0x1F080] =	vst v63  }
0x36: {  	_ =	swait.ge [sflag:s28], $0x40  }
0x37: {  	[sflag:s28] =	ssyncset.done $0x0  }
0x38: {  	[sflag:s28] =	ssyncadd.s32 $0xFFFFFFC0  }
0x39: {  	[tilespmem:s30], [sflag:$0x2] =	stream.indirect.gather [hbm4b:s7+s29], $0x80, s26, s29, $0xb8;
	[tilespmem:$0x1F080] =	vst v63  }
0x3a: {  	_ =	swait.ge [sflag:s28], $0x2000  }
0x3b: {  	[sflag:s28] =	ssyncset.done $0x0  }
0x3c: {  	[sflag:s28] =	ssyncadd.s32 $0xFFFFE000  }
0x3d: {  	[hbm4b:s19+s3] =	stream.linear.scatter [tilespmem:s30], [sflag:$0x1], $0x2000, $0x38;
	[tilespmem:$0x1F080] =	vst v63  }
0x3e: {  	_ =	swait.ge [sflag:s31], $0x2000  }
0x3f: {  	[sflag:s31] =	ssyncset.done $0x0  }
0x40: {  	s15 =	rddreg [dreg:$0xa];
	[sflag:s31] =	ssyncadd.s32 $0xFFFFE000  }
0x41: {  	[tilespmem:s26], [sflag:$0x2] =	stream.linear.gather [hbm4b:s15+s3], $0x40, $0x38;
	[tilespmem:$0x1F080] =	vst v63  }
0x42: {  	_ =	swait.ge [sflag:s28], $0x40  }
0x43: {  	[sflag:s28] =	ssyncset.done $0x0  }
0x44: {  	[sflag:s28] =	ssyncadd.s32 $0xFFFFFFC0  }
0x45: {  	[tilespmem:s30], [sflag:$0x2] =	stream.indirect.gather [hbm4b:s7+s29], $0x80, s26, s29, $0xb8;
	[tilespmem:$0x1F080] =	vst v63  }
0x46: {  	_ =	swait.ge [sflag:s28], $0x2000  }
0x47: {  	[sflag:s28] =	ssyncset.done $0x0  }
0x48: {  	[sflag:s28] =	ssyncadd.s32 $0xFFFFE000  }
0x49: {  	[hbm4b:s20+s3] =	stream.linear.scatter [tilespmem:s30], [sflag:$0x1], $0x2000, $0x38;
	[tilespmem:$0x1F080] =	vst v63  }
0x4a: {  	_ =	swait.ge [sflag:s31], $0x2000  }
0x4b: {  	[sflag:s31] =	ssyncset.done $0x0  }
0x4c: {  	s11 =	rddreg [dreg:$0xb];
	[sflag:s31] =	ssyncadd.s32 $0xFFFFE000  }
0x4d: {  	[tilespmem:s26], [sflag:$0x2] =	stream.linear.gather [hbm4b:s11+s3], $0x40, $0x38;
	[tilespmem:$0x1F080] =	vst v63  }
0x4e: {  	_ =	swait.ge [sflag:s28], $0x40  }
0x4f: {  	[sflag:s28] =	ssyncset.done $0x0  }
0x50: {  	[sflag:s28] =	ssyncadd.s32 $0xFFFFFFC0  }
0x51: {  	[tilespmem:s30], [sflag:$0x2] =	stream.indirect.gather [hbm4b:s7+s29], $0x80, s26, s29, $0xb8;
	[tilespmem:$0x1F080] =	vst v63  }
0x52: {  	_ =	swait.ge [sflag:s28], $0x2000  }
0x53: {  	[sflag:s28] =	ssyncset.done $0x0  }
0x54: {  	[sflag:s28] =	ssyncadd.s32 $0xFFFFE000  }
0x55: {  	[hbm4b:s21+s3] =	stream.linear.scatter [tilespmem:s30], [sflag:$0x1], $0x2000, $0x38;
	[tilespmem:$0x1F080] =	vst v63  }
0x56: {  	_ =	swait.ge [sflag:s31], $0x2000  }
0x57: {  	[sflag:s31] =	ssyncset.done $0x0  }
0x58: {  	s12 =	rddreg [dreg:$0x4];
	[sflag:s31] =	ssyncadd.s32 $0xFFFFE000  }
0x59: {  	[tilespmem:s3], [sflag:$0x1] =	stream.linear.gather [hbm4b:s12+s3], $0x2800, $0x38;
	[tilespmem:$0x1F080] =	vst v63  }
0x5a: {  	_ =	swait.ge [sflag:s31], $0x2800  }
0x5b: {  	[sflag:s31] =	ssyncset.done $0x0  }
0x5c: {  	s13 =	rddreg [dreg:$0x5];
	[sflag:s31] =	ssyncadd.s32 $0xFFFFD800  }
0x5d: {  	[tilespmem:s1], [sflag:$0x1] =	stream.linear.gather [hbm4b:s13+s3], $0x2800, $0x38;
	[tilespmem:$0x1F080] =	vst v63  }
0x5e: {  	s14 =	stileid.u32;
	_ =	swait.ge [sflag:s31], $0x2800  }
0x5f: {  	s10 =	sshll.u32 s14, $0x6;
	[sflag:s31] =	ssyncset.done $0x0;
	s11 =	rddreg [dreg:$0x6]  }
0x60: {  	s10 =	sor.u32 $0x1C01, s10;
	[sflag:s31] =	ssyncadd.s32 $0xFFFFD800;
	s11 =	sshrl.u32 s11, $0x3  }
0x61: {  	[spmem:s11], [sflag:s10] =	dma.local [hbm:s6], $0x2800  }
0x62: {  	_ =	swait.ge [sflag:s31], $0x2800  }
0x63: {  	[sflag:s31] =	ssyncset.done $0x0  }
0x64: {  	[sflag:s31] =	ssyncadd.s32 $0xFFFFD800  }
0x65: {  	s12 =	simm.s32 $0x0;
	[bflag:$0x0] =	sbarrier.arrive $0xFFFF  }
0x66: {  	[tilespmem:s8], [sflag:$0x1] =	stream.indirect.gather [hbm4b:s4+s0], $0x80, s12, s0, $0xb8;
	[tilespmem:$0x1F080] =	vst v63  }
0x67: {  	_ =	swait.ge [sflag:s31], $0x3E80  }
0x68: {  	[sflag:s31] =	ssyncset.done $0x0  }
0x69: {  	s15 =	simm.s32 $0x2800;
	[sflag:s31] =	ssyncadd.s32 $0xFFFFC180  }
0x6a: {  	[spmem:s2] =	stream.indirect.scatter.add.f32 [tilespmem:s8], [sflag:$0x1], $0x80, s15, s0, $0xb8;
	[tilespmem:$0x1F080] =	vst v63  }
0x6b: {  	_ =	swait.ge [sflag:s31], $0x3E80  }
0x6c: {  	s13 =	simm.s32 $0x400;
	s12 =	simm.s32 $0x200;
	[sflag:s31] =	ssyncset.done $0x0  }
.LBB2_2:
0x6d: {  	s14 =	sshra.s32 s12, $0x2  }
0x6e: {  	[sflag:s31] =	ssyncadd.s32 $0xFFFFC180;
	s12 =	smov.u32 s13;
	s15 =	sadd.s32 $0x200, s13  }
0x6f: {  	[tilespmem:s8], [sflag:$0x1] =	stream.indirect.gather [hbm4b:s4+s0], $0x80, s14, s0, $0xb8;
	[tilespmem:$0x1F080] =	vst v63  }
0x70: {  	p0 =	sne.s32 s13, $0x9E00;
	_ =	swait.ge [sflag:s31], $0x3E80  }
.Ltmp0:
0x71: {  	[sflag:s31] =	ssyncset.done $0x0;
	(pc) =	sbr.rel @p0 .LBB2_2-.Ltmp0, $4  }
0x72: {  	s13 =	sadd.s32 $0x2800, s14;
	[sflag:s31] =	ssyncadd.s32 $0xFFFFC180  }
0x73: {  	[spmem:s2] =	stream.indirect.scatter.add.f32 [tilespmem:s8], [sflag:$0x1], $0x80, s13, s0, $0xb8;
	[tilespmem:$0x1F080] =	vst v63  }
0x74: {  	_ =	swait.ge [sflag:s31], $0x3E80  }
0x75: {  	s13 =	smov.u32 s15;
	[sflag:s31] =	ssyncset.done $0x0  }
0x76: {  	s12 =	sshra.s32 s12, $0x2;
	[sflag:s31] =	ssyncadd.s32 $0xFFFFC180  }
0x77: {  	[tilespmem:s8], [sflag:$0x1] =	stream.indirect.gather [hbm4b:s4+s0], $0x80, s12, s0, $0xb8;
	[tilespmem:$0x1F080] =	vst v63  }
0x78: {  	_ =	swait.ge [sflag:s31], $0x3E80  }
0x79: {  	[sflag:s31] =	ssyncset.done $0x0  }
0x7a: {  	s12 =	sadd.s32 $0x2800, s12;
	[sflag:s31] =	ssyncadd.s32 $0xFFFFC180  }
0x7b: {  	[spmem:s2] =	stream.indirect.scatter.add.f32 [tilespmem:s8], [sflag:$0x1], $0x80, s12, s0, $0xb8;
	[tilespmem:$0x1F080] =	vst v63  }
0x7c: {  	_ =	swait.ge [sflag:s31], $0x3E80  }
0x7d: {  	[sflag:s31] =	ssyncset.done $0x0  }
0x7e: {  	[sflag:s31] =	ssyncadd.s32 $0xFFFFC180  }
0x7f: {  	[bflag:$0x0] =	sbarrier.arrive $0xFFFF  }
0x80: {  	[hbm:s16], [sflag:s10] =	dma.local [spmem:s11], $0x2800  }
0x81: {  	_ =	swait.ge [sflag:s31], $0x2800  }
0x82: {  	[sflag:s31] =	ssyncset.done $0x0  }
0x83: {  	s13 =	simm.s32 $0x0;
	[sflag:s31] =	ssyncadd.s32 $0xFFFFD800  }
0x84: {  	[tilespmem:s13], [sflag:$0x1] =	stream.linear.gather [hbm4b:s22+s13], $0x2800, $0x38;
	[tilespmem:$0x1F080] =	vst v63  }
0x85: {  	_ =	swait.ge [sflag:s31], $0x2800  }
0x86: {  	[sflag:s31] =	ssyncset.done $0x0  }
0x87: {  	[sflag:s31] =	ssyncadd.s32 $0xFFFFD800  }
0x88: {  	[tilespmem:s1], [sflag:$0x1] =	stream.linear.gather [hbm4b:s23+s13], $0x2800, $0x38;
	[tilespmem:$0x1F080] =	vst v63  }
0x89: {  	_ =	swait.ge [sflag:s31], $0x2800  }
0x8a: {  	[sflag:s31] =	ssyncset.done $0x0  }
0x8b: {  	[sflag:s31] =	ssyncadd.s32 $0xFFFFD800  }
0x8c: {  	[spmem:s11], [sflag:s10] =	dma.local [hbm:s6], $0x2800  }
0x8d: {  	_ =	swait.ge [sflag:s31], $0x2800  }
0x8e: {  	[sflag:s31] =	ssyncset.done $0x0  }
0x8f: {  	[sflag:s31] =	ssyncadd.s32 $0xFFFFD800  }
0x90: {  	s14 =	simm.s32 $0x0;
	[bflag:$0x0] =	sbarrier.arrive $0xFFFF  }
0x91: {  	[tilespmem:s8], [sflag:$0x1] =	stream.indirect.gather [hbm4b:s5+s0], $0x80, s14, s0, $0xb8;
	[tilespmem:$0x1F080] =	vst v63  }
0x92: {  	_ =	swait.ge [sflag:s31], $0x3E80  }
0x93: {  	[sflag:s31] =	ssyncset.done $0x0  }
0x94: {  	s15 =	simm.s32 $0x2800;
	[sflag:s31] =	ssyncadd.s32 $0xFFFFC180  }
0x95: {  	[spmem:s2] =	stream.indirect.scatter.add.f32 [tilespmem:s8], [sflag:$0x1], $0x80, s15, s0, $0xb8;
	[tilespmem:$0x1F080] =	vst v63  }
0x96: {  	_ =	swait.ge [sflag:s31], $0x3E80  }
0x97: {  	s12 =	simm.s32 $0x200;
	s13 =	simm.s32 $0x400;
	[sflag:s31] =	ssyncset.done $0x0  }
.LBB2_4:
0x98: {  	s14 =	sshra.s32 s12, $0x2  }
0x99: {  	[sflag:s31] =	ssyncadd.s32 $0xFFFFC180;
	s12 =	smov.u32 s13;
	s15 =	sadd.s32 $0x200, s13  }
0x9a: {  	[tilespmem:s8], [sflag:$0x1] =	stream.indirect.gather [hbm4b:s5+s0], $0x80, s14, s0, $0xb8;
	[tilespmem:$0x1F080] =	vst v63  }
0x9b: {  	p0 =	sne.s32 s13, $0x9E00;
	_ =	swait.ge [sflag:s31], $0x3E80  }
.Ltmp1:
0x9c: {  	[sflag:s31] =	ssyncset.done $0x0;
	(pc) =	sbr.rel @p0 .LBB2_4-.Ltmp1, $4  }
0x9d: {  	s13 =	sadd.s32 $0x2800, s14;
	[sflag:s31] =	ssyncadd.s32 $0xFFFFC180  }
0x9e: {  	[spmem:s2] =	stream.indirect.scatter.add.f32 [tilespmem:s8], [sflag:$0x1], $0x80, s13, s0, $0xb8;
	[tilespmem:$0x1F080] =	vst v63  }
0x9f: {  	_ =	swait.ge [sflag:s31], $0x3E80  }
0xa0: {  	s13 =	smov.u32 s15;
	[sflag:s31] =	ssyncset.done $0x0  }
0xa1: {  	s12 =	sshra.s32 s12, $0x2;
	[sflag:s31] =	ssyncadd.s32 $0xFFFFC180  }
0xa2: {  	[tilespmem:s8], [sflag:$0x1] =	stream.indirect.gather [hbm4b:s5+s0], $0x80, s12, s0, $0xb8;
	[tilespmem:$0x1F080] =	vst v63  }
0xa3: {  	_ =	swait.ge [sflag:s31], $0x3E80  }
0xa4: {  	[sflag:s31] =	ssyncset.done $0x0  }
0xa5: {  	s12 =	sadd.s32 $0x2800, s12;
	[sflag:s31] =	ssyncadd.s32 $0xFFFFC180  }
0xa6: {  	[spmem:s2] =	stream.indirect.scatter.add.f32 [tilespmem:s8], [sflag:$0x1], $0x80, s12, s0, $0xb8;
	[tilespmem:$0x1F080] =	vst v63  }
0xa7: {  	_ =	swait.ge [sflag:s31], $0x3E80  }
0xa8: {  	s9 =	sadd.s32 $0x1, s9;
	[sflag:s31] =	ssyncset.done $0x0  }
0xa9: {  	p0 =	sne.s32 s9, s25;
	[sflag:s31] =	ssyncadd.s32 $0xFFFFC180  }
.Ltmp2:
0xaa: {  	[bflag:$0x0] =	sbarrier.arrive $0xFFFF;
	(pc) =	sbr.rel @p0 .LBB2_1-.Ltmp2, $4  }
0xab: {  	[hbm:s24], [sflag:s10] =	dma.local [spmem:s11], $0x2800  }
0xac: {  	_ =	swait.ge [sflag:s31], $0x2800  }
0xad: {  	[sflag:s31] =	ssyncset.done $0x0  }
0xae: {  	[sflag:s31] =	ssyncadd.s32 $0xFFFFD800  }
0xaf: {  	_ =	sfence.sel $0x180000  }
0xb0: {  	[bflag:$0x0] =	sbarrier.arrive $0xFFFF  }
0xb1: {  	_ =	strace $0x9000004D  }
0xb2: {  	s0 =	stileid.u32;
	[bflag:$0x2] =	sbarrier.arrive $0xFFFF  }
0xb3: {  	p0 =	sne.s32 s0, $0x0;
	s0 =	rddreg [dreg:$0x3]  }
0xb4: {  	s0 =	sadd.s32 @!p0 $0x100000, s0  }
0xb5: {  	[sflag:s0] =	ssyncadd.tile.s32 @!p0 $0x1;
	_ =	shalt  }
.Lfunc_end2:
_tile_overlayer_lowered:
.L_overlay_start_2:
0xb6: {  	(tag) =	ssettag $0x2  }
0xb7: {  	s0 =	rddreg [dreg:$0x0];
	s2 =	stileid.u32  }
0xb8: {  	s1 =	rddreg [dreg:$0x1];
	p0 =	sne.s32 s2, $0x0  }
0xb9: {  	s3 =	rddreg [dreg:$0x2];
	[bflag:$0x3] =	sbarrier.arrive $0xFFFF;
	s2 =	simm.s32 @!p0 $0x1C01  }
0xba: {  	[timem:s3], [sflag:s2] =	dma.local @!p0 [hbm:s0], s1  }
0xbb: {  	s0 =	simm.s32 @!p0 $0x1  }
0xbc: {  	_ =	swait.ge @!p0 [sflag:s0], s1  }
0xbd: {  	s1 =	ssub.s32 @!p0 $0x0, s1;
	[sflag:s0] =	ssyncset.done @!p0 $0x0  }
0xbe: {  	[sflag:s0] =	ssyncadd.s32 @!p0 s1  }
0xbf: {  	[bflag:$0x3] =	sbarrier.arrive $0xFFFF  }
0xc0: {  	_ =	shalt  }

// kernel: kernel.9.cloned.1.call-start
scs
__scs_entry_jumppad:
0x0: {  	(pc) =	sbr.rel $0x88, $3  }
0x1: {  	(tag) =	ssettag $0x0;
	lr =	simm.s32 $0x1  }
0x2: {  	[smem:$0x3F96] =	sst lr;
	_ =	strace $0xD0000000  }
0x3: {  	_ = 	snop  }
0x4: {  	_ = 	snop  }
0x5: {  	_ = 	snop  }
0x6: {  	_ = 	snop  }
0x7: {  	_ = 	snop  }
__scs_overlays_trampoline_lowered:
0x8: {  	[smem:$0x3FA5] =	sst s0  }
0x9: {  	[smem:$0x3FA6] =	sst s1  }
0xa: {  	[smem:$0x3FA7] =	sst s2  }
0xb: {  	[smem:$0x3FA8] =	sst s3  }
0xc: {  	[smem:$0x3FA9] =	sst s4  }
0xd: {  	[smem:$0x3FAA] =	sst s5  }
0xe: {  	[smem:$0x3FAB] =	sst s6  }
0xf: {  	[smem:$0x3FAC] =	sst s7  }
0x10: {  	[smem:$0x3FAD] =	sst s8  }
0x11: {  	[smem:$0x3FAE] =	sst s9;
	s0 =	simm.s32 @!p0 $0x0  }
0x12: {  	s1 =	sld [smem:$0x3F94];
	s0 =	simm.s32 @p0 $0x1  }
0x13: {  	[smem:$0x3FAF] =	sst s0;
	s0 =	simm.s32 @!p1 $0x0  }
0x14: {  	s2 =	sld [smem:$0x3F93];
	s0 =	simm.s32 @p1 $0x1  }
0x15: {  	[smem:$0x3FB0] =	sst s0;
	s0 =	simm.s32 @!p2 $0x0  }
0x16: {  	s3 =	sld [smem:$0x3FDB];
	s0 =	simm.s32 @p2 $0x1  }
0x17: {  	s4 =	simm.s32 $0x1BF5;
	[smem:$0x3FB2] =	sst s0  }
0x18: {  	s0 =	sld [smem:$0x3F95];
	_ =	swait.ge [sflag:s4], $0x0  }
0x19: {  	s7 =	sld [smem:$0x3F96]  }
0x1a: {  	s8 =	sadd.s32 $0xFFFFE003, lr  }
0x1b: {  	s9 =	sadd.s32 $0xFFFFFEF7, lr;
	s5 =	simm.s32 $0xFFFFFFFF;
	p2 =	slt.u32 s8, $0xFFFFF086  }
0x1c: {  	p1 =	slt.u32 s9, $0xF7A;
	s5 =	simm.s32 @!p2 $0x0  }
0x1d: {  	s5 =	simm.s32 @p1 $0x1;
	p0 =	seq.s32 s7, s2  }
0x1e: {  	s7 =	smul.u32 @!p0 $0xF7A, s2;
	p2 =	seq.s32 @!p0 s5, $0x0  }
0x1f: {  	s9 =	smul.u32 $0xF7A, s1;
	s8 =	simm.s32 @!p0 $0x1BF5;
	p2 =	por !p2, p0  }
0x20: {  	[sflag:s8] =	ssyncset.s32 @!p0 $0xFFFFF086;
	s6 =	sadd.s32 @!p0 s3, s7;
	s7 =	simm.s32 @!p0 $0x108  }
0x21: {  	s3 =	sadd.s32 s3, s9;
	s6 =	sadd.s32 @!p0 $0x88, s6;
	s7 =	simm.s32 @p2 $0x1082  }
0x22: {  	[simem:s7], [sflag:s8] =	dma.local @!p0 [hbm:s6], $0xF7A  }
0x23: {  	s9 =	sor.u32 $0xD0000000, s2;
	s6 =	simm.s32 $0x108;
	_ =	swait.ge @!p0 [sflag:s8], $0x0  }
0x24: {  	s3 =	sadd.s32 $0x88, s3;
	s6 =	simm.s32 @!p1 $0x1082;
	[sflag:s4] =	ssyncset.s32 $0xFFFFF086  }
0x25: {  	[simem:s6], [sflag:s4] =	dma.local [hbm:s3], $0xF7A  }
0x26: {  	[smem:$0x3F96] =	sst s1;
	(tag) =	ssettag s2;
	_ =	strace s9  }
0x27: {  	s1 =	sld [smem:$0x3FA6]  }
0x28: {  	s2 =	sld [smem:$0x3FA7]  }
0x29: {  	s4 =	sld [smem:$0x3FA9]  }
0x2a: {  	p0 =	seq.s32 s5, $0x0;
	s5 =	sld [smem:$0x3FAA]  }
0x2b: {  	s6 =	sld [smem:$0x3FAB]  }
0x2c: {  	s7 =	sld [smem:$0x3FAC]  }
0x2d: {  	s3 =	simm.s32 $0x108;
	s8 =	sld [smem:$0x3FAD]  }
0x2e: {  	s3 =	simm.s32 @!p0 $0x1082;
	s9 =	sld [smem:$0x3FAE]  }
0x2f: {  	lr =	sadd.s32 s0, s3;
	s0 =	sld [smem:$0x3FA5]  }
0x30: {  	s3 =	sld [smem:$0x3FA8]  }
0x31: {  	[smem:$0x3FB1] =	sst s10  }
0x32: {  	s10 =	sld [smem:$0x3FAF];
	_ =	sdelay $0x3  }
0x33: {  	p0 =	seq.s32 s10, $0x1;
	s10 =	sld [smem:$0x3FB1];
	_ =	sdelay $0x3  }
0x34: {  	[smem:$0x3FB1] =	sst s10  }
0x35: {  	s10 =	sld [smem:$0x3FB0];
	_ =	sdelay $0x3  }
0x36: {  	p1 =	seq.s32 s10, $0x1;
	s10 =	sld [smem:$0x3FB1];
	_ =	sdelay $0x3  }
0x37: {  	[smem:$0x3FB1] =	sst s10  }
0x38: {  	s10 =	sld [smem:$0x3FB2]  }
0x39: {  	_ = 	snop;
	(pc) =	sbr.ind lr, $3  }
0x3a: {  	_ = 	snop  }
0x3b: {  	_ = 	snop  }
0x3c: {  	p2 =	seq.s32 s10, $0x1;
	s10 =	sld [smem:$0x3FB1]  }
0x3d: {  	_ =	shalt  }
0x3e: {  	_ =	shalt  }
0x3f: {  	_ =	shalt  }
0x40: {  	_ =	shalt  }
0x41: {  	_ =	shalt  }
0x42: {  	_ =	shalt  }
0x43: {  	_ =	shalt  }
0x44: {  	_ =	shalt  }
0x45: {  	_ =	shalt  }
0x46: {  	_ =	shalt  }
0x47: {  	_ =	shalt  }
0x48: {  	_ =	shalt  }
0x49: {  	_ =	shalt  }
0x4a: {  	_ =	shalt  }
0x4b: {  	_ =	shalt  }
0x4c: {  	_ =	shalt  }
0x4d: {  	_ =	shalt  }
0x4e: {  	_ =	shalt  }
0x4f: {  	_ =	shalt  }
0x50: {  	_ =	shalt  }
0x51: {  	_ =	shalt  }
0x52: {  	_ =	shalt  }
0x53: {  	_ =	shalt  }
0x54: {  	_ =	shalt  }
0x55: {  	_ =	shalt  }
0x56: {  	_ =	shalt  }
0x57: {  	_ =	shalt  }
0x58: {  	_ =	shalt  }
0x59: {  	_ =	shalt  }
0x5a: {  	_ =	shalt  }
0x5b: {  	_ =	shalt  }
0x5c: {  	_ =	shalt  }
0x5d: {  	_ =	shalt  }
0x5e: {  	_ =	shalt  }
0x5f: {  	_ =	shalt  }
0x60: {  	_ =	shalt  }
0x61: {  	_ =	shalt  }
0x62: {  	_ =	shalt  }
0x63: {  	_ =	shalt  }
0x64: {  	_ =	shalt  }
0x65: {  	_ =	shalt  }
0x66: {  	_ =	shalt  }
0x67: {  	_ =	shalt  }
0x68: {  	_ =	shalt  }
0x69: {  	_ =	shalt  }
0x6a: {  	_ =	shalt  }
0x6b: {  	_ =	shalt  }
0x6c: {  	_ =	shalt  }
0x6d: {  	_ =	shalt  }
0x6e: {  	_ =	shalt  }
0x6f: {  	_ =	shalt  }
0x70: {  	_ =	shalt  }
0x71: {  	_ =	shalt  }
0x72: {  	_ =	shalt  }
0x73: {  	_ =	shalt  }
0x74: {  	_ =	shalt  }
0x75: {  	_ =	shalt  }
0x76: {  	_ =	shalt  }
0x77: {  	_ =	shalt  }
0x78: {  	_ =	shalt  }
0x79: {  	_ =	shalt  }
0x7a: {  	_ =	shalt  }
0x7b: {  	_ =	shalt  }
0x7c: {  	_ =	shalt  }
0x7d: {  	_ =	shalt  }
0x7e: {  	_ =	shalt  }
0x7f: {  	_ =	shalt  }
0x80: {  	_ =	shalt  }
0x81: {  	_ =	shalt  }
0x82: {  	_ =	shalt  }
0x83: {  	_ =	shalt  }
0x84: {  	_ =	shalt  }
0x85: {  	_ =	shalt  }
0x86: {  	_ =	shalt  }
0x87: {  	_ =	shalt  }
.Lfunc_end0:
.L_simem_size_0:
called_computation_lowered:
.L_overlay_start_0:
0x88: {  	s2 =	sld [smem:$0x3FD9]  }
0x89: {  	s3 =	sld [smem:$0x3FFE];
	_ =	sdelay $0x1  }
0x8a: {  	s1 =	srdreg.scid  }
0x8b: {  	s0 =	sand.u32 $0x1, s1  }
0x8c: {  	s17 =	sshll.u32 s0, $0xA;
	s2 =	sadd.s32 s3, s2  }
0x8d: {  	s2 =	sadd.s32 s2, s17  }
0x8e: {  	[smem:$0x3FBD] =	sst s2  }
0x8f: {  	_ = 	snop  }
0x90: {  	s2 =	sld [smem:$0x3FD0];
	(tm) =	ssettm $0x1  }
0x91: {  	s18 =	sld [smem:$0x3FFB];
	_ =	sdelay $0x3  }
0x92: {  	_ =	strace s18  }
0x93: {  	s3 =	sld [smem:$0x3FFC];
	_ =	sdelay $0x3  }
0x94: {  	_ =	strace s3  }
0x95: {  	s3 =	sld [smem:$0x3FFD];
	_ =	sdelay $0x3  }
0x96: {  	_ =	strace s3  }
0x97: {  	_ =	strace $0x8FFFFFFF  }
0x98: {  	s19 =	sld [smem:$0x3FDB];
	_ =	sdelay $0x1  }
0x99: {  	s4 =	simm.s32 $_scs_section_size  }
0x9a: {  	s5 =	simm.s32 $_size__tile_overlayer_lowered;
	s6 =	simm.s32 $_tile_overlayer_lowered  }
0x9b: {  	s22 =	simm.s32 $0x1BFF;
	s21 =	sshll.u32 s6, $0x1;
	s3 =	sadd.s32 s4, s19  }
0x9c: {  	s7 =	simm.s32 $0x0;
	s20 =	sshll.u32 s5, $0x1;
	s5 =	sadd.s32 s21, s3  }
0x9d: {  	[timem:s7], [sflag:s22] =	dma.local [hbm:s5], s20  }
0x9e: {  	_ =	swait.ge [sflag:s22], s20  }
0x9f: {  	s4 =	ssub.s32 $0x0, s20;
	[sflag:s22] =	ssyncset.done $0x0  }
0xa0: {  	[sflag:s22] =	ssyncadd.s32 s4;
	_ =	sdelay $0x1  }
0xa1: {  	s23 =	simm.s32 $0x1B8B  }
0xa2: {  	_ =	swait.ge [sflag:s23], $0x1  }
0xa3: {  	[sflag:s23] =	ssyncset.done $0x0  }
0xa4: {  	s25 =	simm.s32 $0x1B8E;
	s24 =	sld [smem:$0x3FFE];
	[sflag:s23] =	ssyncadd.s32 $0xFFFFFFFF  }
0xa5: {  	s26 =	simm.s32 $execute0_lowered;
	[smem:$0x3FD2] =	sst s25  }
0xa6: {  	s5 =	sshll.u32 s26, $0x1;
	_ =	strace $0x80000046;
	[dreg:$0x1] =	wrdreg $0xFFFFFFFF  }
0xa7: {  	s28 =	simm.s32 $_size_execute0_lowered;
	s3 =	sadd.s32 s3, s5;
	[dreg:$0x0] =	wrdreg $0x0  }
0xa8: {  	s5 =	sshll.u32 s28, $0x1;
	[dreg:$0x2] =	wrdreg s3  }
0xa9: {  	[dreg:$0x3] =	wrdreg s5  }
0xaa: {  	[dreg:$0x4] =	wrdreg $0xC0  }
0xab: {  	_ =	task [dreg:s7], $0x5FFFF  }
0xac: {  	[dreg:$0x1] =	wrdreg $0xFFFFFFFF  }
0xad: {  	[dreg:$0x0] =	wrdreg $0x60  }
0xae: {  	[dreg:$0x2] =	wrdreg s24  }
0xaf: {  	[dreg:$0x3] =	wrdreg s2  }
0xb0: {  	[dreg:$0x4] =	wrdreg $0x71000  }
0xb1: {  	[dreg:$0x5] =	wrdreg $0x73800  }
0xb2: {  	[dreg:$0x6] =	wrdreg $0x9  }
0xb3: {  	_ =	task.clear_ibuf [dreg:s7], $0x7FFFF;
	_ =	strace $0x90000046  }
0xb4: {  	s29 =	simm.s32 $0x9;
	_ =	strace $0x80000048  }
0xb5: {  	_ =	swait.ge [sflag:s29], $0x1  }
0xb6: {  	[sflag:s29] =	ssyncadd.s32 $0xFFFFFFFF  }
0xb7: {  	_ =	strace $0x90000048  }
0xb8: {  	_ =	sfence  }
0xb9: {  	s30 =	sld [smem:$0x0];
	_ =	sdelay $0x2  }
0xba: {  	s31 =	sshll.u32 s1, $0xD;
	s1 =	sshrl.u32 s1, $0x2  }
0xbb: {  	s3 =	sand.u32 $0x4000, s31;
	s1 =	sadd.s32 s1, s30  }
0xbc: {  	s0 =	sor.u32 s3, s0;
	s1 =	sshll.u32 s1, $0x11  }
0xbd: {  	s0 =	sor.u32 s1, s0  }
0xbe: {  	s0 =	sadd.s32 $0x8F2B, s0  }
0xbf: {  	[sflag:s0] =	ssyncadd.remote.s32 $0x1  }
0xc0: {  	_ =	sfence.sel $0xFFFF  }
0xc1: {  	[dreg:$0x0] =	wrdreg $0xFFFFFFFF;
	(pc) =	sbr.abs _section_cstart, $3  }
0xc2: {  	[dreg:$0x1] =	wrdreg $0xFFFFFFFF  }
0xc3: {  	_ =	task.clear_ibuf [dreg:s7], $0x2FFFF;
	_ =	strace $0x9FFFFFFF  }
0xc4: {  	(tm) =	ssettm $0x7FFFFFFF  }
0xc5: {  	_ =	shalt  }
tec
execute0_lowered:
.L_overlay_start_1:
0x0: {  	(tag) =	ssettag $0x1  }
0x1: {  	s0 =	rddreg [dreg:$0x0]  }
0x2: {  	s1 =	rddreg [dreg:$0x1]  }
0x3: {  	s2 =	rddreg [dreg:$0x2]  }
0x4: {  	s3 =	rddreg [dreg:$0x3]  }
0x5: {  	s5 =	srdreg.scid;
	s15 =	stileid.u32  }
0x6: {  	s4 =	simm.s32 $0x0;
	s28 =	simm.s32 $0x7080;
	s29 =	simm.s32 $0x7D  }
0x7: {  	s30 =	simm.s32 $0x5000;
	s31 =	simm.s32 $0x2;
	s6 =	sand.u32 $0x1, s5  }
0x8: {  	s17 =	sshll.u32 s15, $0x1;
	[smem:$0x7FF] =	sst s4;
	s5 =	sadd.s32 $0xEA00, s0  }
0x9: {  	s10 =	sadd.s32 $0x36A00, s0;
	s11 =	smul.u32 $0x500, s15;
	s7 =	sadd.s32 $0x37200, s0  }
0xa: {  	s18 =	smul.u32 $0x280, s15;
	s8 =	sor.u32 s6, s17;
	_ =	strace $0x80000047  }
0xb: {  	[dreg:$0x5] =	wrdreg s7;
	s13 =	sshll.u32 s6, $0x7;
	s7 =	sadd.s32 $0x37000, s0  }
0xc: {  	s6 =	ssub.s32 $0x2, s6;
	s9 =	smul.u32 $0x500, s8;
	s11 =	sor.u32 s13, s11  }
0xd: {  	s13 =	sadd.s32 $0x37400, s0;
	s14 =	sshrl.u32 s6, $0x1;
	s20 =	sadd.s32 s18, s2  }
0xe: {  	s21 =	sshll.u32 s8, $0x3;
	s24 =	sor.u32 $0x40, s8;
	s25 =	sor.u32 $0x60, s8  }
0xf: {  	s26 =	sor.u32 $0x80, s8;
	s11 =	sshrl.u32 s11, $0x3;
	s6 =	ssub.s32 s6, s14  }
0x10: {  	[dreg:$0x8] =	wrdreg s20;
	s20 =	sshll.u32 s25, $0x3;
	s16 =	sshll.u32 s26, $0x3  }
0x11: {  	s25 =	sshll.u32 s25, $0xA;
	s12 =	sadd.s32 s9, s0;
	s1 =	sadd.s32 s1, s9  }
0x12: {  	s0 =	sadd.s32 s11, s0;
	s11 =	sadd.s32 s18, s3;
	[dreg:$0x6] =	wrdreg s1  }
0x13: {  	s26 =	sshll.u32 s26, $0xA;
	s9 =	sadd.s32 s10, s21;
	[dreg:$0x9] =	wrdreg s11  }
0x14: {  	s21 =	sadd.s32 s10, s20;
	s16 =	sadd.s32 s10, s16;
	[dreg:$0xa] =	wrdreg s9  }
0x15: {  	s19 =	sadd.s32 $0x4A00, s12;
	s1 =	sor.u32 $0x20, s8;
	[dreg:$0xd] =	wrdreg s21  }
0x16: {  	s17 =	sadd.s32 $0x5F400, s0;
	s18 =	sadd.s32 $0x5FE00, s0;
	s0 =	simm.s32 $0x40  }
0x17: {  	[dreg:$0x7] =	wrdreg s19;
	s22 =	sshll.u32 s1, $0x3;
	s19 =	sshll.u32 s24, $0x3  }
0x18: {  	s24 =	sshll.u32 s24, $0xA;
	s23 =	sadd.s32 s10, s22;
	s14 =	sadd.s32 s10, s19  }
0x19: {  	s22 =	sshll.u32 s8, $0xA;
	s19 =	smax.u32 s6, $0x1;
	[dreg:$0xb] =	wrdreg s23  }
0x1a: {  	s6 =	simm.s32 $0x10;
	s8 =	simm.s32 $0x0;
	[dreg:$0xc] =	wrdreg s14  }
0x1b: {  	s20 =	sadd.s32 s13, s22;
	s23 =	sshll.u32 s1, $0xA;
	s22 =	sadd.s32 s13, s24  }
0x1c: {  	s24 =	sadd.s32 s13, s26;
	s1 =	simm.s32 $0x5080;
	s26 =	simm.s32 $0x20  }
0x1d: {  	s21 =	sadd.s32 s13, s23;
	s23 =	sadd.s32 s13, s25;
	s25 =	simm.s32 $0x1  }
.LBB2_1:
0x1e: {  	s9 =	rddreg [dreg:$0x6]  }
0x1f: {  	[tilespmem:s4], [sflag:$0x1] =	stream.linear.gather [hbm4b:s9+s4], $0x2800, $0x38;
	[tilespmem:$0x7600] =	vst v63  }
0x20: {  	_ =	swait.ge [sflag:s25], $0x2800  }
0x21: {  	[sflag:s25] =	ssyncset.done $0x0  }
0x22: {  	s10 =	simm.s32 $0x2800;
	s11 =	rddreg [dreg:$0x7];
	[sflag:s25] =	ssyncadd.s32 $0xFFFFD800  }
0x23: {  	[tilespmem:s10], [sflag:$0x1] =	stream.linear.gather [hbm4b:s11+s4], $0x2800, $0x38;
	[tilespmem:$0x7600] =	vst v63  }
0x24: {  	_ =	swait.ge [sflag:s25], $0x2800  }
0x25: {  	[sflag:s25] =	ssyncset.done $0x0  }
0x26: {  	s12 =	rddreg [dreg:$0x5];
	[sflag:s25] =	ssyncadd.s32 $0xFFFFD800  }
0x27: {  	[tilespmem:s28], [sflag:$0x1] =	stream.linear.gather [hbm4b:s12+s4], $0x80, $0x38;
	[tilespmem:$0x7600] =	vst v63  }
0x28: {  	s13 =	stileid.u32;
	_ =	swait.ge [sflag:s25], $0x80  }
0x29: {  	s9 =	sshll.u32 s13, $0x6;
	[sflag:s25] =	ssyncset.done $0x0;
	s14 =	rddreg [dreg:$0x8]  }
0x2a: {  	s9 =	sor.u32 $0x1C01, s9;
	[sflag:s25] =	ssyncadd.s32 $0xFFFFFF80;
	s10 =	sshrl.u32 s14, $0x3  }
0x2b: {  	[spmem:s10], [sflag:s9] =	dma.local [hbm:s7], $0x50  }
0x2c: {  	_ =	swait.ge [sflag:s25], $0x50  }
0x2d: {  	[sflag:s25] =	ssyncset.done $0x0;
	s11 =	rddreg [dreg:$0x9]  }
0x2e: {  	[sflag:s25] =	ssyncadd.s32 $0xFFFFFFB0;
	s11 =	sshrl.u32 s11, $0x3  }
0x2f: {  	[spmem:s11], [sflag:s9] =	dma.local [hbm:s7], $0x50  }
0x30: {  	_ =	swait.ge [sflag:s25], $0x50  }
0x31: {  	[sflag:s25] =	ssyncset.done $0x0  }
0x32: {  	[sflag:s25] =	ssyncadd.s32 $0xFFFFFFB0  }
0x33: {  	s12 =	simm.s32 $0x0;
	[bflag:$0x0] =	sbarrier.arrive $0xFFFF  }
0x34: {  	[spmem:s2] =	stream.indirect.scatter.add.f32 [tilespmem:s28], [sflag:$0x1], $0x1, s12, s29, $0xb8;
	[tilespmem:$0x7600] =	vst v63  }
0x35: {  	_ =	swait.ge [sflag:s25], $0x7D  }
0x36: {  	[sflag:s25] =	ssyncset.done $0x0  }
0x37: {  	s15 =	simm.s32 $0x2800;
	[sflag:s25] =	ssyncadd.s32 $0xFFFFFF83  }
0x38: {  	[spmem:s3] =	stream.indirect.scatter.add.f32 [tilespmem:s28], [sflag:$0x1], $0x1, s15, s29, $0xb8;
	[tilespmem:$0x7600] =	vst v63  }
0x39: {  	_ =	swait.ge [sflag:s25], $0x7D  }
0x3a: {  	s13 =	simm.s32 $0x400;
	s12 =	simm.s32 $0x200;
	[sflag:s25] =	ssyncset.done $0x0  }
.LBB2_2:
0x3b: {  	s14 =	sshra.s32 s12, $0x2  }
0x3c: {  	[sflag:s25] =	ssyncadd.s32 $0xFFFFFF83;
	s12 =	smov.u32 s13;
	s15 =	sadd.s32 $0x200, s13  }
0x3d: {  	[spmem:s2] =	stream.indirect.scatter.add.f32 [tilespmem:s28], [sflag:$0x1], $0x1, s14, s29, $0xb8;
	[tilespmem:$0x7600] =	vst v63  }
0x3e: {  	p0 =	seq.s32 s13, $0x9E00;
	_ =	swait.ge [sflag:s25], $0x7D  }
.Ltmp0:
0x3f: {  	[sflag:s25] =	ssyncset.done $0x0;
	(pc) =	sbr.rel @!p0 .LBB2_2-.Ltmp0, $4  }
0x40: {  	s13 =	sadd.s32 $0x2800, s14;
	[sflag:s25] =	ssyncadd.s32 $0xFFFFFF83  }
0x41: {  	[spmem:s3] =	stream.indirect.scatter.add.f32 [tilespmem:s28], [sflag:$0x1], $0x1, s13, s29, $0xb8;
	[tilespmem:$0x7600] =	vst v63  }
0x42: {  	_ =	swait.ge [sflag:s25], $0x7D  }
0x43: {  	s13 =	smov.u32 s15;
	[sflag:s25] =	ssyncset.done $0x0  }
0x44: {  	s12 =	sshra.s32 s12, $0x2;
	[sflag:s25] =	ssyncadd.s32 $0xFFFFFF83  }
0x45: {  	[spmem:s2] =	stream.indirect.scatter.add.f32 [tilespmem:s28], [sflag:$0x1], $0x1, s12, s29, $0xb8;
	[tilespmem:$0x7600] =	vst v63  }
0x46: {  	_ =	swait.ge [sflag:s25], $0x7D  }
0x47: {  	[sflag:s25] =	ssyncset.done $0x0  }
0x48: {  	s12 =	sadd.s32 $0x2800, s12;
	[sflag:s25] =	ssyncadd.s32 $0xFFFFFF83  }
0x49: {  	[spmem:s3] =	stream.indirect.scatter.add.f32 [tilespmem:s28], [sflag:$0x1], $0x1, s12, s29, $0xb8;
	[tilespmem:$0x7600] =	vst v63  }
0x4a: {  	_ =	swait.ge [sflag:s25], $0x7D  }
0x4b: {  	[sflag:s25] =	ssyncset.done $0x0  }
0x4c: {  	s15 =	rddreg [dreg:$0xa];
	[sflag:s25] =	ssyncadd.s32 $0xFFFFFF83  }
0x4d: {  	[tilespmem:s30], [sflag:$0x2] =	stream.linear.gather [hbm4b:s15+s4], $0x40, $0x38;
	[tilespmem:$0x7600] =	vst v63  }
0x4e: {  	_ =	swait.ge [sflag:s31], $0x40  }
0x4f: {  	[sflag:s31] =	ssyncset.done $0x0  }
0x50: {  	[sflag:s31] =	ssyncadd.s32 $0xFFFFFFC0  }
0x51: {  	[tilespmem:s1], [sflag:$0x2] =	stream.indirect.gather [hbm4b:s5+s0], $0x80, s30, s0, $0xb8;
	[tilespmem:$0x7600] =	vst v63  }
0x52: {  	_ =	swait.ge [sflag:s31], $0x2000  }
0x53: {  	[sflag:s31] =	ssyncset.done $0x0  }
0x54: {  	[sflag:s31] =	ssyncadd.s32 $0xFFFFE000  }
0x55: {  	[hbm4b:s20+s4] =	stream.linear.scatter [tilespmem:s1], [sflag:$0x1], $0x2000, $0x38;
	[tilespmem:$0x7600] =	vst v63  }
0x56: {  	_ =	swait.ge [sflag:s25], $0x2000  }
0x57: {  	[sflag:s25] =	ssyncset.done $0x0  }
0x58: {  	s13 =	rddreg [dreg:$0xb];
	[sflag:s25] =	ssyncadd.s32 $0xFFFFE000  }
0x59: {  	[tilespmem:s30], [sflag:$0x2] =	stream.linear.gather [hbm4b:s13+s4], $0x40, $0x38;
	[tilespmem:$0x7600] =	vst v63  }
0x5a: {  	_ =	swait.ge [sflag:s31], $0x40  }
0x5b: {  	[sflag:s31] =	ssyncset.done $0x0  }
0x5c: {  	[sflag:s31] =	ssyncadd.s32 $0xFFFFFFC0  }
0x5d: {  	[tilespmem:s1], [sflag:$0x2] =	stream.indirect.gather [hbm4b:s5+s0], $0x80, s30, s0, $0xb8;
	[tilespmem:$0x7600] =	vst v63  }
0x5e: {  	_ =	swait.ge [sflag:s31], $0x2000  }
0x5f: {  	[sflag:s31] =	ssyncset.done $0x0  }
0x60: {  	[sflag:s31] =	ssyncadd.s32 $0xFFFFE000  }
0x61: {  	[hbm4b:s21+s4] =	stream.linear.scatter [tilespmem:s1], [sflag:$0x1], $0x2000, $0x38;
	[tilespmem:$0x7600] =	vst v63  }
0x62: {  	_ =	swait.ge [sflag:s25], $0x2000  }
0x63: {  	[sflag:s25] =	ssyncset.done $0x0  }
0x64: {  	s14 =	rddreg [dreg:$0xc];
	[sflag:s25] =	ssyncadd.s32 $0xFFFFE000  }
0x65: {  	[tilespmem:s30], [sflag:$0x2] =	stream.linear.gather [hbm4b:s14+s4], $0x40, $0x38;
	[tilespmem:$0x7600] =	vst v63  }
0x66: {  	_ =	swait.ge [sflag:s31], $0x40  }
0x67: {  	[sflag:s31] =	ssyncset.done $0x0  }
0x68: {  	[sflag:s31] =	ssyncadd.s32 $0xFFFFFFC0  }
0x69: {  	[tilespmem:s1], [sflag:$0x2] =	stream.indirect.gather [hbm4b:s5+s0], $0x80, s30, s0, $0xb8;
	[tilespmem:$0x7600] =	vst v63  }
0x6a: {  	_ =	swait.ge [sflag:s31], $0x2000  }
0x6b: {  	[sflag:s31] =	ssyncset.done $0x0  }
0x6c: {  	[sflag:s31] =	ssyncadd.s32 $0xFFFFE000  }
0x6d: {  	[hbm4b:s22+s4] =	stream.linear.scatter [tilespmem:s1], [sflag:$0x1], $0x2000, $0x38;
	[tilespmem:$0x7600] =	vst v63  }
0x6e: {  	_ =	swait.ge [sflag:s25], $0x2000  }
0x6f: {  	[sflag:s25] =	ssyncset.done $0x0  }
0x70: {  	s15 =	rddreg [dreg:$0xd];
	[sflag:s25] =	ssyncadd.s32 $0xFFFFE000  }
0x71: {  	[tilespmem:s30], [sflag:$0x2] =	stream.linear.gather [hbm4b:s15+s4], $0x40, $0x38;
	[tilespmem:$0x7600] =	vst v63  }
0x72: {  	_ =	swait.ge [sflag:s31], $0x40  }
0x73: {  	[sflag:s31] =	ssyncset.done $0x0  }
0x74: {  	[sflag:s31] =	ssyncadd.s32 $0xFFFFFFC0  }
0x75: {  	[tilespmem:s1], [sflag:$0x2] =	stream.indirect.gather [hbm4b:s5+s0], $0x80, s30, s0, $0xb8;
	[tilespmem:$0x7600] =	vst v63  }
0x76: {  	_ =	swait.ge [sflag:s31], $0x2000  }
0x77: {  	[sflag:s31] =	ssyncset.done $0x0  }
0x78: {  	[sflag:s31] =	ssyncadd.s32 $0xFFFFE000  }
0x79: {  	[hbm4b:s23+s4] =	stream.linear.scatter [tilespmem:s1], [sflag:$0x1], $0x2000, $0x38;
	[tilespmem:$0x7600] =	vst v63  }
0x7a: {  	_ =	swait.ge [sflag:s25], $0x2000  }
0x7b: {  	[sflag:s25] =	ssyncset.done $0x0  }
0x7c: {  	[sflag:s25] =	ssyncadd.s32 $0xFFFFE000  }
0x7d: {  	[tilespmem:s30], [sflag:$0x2] =	stream.linear.gather [hbm4b:s16+s4], $0x40, $0x38;
	[tilespmem:$0x7600] =	vst v63  }
0x7e: {  	_ =	swait.ge [sflag:s31], $0x40  }
0x7f: {  	[sflag:s31] =	ssyncset.done $0x0  }
0x80: {  	[sflag:s31] =	ssyncadd.s32 $0xFFFFFFC0  }
0x81: {  	[tilespmem:s1], [sflag:$0x2] =	stream.indirect.gather [hbm4b:s5+s0], $0x80, s30, s0, $0xb8;
	[tilespmem:$0x7600] =	vst v63  }
0x82: {  	_ =	swait.ge [sflag:s31], $0x2000  }
0x83: {  	[sflag:s31] =	ssyncset.done $0x0  }
0x84: {  	[sflag:s31] =	ssyncadd.s32 $0xFFFFE000  }
0x85: {  	[hbm4b:s24+s4] =	stream.linear.scatter [tilespmem:s1], [sflag:$0x1], $0x2000, $0x38;
	[tilespmem:$0x7600] =	vst v63  }
0x86: {  	_ =	swait.ge [sflag:s25], $0x2000  }
0x87: {  	[sflag:s25] =	ssyncset.done $0x0  }
0x88: {  	[sflag:s25] =	ssyncadd.s32 $0xFFFFE000  }
0x89: {  	[bflag:$0x0] =	sbarrier.arrive $0xFFFF  }
0x8a: {  	[hbm:s17@s26], [sflag:s9] =	dma.strided [spmem:s10@s6], $0x50, s25, $0x10   }
0x8b: {  	s8 =	sadd.s32 $0x1, s8;
	_ =	swait.ge [sflag:s25], $0x50  }
0x8c: {  	p0 =	seq.s32 s8, s19;
	[sflag:s25] =	ssyncset.done $0x0  }
.Ltmp1:
0x8d: {  	[sflag:s25] =	ssyncadd.s32 $0xFFFFFFB0;
	(pc) =	sbr.rel @!p0 .LBB2_1-.Ltmp1, $4  }
0x8e: {  	[hbm:s18@s26], [sflag:s9] =	dma.strided [spmem:s11@s6], $0x50, s25, $0x10   }
0x8f: {  	_ =	swait.ge [sflag:s25], $0x50  }
0x90: {  	[sflag:s25] =	ssyncset.done $0x0  }
0x91: {  	[sflag:s25] =	ssyncadd.s32 $0xFFFFFFB0  }
0x92: {  	_ =	sfence.sel $0x180000  }
0x93: {  	[bflag:$0x0] =	sbarrier.arrive $0xFFFF  }
0x94: {  	_ =	strace $0x90000047  }
0x95: {  	s0 =	stileid.u32;
	[bflag:$0x2] =	sbarrier.arrive $0xFFFF  }
0x96: {  	p0 =	sne.s32 s0, $0x0;
	s0 =	rddreg [dreg:$0x4]  }
0x97: {  	s0 =	sadd.s32 @!p0 $0x100000, s0  }
0x98: {  	[sflag:s0] =	ssyncadd.tile.s32 @!p0 $0x1;
	_ =	shalt  }
.Lfunc_end2:
_tile_overlayer_lowered:
.L_overlay_start_2:
0x99: {  	(tag) =	ssettag $0x2  }
0x9a: {  	s0 =	rddreg [dreg:$0x0];
	s2 =	stileid.u32  }
0x9b: {  	s1 =	rddreg [dreg:$0x1];
	p0 =	sne.s32 s2, $0x0  }
0x9c: {  	s3 =	rddreg [dreg:$0x2];
	[bflag:$0x3] =	sbarrier.arrive $0xFFFF;
	s2 =	simm.s32 @!p0 $0x1C01  }
0x9d: {  	[timem:s3], [sflag:s2] =	dma.local @!p0 [hbm:s0], s1  }
0x9e: {  	s0 =	simm.s32 @!p0 $0x1  }
0x9f: {  	_ =	swait.ge @!p0 [sflag:s0], s1  }
0xa0: {  	s1 =	ssub.s32 @!p0 $0x0, s1;
	[sflag:s0] =	ssyncset.done @!p0 $0x0  }
0xa1: {  	[sflag:s0] =	ssyncadd.s32 @!p0 s1  }
0xa2: {  	[bflag:$0x3] =	sbarrier.arrive $0xFFFF  }
0xa3: {  	_ =	shalt  }

</sc_bundles>
